<compile_context>
chip_gen: v7x
topology: tpu7x:2x2x1
jax: 0.10.2.dev20260603
libtpu: 0.0.44.dev20260713+nightly
codegen_flags: <defaults>
</compile_context>

<pallas_src>
import functools

import jax
import jax.numpy as jnp
from jax import lax
from jax.experimental import pallas as pl
from jax.experimental.pallas import tpu as pltpu
from jax.experimental.pallas import tpu_sc as plsc

_N = 10000
_E = 320000
_D = 128
_NSUB = 16
_NP = 10240
_SLICE = _NP // _NSUB
_EC = _E // _NSUB
_L = 16
_ROWS = _NP // 128
_RPT = _ROWS // _NSUB


def _rsqrt16(d):
    i = plsc.bitcast(d, jnp.int32)
    i = jnp.int32(0x5F3759DF) - lax.shift_right_logical(i, 1)
    y = plsc.bitcast(i, jnp.float32)
    for _ in range(3):
        y = y * (1.5 - 0.5 * d * y * y)
    return jnp.where(d > 0.5, y, 0.0)


def _sc_body(pk_h, u_out,
             pk_v, w_v, acc_v, acc2_v, raw_v, ns_v, nd_v, u_v, ws_v,
             zer_v, ridx_v, sh, sh2, sh_w, usem):
    sid = lax.axis_index("s")
    ebase = sid * _EC
    nbase = sid * _SLICE
    rbase = sid * _RPT

    pltpu.sync_copy(pk_h.at[pl.ds(ebase, _EC)], pk_v)

    zeros16 = jnp.zeros((_L,), jnp.float32)
    ones16 = jnp.ones((_L,), jnp.float32)
    lomask = jnp.full((_L,), 0xFFFF, jnp.int32)
    colmask = jnp.full((_L,), 127, jnp.int32)

    for j in range(_ROWS // _L):
        ridx_v[pl.ds(j * _L, _L)] = (
            lax.broadcasted_iota(jnp.int32, (_L,), 0) + jnp.int32(j * _L))

    @plsc.parallel_loop(0, (_RPT * 128) // _L, unroll=8)
    def _(i):
        zer_v[lax.shift_right_logical(i, 3),
              pl.ds(lax.mul(lax.bitwise_and(i, 7), _L), _L)] = zeros16

    def _zero2d(ref):
        @plsc.parallel_loop(0, _NP // _L, unroll=8)
        def _(i):
            ref[lax.shift_right_logical(i, 3),
                pl.ds(lax.mul(lax.bitwise_and(i, 7), _L), _L)] = zeros16

    _zero2d(acc_v)
    _zero2d(acc2_v)
    pltpu.sync_copy(zer_v, sh.at[pl.ds(rbase, _RPT)])
    pltpu.sync_copy(zer_v, sh2.at[pl.ds(rbase, _RPT)])

    @plsc.parallel_loop(0, _EC // _L, unroll=8)
    def _(i):
        pk = pk_v[pl.ds(i * _L, _L)]
        si = lax.bitwise_and(pk, lomask)
        di = lax.shift_right_logical(pk, 16)
        plsc.addupdate_scatter(
            acc_v, [lax.shift_right_logical(si, 7),
                    lax.bitwise_and(si, colmask)], ones16)
        plsc.addupdate_scatter(
            acc2_v, [lax.shift_right_logical(di, 7),
                     lax.bitwise_and(di, colmask)], ones16)
    plsc.subcore_barrier()
    pltpu.sync_copy(acc_v, sh.at[ridx_v], add=True)
    pltpu.sync_copy(acc2_v, sh2.at[ridx_v], add=True)
    plsc.subcore_barrier()

    pltpu.sync_copy(sh.at[pl.ds(rbase, _RPT)], raw_v)

    @plsc.parallel_loop(0, _SLICE // _L, unroll=2)
    def _(j):
        d = raw_v[lax.shift_right_logical(j, 3),
                  pl.ds(lax.mul(lax.bitwise_and(j, 7), _L), _L)]
        ns_v[pl.ds(j * _L, _L)] = _rsqrt16(d)

    pltpu.sync_copy(sh2.at[pl.ds(rbase, _RPT)], raw_v)

    @plsc.parallel_loop(0, _SLICE // _L, unroll=2)
    def _(j):
        r = lax.shift_right_logical(j, 3)
        c = lax.mul(lax.bitwise_and(j, 7), _L)
        nd = _rsqrt16(raw_v[r, pl.ds(c, _L)])
        nd_v[pl.ds(j * _L, _L)] = nd
        ws_v[r, pl.ds(c, _L)] = nd

    pltpu.sync_copy(ws_v, sh_w.at[pl.ds(rbase, _RPT)])
    plsc.subcore_barrier()
    pltpu.sync_copy(sh_w, w_v)

    u_dmas = []
    for k in range(5):
        _zero2d(acc_v)
        pltpu.sync_copy(zer_v, sh.at[pl.ds(rbase, _RPT)])

        @plsc.parallel_loop(0, _EC // _L, unroll=8)
        def _(i):
            pk = pk_v[pl.ds(i * _L, _L)]
            di = lax.shift_right_logical(pk, 16)
            vals = plsc.load_gather(
                w_v, [lax.shift_right_logical(di, 7),
                      lax.bitwise_and(di, colmask)])
            si = lax.bitwise_and(pk, lomask)
            plsc.addupdate_scatter(
                acc_v, [lax.shift_right_logical(si, 7),
                        lax.bitwise_and(si, colmask)], vals)
        plsc.subcore_barrier()
        pltpu.sync_copy(acc_v, sh.at[ridx_v], add=True)
        plsc.subcore_barrier()
        pltpu.sync_copy(sh.at[pl.ds(rbase, _RPT)], raw_v)

        @plsc.parallel_loop(0, _SLICE // _L, unroll=2)
        def _(j, k=k):
            r = lax.shift_right_logical(j, 3)
            c = lax.mul(lax.bitwise_and(j, 7), _L)
            u = ns_v[pl.ds(j * _L, _L)] * raw_v[r, pl.ds(c, _L)]
            u_v[pl.ds(k * _SLICE + j * _L, _L)] = u
            ws_v[r, pl.ds(c, _L)] = nd_v[pl.ds(j * _L, _L)] * u

        u_dmas.append(pltpu.async_copy(
            u_v.at[pl.ds(k * _SLICE, _SLICE)],
            u_out.at[pl.ds(k * _NP + nbase, _SLICE)], usem))
        if k < 4:
            pltpu.sync_copy(ws_v, sh_w.at[pl.ds(rbase, _RPT)])
            plsc.subcore_barrier()
            pltpu.sync_copy(sh_w, w_v)
    for dma in u_dmas:
        dma.wait()


def _make_sc_prop(interpret=False):
    return pl.kernel(
        _sc_body,
        out_type=jax.ShapeDtypeStruct((5 * _NP,), jnp.float32),
        mesh=plsc.VectorSubcoreMesh(
            core_axis_name="c", subcore_axis_name="s",
            num_cores=1, num_subcores=_NSUB),
        scratch_types=[
            pltpu.VMEM((_EC,), jnp.int32),
            pltpu.VMEM((_ROWS, 128), jnp.float32),
            pltpu.VMEM((_ROWS, 128), jnp.float32),
            pltpu.VMEM((_ROWS, 128), jnp.float32),
            pltpu.VMEM((_RPT, 128), jnp.float32),
            pltpu.VMEM((_SLICE,), jnp.float32),
            pltpu.VMEM((_SLICE,), jnp.float32),
            pltpu.VMEM((5 * _SLICE,), jnp.float32),
            pltpu.VMEM((_RPT, 128), jnp.float32),
            pltpu.VMEM((_RPT, 128), jnp.float32),
            pltpu.VMEM((_ROWS,), jnp.int32),
            pltpu.VMEM_SHARED((_ROWS, 128), jnp.float32),
            pltpu.VMEM_SHARED((_ROWS, 128), jnp.float32),
            pltpu.VMEM_SHARED((_ROWS, 128), jnp.float32),
            pltpu.SemaphoreType.DMA,
        ],
        compiler_params=pltpu.CompilerParams(needs_layout_passes=False),
        interpret=interpret,
    )


def _tc_body(h_ref, u_ref, w1, b1, w2, b2, w3, b3, w4, b4, w5, b5,
             fcw, fcb, out_ref):
    u5 = u_ref[4:5, 0:_N]
    t = jnp.dot(u5, h_ref[...], preferred_element_type=jnp.float32)
    s1 = jnp.sum(u_ref[0, :])
    s2 = jnp.sum(u_ref[1, :])
    s3 = jnp.sum(u_ref[2, :])
    s4 = jnp.sum(u_ref[3, :])
    t = jnp.dot(t, w1[...], preferred_element_type=jnp.float32) + s4 * b1[...]
    t = jnp.dot(t, w2[...], preferred_element_type=jnp.float32) + s3 * b2[...]
    t = jnp.dot(t, w3[...], preferred_element_type=jnp.float32) + s2 * b3[...]
    t = jnp.dot(t, w4[...], preferred_element_type=jnp.float32) + s1 * b4[...]
    t = jnp.dot(t, w5[...], preferred_element_type=jnp.float32) + _N * b5[...]
    hg = t * (1.0 / _N)
    logit = jnp.sum(hg * fcw[...]) + fcb[0, 0]
    out_ref[...] = jax.nn.sigmoid(jnp.zeros((1, _D), jnp.float32) + logit)


def _make_tc_tail(interpret=False):
    return pl.pallas_call(
        _tc_body,
        out_shape=jax.ShapeDtypeStruct((1, _D), jnp.float32),
        interpret=interpret,
    )


_sc_prop = functools.cache(_make_sc_prop)
_tc_tail = functools.cache(_make_tc_tail)


def kernel(h, edge_index, W1, b1, W2, b2, W3, b3, W4, b4, W5, b5, fc_w, fc_b):
    src = edge_index[0].astype(jnp.int32)
    dst = edge_index[1].astype(jnp.int32)
    packed = jnp.bitwise_or(src, jnp.left_shift(dst, 16))
    u = _sc_prop()(packed).reshape(5, _NP)
    b1r = b1.reshape(1, _D)
    b2r = b2.reshape(1, _D)
    b3r = b3.reshape(1, _D)
    b4r = b4.reshape(1, _D)
    b5r = b5.reshape(1, _D)
    out = _tc_tail()(h, u, W1, b1r, W2, b2r, W3, b3r, W4, b4r, W5, b5r,
                     fc_w, fc_b.reshape(1, 1))
    return out[:, 0:1]

# --- scband reference (transcript-rebuilt; emitter-appended) ---
"""Pipeline reference for scband-graph-conv-net-2104533975239 (READ-ONLY COPY).

The authoritative reference and input builder live on the scoring server;
editing this copy changes nothing except your own understanding.
"""

import jax, jax.numpy as jnp
import numpy as np

N = 10000
E = 320000
D = 128


def setup_inputs(seed: int = 0) -> dict:
    key = jax.random.key(seed)
    ks = jax.random.split(key, 16)
    inp = {}
    inp["h"] = jax.random.normal(ks[0], (N, D), dtype=jnp.float32)
    inp["edge_index"] = jax.random.randint(ks[1], (2, E), 0, N)
    # 5 GraphConv layers: weight (in, out), bias (out,) -- DGL GraphConv defaults
    for i in range(5):
        inp[f"W{i+1}"] = jax.random.normal(ks[2 + 2 * i], (D, D), dtype=jnp.float32) * (1.0 / np.sqrt(D))
        inp[f"b{i+1}"] = jnp.zeros((D,), dtype=jnp.float32)
    # final linear: out_feats -> 1 (xavier uniform)
    lim = np.sqrt(6.0 / (D + 1))
    inp["fc_w"] = jax.random.uniform(ks[12], (1, D), dtype=jnp.float32, minval=-lim, maxval=lim)
    inp["fc_b"] = jnp.zeros((1,), dtype=jnp.float32)
    return inp


def _graph_conv(x, src, dst, W, b):
    # DGL GraphConv with norm='both', edge_weight=None:
    #   h' = D_in^{-1/2} * A^T * (D_out^{-1/2} * x) * W + b
    ones = jnp.ones(src.shape[0], dtype=jnp.float32)
    out_deg = jax.ops.segment_sum(ones, src, num_segments=N)
    in_deg = jax.ops.segment_sum(ones, dst, num_segments=N)
    norm_src = jnp.where(out_deg > 0, out_deg ** -0.5, 0.0)
    norm_dst = jnp.where(in_deg > 0, in_deg ** -0.5, 0.0)
    x = x * norm_src[:, None]
    x = x @ W  # in_feats >= out_feats: mult W first (DGL order), math-equivalent
    msgs = jnp.take(x, src, axis=0)  # gather over edges
    agg = jax.ops.segment_sum(msgs, dst, num_segments=N)  # scatter-add
    agg = agg * norm_dst[:, None]
    return agg + b


def reference(h, edge_index, W1, b1, W2, b2, W3, b3, W4, b4, W5, b5, fc_w, fc_b):
    src = edge_index[0]
    dst = edge_index[1]
    # Note: original torch forward has NO nonlinearity between GraphConv layers.
    h = _graph_conv(h, src, dst, W1, b1)
    h = _graph_conv(h, src, dst, W2, b2)
    h = _graph_conv(h, src, dst, W3, b3)
    h = _graph_conv(h, src, dst, W4, b4)
    # graph=True branch:
    h = _graph_conv(h, src, dst, W5, b5)
    hg = jnp.mean(h, axis=0, keepdims=True)  # dgl.mean_nodes with a single graph -> [1, out_feats]
    return jax.nn.sigmoid(hg @ fc_w.T + fc_b)  # [1, 1]

if __name__ == "__main__":
    import jax
    _d = setup_inputs()
    print(jax.jit(kernel)(*tuple(_d.values())))

</pallas_src>

<mosaic_0001>
#map = affine_map<(d0, d1) -> (0)>
module attributes {stable_mosaic.version = 14 : i64} {
  func.func @_sc_body(%arg0: i32, %arg1: i32, %arg2: memref<320000xi32, #tpu.memory_space<hbm>>, %arg3: memref<51200xf32, #tpu.memory_space<hbm>>, %arg4: memref<20000xi32, #tpu.memory_space<vmem>>, %arg5: memref<80x128xf32, #tpu.memory_space<vmem>>, %arg6: memref<80x128xf32, #tpu.memory_space<vmem>>, %arg7: memref<80x128xf32, #tpu.memory_space<vmem>>, %arg8: memref<5x128xf32, #tpu.memory_space<vmem>>, %arg9: memref<640xf32, #tpu.memory_space<vmem>>, %arg10: memref<640xf32, #tpu.memory_space<vmem>>, %arg11: memref<3200xf32, #tpu.memory_space<vmem>>, %arg12: memref<5x128xf32, #tpu.memory_space<vmem>>, %arg13: memref<5x128xf32, #tpu.memory_space<vmem>>, %arg14: memref<80xi32, #tpu.memory_space<vmem>>, %arg15: memref<80x128xf32, #tpu.memory_space<vmem_shared>>, %arg16: memref<80x128xf32, #tpu.memory_space<vmem_shared>>, %arg17: memref<80x128xf32, #tpu.memory_space<vmem_shared>>, %arg18: memref<!tpu.dma_semaphore, #tpu.memory_space<semaphore_mem>>) attributes {dimension_semantics = [#tpu.dimension_semantics<core_parallel>, #tpu.dimension_semantics<subcore_parallel>], iteration_bounds = array<i64: 1, 16>, scalar_prefetch = 0 : i64, scratch_operands = 15 : i64, tpu.core_type = #tpu.core_type<sc_vector_subcore>, window_params = [{transform_indices = #map}, {transform_indices = #map}]} {
    %mul3A = arith.constant 20000 : i32
    %mul3A_0 = arith.muli %arg1, %mul3A : i32
    %mul3A_1 = arith.constant 640 : i32
    %mul3A_2 = arith.muli %arg1, %mul3A_1 : i32
    %mul3A_3 = arith.constant 5 : i32
    %mul3A_4 = arith.muli %arg1, %mul3A_3 : i32
    "tpu.region"() ({
      %run_scoped3A = tpu.sem_alloc : memref<!tpu.dma_semaphore, #tpu.memory_space<semaphore_mem>>
      %dma_start3A_185 = tpu.memref_slice %arg2[%mul3A_0] : memref<320000xi32, #tpu.memory_space<hbm>> -> memref<20000xi32, #tpu.memory_space<hbm>>
      %dma_start3A_186 = tpu.memref_slice %arg2[%mul3A_0] : memref<320000xi32, #tpu.memory_space<hbm>> -> memref<20000xi32, #tpu.memory_space<hbm>>
      tpu.enqueue_dma source(%dma_start3A_186 : memref<20000xi32, #tpu.memory_space<hbm>>) target(%arg4 : memref<20000xi32, #tpu.memory_space<vmem>>) target_semaphore(%run_scoped3A : memref<!tpu.dma_semaphore, #tpu.memory_space<semaphore_mem>>)
      %dma_wait3A_187 = tpu.memref_slice %arg2[%mul3A_0] : memref<320000xi32, #tpu.memory_space<hbm>> -> memref<20000xi32, #tpu.memory_space<hbm>>
      %dma_wait3A_188 = tpu.memref_slice %arg2[%mul3A_0] : memref<320000xi32, #tpu.memory_space<hbm>> -> memref<20000xi32, #tpu.memory_space<hbm>>
      tpu.wait_dma2 semaphore(%run_scoped3A : memref<!tpu.dma_semaphore, #tpu.memory_space<semaphore_mem>>) src(%dma_wait3A_188 : memref<20000xi32, #tpu.memory_space<hbm>>) dst(%arg4 : memref<20000xi32, #tpu.memory_space<vmem>>)
      tpu.yield
    }) : () -> ()
    %broadcast_in_dim3A = arith.constant 0.000000e+00 : f32
    %broadcast_in_dim3A_5 = vector.broadcast %broadcast_in_dim3A : f32 to vector<16xf32>
    %broadcast_in_dim3A_6 = arith.constant 1.000000e+00 : f32
    %broadcast_in_dim3A_7 = vector.broadcast %broadcast_in_dim3A_6 : f32 to vector<16xf32>
    %broadcast_in_dim3A_8 = arith.constant 65535 : i32
    %broadcast_in_dim3A_9 = vector.broadcast %broadcast_in_dim3A_8 : i32 to vector<16xi32>
    %broadcast_in_dim3A_10 = arith.constant 127 : i32
    %broadcast_in_dim3A_11 = vector.broadcast %broadcast_in_dim3A_10 : i32 to vector<16xi32>
    %iota3A = tpu.iota {dimensions = array<i32: 0>} : vector<16xi32>
    %add3A = arith.constant 0 : i32
    %add3A_12 = vector.broadcast %add3A : i32 to vector<16xi32>
    %add3A_13 = arith.addi %iota3A, %add3A_12 : vector<16xi32>
    %swap3A = arith.constant 0 : index
    %swap3A_14 = tpu.vector_load %arg14[%swap3A] {strides = array<i32>} : memref<80xi32, #tpu.memory_space<vmem>>, vector<16xi32>,
    tpu.vector_store %arg14[%swap3A], %add3A_13 {strides = array<i32>} : memref<80xi32, #tpu.memory_space<vmem>>, vector<16xi32>,
    %iota3A_15 = tpu.iota {dimensions = array<i32: 0>} : vector<16xi32>
    %add3A_16 = arith.constant 16 : i32
    %add3A_17 = vector.broadcast %add3A_16 : i32 to vector<16xi32>
    %add3A_18 = arith.addi %iota3A_15, %add3A_17 : vector<16xi32>
    %swap3A_19 = arith.constant 16 : index
    %swap3A_20 = tpu.vector_load %arg14[%swap3A_19] {strides = array<i32>} : memref<80xi32, #tpu.memory_space<vmem>>, vector<16xi32>,
    tpu.vector_store %arg14[%swap3A_19], %add3A_18 {strides = array<i32>} : memref<80xi32, #tpu.memory_space<vmem>>, vector<16xi32>,
    %iota3A_21 = tpu.iota {dimensions = array<i32: 0>} : vector<16xi32>
    %add3A_22 = arith.constant 32 : i32
    %add3A_23 = vector.broadcast %add3A_22 : i32 to vector<16xi32>
    %add3A_24 = arith.addi %iota3A_21, %add3A_23 : vector<16xi32>
    %swap3A_25 = arith.constant 32 : index
    %swap3A_26 = tpu.vector_load %arg14[%swap3A_25] {strides = array<i32>} : memref<80xi32, #tpu.memory_space<vmem>>, vector<16xi32>,
    tpu.vector_store %arg14[%swap3A_25], %add3A_24 {strides = array<i32>} : memref<80xi32, #tpu.memory_space<vmem>>, vector<16xi32>,
    %iota3A_27 = tpu.iota {dimensions = array<i32: 0>} : vector<16xi32>
    %add3A_28 = arith.constant 48 : i32
    %add3A_29 = vector.broadcast %add3A_28 : i32 to vector<16xi32>
    %add3A_30 = arith.addi %iota3A_27, %add3A_29 : vector<16xi32>
    %swap3A_31 = arith.constant 48 : index
    %swap3A_32 = tpu.vector_load %arg14[%swap3A_31] {strides = array<i32>} : memref<80xi32, #tpu.memory_space<vmem>>, vector<16xi32>,
    tpu.vector_store %arg14[%swap3A_31], %add3A_30 {strides = array<i32>} : memref<80xi32, #tpu.memory_space<vmem>>, vector<16xi32>,
    %iota3A_33 = tpu.iota {dimensions = array<i32: 0>} : vector<16xi32>
    %add3A_34 = arith.constant 64 : i32
    %add3A_35 = vector.broadcast %add3A_34 : i32 to vector<16xi32>
    %add3A_36 = arith.addi %iota3A_33, %add3A_35 : vector<16xi32>
    %swap3A_37 = arith.constant 64 : index
    %swap3A_38 = tpu.vector_load %arg14[%swap3A_37] {strides = array<i32>} : memref<80xi32, #tpu.memory_space<vmem>>, vector<16xi32>,
    tpu.vector_store %arg14[%swap3A_37], %add3A_36 {strides = array<i32>} : memref<80xi32, #tpu.memory_space<vmem>>, vector<16xi32>,
    %parallel_loop3A = arith.constant 0 : i32
    %parallel_loop3A_39 = arith.constant 40 : i32
    %parallel_loop3A_40 = arith.constant 1 : i32
    scf.for %parallel_loop3A_185 = %parallel_loop3A to %parallel_loop3A_39 step %parallel_loop3A_40  : i32 {
      %parallel_loop3A_186 = arith.constant 3 : i32
      %parallel_loop3A_187 = arith.shrui %parallel_loop3A_185, %parallel_loop3A_186 : i32
      %parallel_loop3A_188 = arith.constant 7 : i32
      %parallel_loop3A_189 = arith.andi %parallel_loop3A_185, %parallel_loop3A_188 : i32
      %parallel_loop3A_190 = arith.constant 16 : i32
      %parallel_loop3A_191 = arith.muli %parallel_loop3A_189, %parallel_loop3A_190 : i32
      %parallel_loop3A_192 = arith.index_cast %parallel_loop3A_187 : i32 to index
      %parallel_loop3A_193 = arith.index_cast %parallel_loop3A_191 : i32 to index
      %parallel_loop3A_194 = tpu.vector_load %arg13[%parallel_loop3A_192, %parallel_loop3A_193] {strides = array<i32>} : memref<5x128xf32, #tpu.memory_space<vmem>>, vector<16xf32>,
      tpu.vector_store %arg13[%parallel_loop3A_192, %parallel_loop3A_193], %broadcast_in_dim3A_5 {strides = array<i32>} : memref<5x128xf32, #tpu.memory_space<vmem>>, vector<16xf32>,
    } {sc.loop_unroll_factor = 8 : i64, sc.parallel_access}
    %parallel_loop3A_41 = arith.constant 0 : i32
    %parallel_loop3A_42 = arith.constant 640 : i32
    %parallel_loop3A_43 = arith.constant 1 : i32
    scf.for %parallel_loop3A_185 = %parallel_loop3A_41 to %parallel_loop3A_42 step %parallel_loop3A_43  : i32 {
      %parallel_loop3A_186 = arith.constant 3 : i32
      %parallel_loop3A_187 = arith.shrui %parallel_loop3A_185, %parallel_loop3A_186 : i32
      %parallel_loop3A_188 = arith.constant 7 : i32
      %parallel_loop3A_189 = arith.andi %parallel_loop3A_185, %parallel_loop3A_188 : i32
      %parallel_loop3A_190 = arith.constant 16 : i32
      %parallel_loop3A_191 = arith.muli %parallel_loop3A_189, %parallel_loop3A_190 : i32
      %parallel_loop3A_192 = arith.index_cast %parallel_loop3A_187 : i32 to index
      %parallel_loop3A_193 = arith.index_cast %parallel_loop3A_191 : i32 to index
      %parallel_loop3A_194 = tpu.vector_load %arg6[%parallel_loop3A_192, %parallel_loop3A_193] {strides = array<i32>} : memref<80x128xf32, #tpu.memory_space<vmem>>, vector<16xf32>,
      tpu.vector_store %arg6[%parallel_loop3A_192, %parallel_loop3A_193], %broadcast_in_dim3A_5 {strides = array<i32>} : memref<80x128xf32, #tpu.memory_space<vmem>>, vector<16xf32>,
    } {sc.loop_unroll_factor = 8 : i64, sc.parallel_access}
    %parallel_loop3A_44 = arith.constant 0 : i32
    %parallel_loop3A_45 = arith.constant 640 : i32
    %parallel_loop3A_46 = arith.constant 1 : i32
    scf.for %parallel_loop3A_185 = %parallel_loop3A_44 to %parallel_loop3A_45 step %parallel_loop3A_46  : i32 {
      %parallel_loop3A_186 = arith.constant 3 : i32
      %parallel_loop3A_187 = arith.shrui %parallel_loop3A_185, %parallel_loop3A_186 : i32
      %parallel_loop3A_188 = arith.constant 7 : i32
      %parallel_loop3A_189 = arith.andi %parallel_loop3A_185, %parallel_loop3A_188 : i32
      %parallel_loop3A_190 = arith.constant 16 : i32
      %parallel_loop3A_191 = arith.muli %parallel_loop3A_189, %parallel_loop3A_190 : i32
      %parallel_loop3A_192 = arith.index_cast %parallel_loop3A_187 : i32 to index
      %parallel_loop3A_193 = arith.index_cast %parallel_loop3A_191 : i32 to index
      %parallel_loop3A_194 = tpu.vector_load %arg7[%parallel_loop3A_192, %parallel_loop3A_193] {strides = array<i32>} : memref<80x128xf32, #tpu.memory_space<vmem>>, vector<16xf32>,
      tpu.vector_store %arg7[%parallel_loop3A_192, %parallel_loop3A_193], %broadcast_in_dim3A_5 {strides = array<i32>} : memref<80x128xf32, #tpu.memory_space<vmem>>, vector<16xf32>,
    } {sc.loop_unroll_factor = 8 : i64, sc.parallel_access}
    "tpu.region"() ({
      %run_scoped3A = tpu.sem_alloc : memref<!tpu.dma_semaphore, #tpu.memory_space<semaphore_mem>>
      %dma_start3A_185 = arith.constant 0 : i32
      %dma_start3A_186 = tpu.memref_slice %arg15[%mul3A_4, %dma_start3A_185] : memref<80x128xf32, #tpu.memory_space<vmem_shared>> -> memref<5x128xf32, #tpu.memory_space<vmem_shared>>
      %dma_start3A_187 = arith.constant 0 : i32
      %dma_start3A_188 = tpu.memref_slice %arg15[%mul3A_4, %dma_start3A_187] : memref<80x128xf32, #tpu.memory_space<vmem_shared>> -> memref<5x128xf32, #tpu.memory_space<vmem_shared>>
      tpu.enqueue_dma source(%arg13 : memref<5x128xf32, #tpu.memory_space<vmem>>) target(%dma_start3A_188 : memref<5x128xf32, #tpu.memory_space<vmem_shared>>) target_semaphore(%run_scoped3A : memref<!tpu.dma_semaphore, #tpu.memory_space<semaphore_mem>>)
      %dma_wait3A_189 = arith.constant 0 : i32
      %dma_wait3A_190 = tpu.memref_slice %arg15[%mul3A_4, %dma_wait3A_189] : memref<80x128xf32, #tpu.memory_space<vmem_shared>> -> memref<5x128xf32, #tpu.memory_space<vmem_shared>>
      %dma_wait3A_191 = arith.constant 0 : i32
      %dma_wait3A_192 = tpu.memref_slice %arg15[%mul3A_4, %dma_wait3A_191] : memref<80x128xf32, #tpu.memory_space<vmem_shared>> -> memref<5x128xf32, #tpu.memory_space<vmem_shared>>
      tpu.wait_dma2 semaphore(%run_scoped3A : memref<!tpu.dma_semaphore, #tpu.memory_space<semaphore_mem>>) src(%arg13 : memref<5x128xf32, #tpu.memory_space<vmem>>) dst(%dma_wait3A_192 : memref<5x128xf32, #tpu.memory_space<vmem_shared>>)
      tpu.yield
    }) : () -> ()
    "tpu.region"() ({
      %run_scoped3A = tpu.sem_alloc : memref<!tpu.dma_semaphore, #tpu.memory_space<semaphore_mem>>
      %dma_start3A_185 = arith.constant 0 : i32
      %dma_start3A_186 = tpu.memref_slice %arg16[%mul3A_4, %dma_start3A_185] : memref<80x128xf32, #tpu.memory_space<vmem_shared>> -> memref<5x128xf32, #tpu.memory_space<vmem_shared>>
      %dma_start3A_187 = arith.constant 0 : i32
      %dma_start3A_188 = tpu.memref_slice %arg16[%mul3A_4, %dma_start3A_187] : memref<80x128xf32, #tpu.memory_space<vmem_shared>> -> memref<5x128xf32, #tpu.memory_space<vmem_shared>>
      tpu.enqueue_dma source(%arg13 : memref<5x128xf32, #tpu.memory_space<vmem>>) target(%dma_start3A_188 : memref<5x128xf32, #tpu.memory_space<vmem_shared>>) target_semaphore(%run_scoped3A : memref<!tpu.dma_semaphore, #tpu.memory_space<semaphore_mem>>)
      %dma_wait3A_189 = arith.constant 0 : i32
      %dma_wait3A_190 = tpu.memref_slice %arg16[%mul3A_4, %dma_wait3A_189] : memref<80x128xf32, #tpu.memory_space<vmem_shared>> -> memref<5x128xf32, #tpu.memory_space<vmem_shared>>
      %dma_wait3A_191 = arith.constant 0 : i32
      %dma_wait3A_192 = tpu.memref_slice %arg16[%mul3A_4, %dma_wait3A_191] : memref<80x128xf32, #tpu.memory_space<vmem_shared>> -> memref<5x128xf32, #tpu.memory_space<vmem_shared>>
      tpu.wait_dma2 semaphore(%run_scoped3A : memref<!tpu.dma_semaphore, #tpu.memory_space<semaphore_mem>>) src(%arg13 : memref<5x128xf32, #tpu.memory_space<vmem>>) dst(%dma_wait3A_192 : memref<5x128xf32, #tpu.memory_space<vmem_shared>>)
      tpu.yield
    }) : () -> ()
    %parallel_loop3A_47 = arith.constant 0 : i32
    %parallel_loop3A_48 = arith.constant 1250 : i32
    %parallel_loop3A_49 = arith.constant 1 : i32
    scf.for %parallel_loop3A_185 = %parallel_loop3A_47 to %parallel_loop3A_48 step %parallel_loop3A_49  : i32 {
      %parallel_loop3A_186 = arith.constant 16 : i32
      %parallel_loop3A_187 = arith.muli %parallel_loop3A_185, %parallel_loop3A_186 : i32
      %parallel_loop3A_188 = arith.index_cast %parallel_loop3A_187 : i32 to index
      %parallel_loop3A_189 = tpu.vector_load %arg4[%parallel_loop3A_188] {strides = array<i32>} : memref<20000xi32, #tpu.memory_space<vmem>>, vector<16xi32>,
      %parallel_loop3A_190 = arith.andi %parallel_loop3A_189, %broadcast_in_dim3A_9 : vector<16xi32>
      %parallel_loop3A_191 = arith.constant 16 : i32
      %parallel_loop3A_192 = vector.broadcast %parallel_loop3A_191 : i32 to vector<16xi32>
      %parallel_loop3A_193 = arith.shrui %parallel_loop3A_189, %parallel_loop3A_192 : vector<16xi32>
      %parallel_loop3A_194 = arith.constant 7 : i32
      %parallel_loop3A_195 = vector.broadcast %parallel_loop3A_194 : i32 to vector<16xi32>
      %parallel_loop3A_196 = arith.shrui %parallel_loop3A_190, %parallel_loop3A_195 : vector<16xi32>
      %parallel_loop3A_197 = arith.andi %parallel_loop3A_190, %broadcast_in_dim3A_11 : vector<16xi32>
      tpu.vector_store_idx %arg6[%parallel_loop3A_196, %parallel_loop3A_197], %broadcast_in_dim3A_7 {add = true} : memref<80x128xf32, #tpu.memory_space<vmem>>[vector<16xi32>, vector<16xi32>], vector<16xf32>,
      %parallel_loop3A_198 = arith.constant 7 : i32
      %parallel_loop3A_199 = vector.broadcast %parallel_loop3A_198 : i32 to vector<16xi32>
      %parallel_loop3A_200 = arith.shrui %parallel_loop3A_193, %parallel_loop3A_199 : vector<16xi32>
      %parallel_loop3A_201 = arith.andi %parallel_loop3A_193, %broadcast_in_dim3A_11 : vector<16xi32>
      tpu.vector_store_idx %arg7[%parallel_loop3A_200, %parallel_loop3A_201], %broadcast_in_dim3A_7 {add = true} : memref<80x128xf32, #tpu.memory_space<vmem>>[vector<16xi32>, vector<16xi32>], vector<16xf32>,
    } {sc.loop_unroll_factor = 8 : i64, sc.parallel_access}
    %barrier3A = arith.constant 0 : index
    tpu.barrier barrier_id(%barrier3A)
    "tpu.region"() ({
      %run_scoped3A = tpu.sem_alloc : memref<!tpu.dma_semaphore, #tpu.memory_space<semaphore_mem>>
      %dma_start3A_185 = arith.constant 0 : i32
      %dma_start3A_186 = arith.constant 0 : i32
      %dma_start3A_187 = tpu.memref_slice %arg15[%dma_start3A_185, %dma_start3A_186] : memref<80x128xf32, #tpu.memory_space<vmem_shared>> -> memref<80x128xf32, #tpu.memory_space<vmem_shared>>
      tpu.enqueue_indirect_dma source(%arg6 : memref<80x128xf32, #tpu.memory_space<vmem>>) target(%dma_start3A_187 : memref<80x128xf32, #tpu.memory_space<vmem_shared>>) offsets(%arg14 : memref<80xi32, #tpu.memory_space<vmem>>) semaphore(%run_scoped3A : memref<!tpu.dma_semaphore, #tpu.memory_space<semaphore_mem>>) {add = true}
      %dma_wait3A_188 = arith.constant 0 : i32
      %dma_wait3A_189 = arith.constant 0 : i32
      %dma_wait3A_190 = tpu.memref_slice %arg15[%dma_wait3A_188, %dma_wait3A_189] : memref<80x128xf32, #tpu.memory_space<vmem_shared>> -> memref<80x128xf32, #tpu.memory_space<vmem_shared>>
      tpu.wait_indirect_dma semaphore(%run_scoped3A : memref<!tpu.dma_semaphore, #tpu.memory_space<semaphore_mem>>) src(%arg6 : memref<80x128xf32, #tpu.memory_space<vmem>>) dst(%dma_wait3A_190 : memref<80x128xf32, #tpu.memory_space<vmem_shared>>)
      tpu.yield
    }) : () -> ()
    "tpu.region"() ({
      %run_scoped3A = tpu.sem_alloc : memref<!tpu.dma_semaphore, #tpu.memory_space<semaphore_mem>>
      %dma_start3A_185 = arith.constant 0 : i32
      %dma_start3A_186 = arith.constant 0 : i32
      %dma_start3A_187 = tpu.memref_slice %arg16[%dma_start3A_185, %dma_start3A_186] : memref<80x128xf32, #tpu.memory_space<vmem_shared>> -> memref<80x128xf32, #tpu.memory_space<vmem_shared>>
      tpu.enqueue_indirect_dma source(%arg7 : memref<80x128xf32, #tpu.memory_space<vmem>>) target(%dma_start3A_187 : memref<80x128xf32, #tpu.memory_space<vmem_shared>>) offsets(%arg14 : memref<80xi32, #tpu.memory_space<vmem>>) semaphore(%run_scoped3A : memref<!tpu.dma_semaphore, #tpu.memory_space<semaphore_mem>>) {add = true}
      %dma_wait3A_188 = arith.constant 0 : i32
      %dma_wait3A_189 = arith.constant 0 : i32
      %dma_wait3A_190 = tpu.memref_slice %arg16[%dma_wait3A_188, %dma_wait3A_189] : memref<80x128xf32, #tpu.memory_space<vmem_shared>> -> memref<80x128xf32, #tpu.memory_space<vmem_shared>>
      tpu.wait_indirect_dma semaphore(%run_scoped3A : memref<!tpu.dma_semaphore, #tpu.memory_space<semaphore_mem>>) src(%arg7 : memref<80x128xf32, #tpu.memory_space<vmem>>) dst(%dma_wait3A_190 : memref<80x128xf32, #tpu.memory_space<vmem_shared>>)
      tpu.yield
    }) : () -> ()
    %barrier3A_50 = arith.constant 0 : index
    tpu.barrier barrier_id(%barrier3A_50)
    "tpu.region"() ({
      %run_scoped3A = tpu.sem_alloc : memref<!tpu.dma_semaphore, #tpu.memory_space<semaphore_mem>>
      %dma_start3A_185 = arith.constant 0 : i32
      %dma_start3A_186 = tpu.memref_slice %arg15[%mul3A_4, %dma_start3A_185] : memref<80x128xf32, #tpu.memory_space<vmem_shared>> -> memref<5x128xf32, #tpu.memory_space<vmem_shared>>
      %dma_start3A_187 = arith.constant 0 : i32
      %dma_start3A_188 = tpu.memref_slice %arg15[%mul3A_4, %dma_start3A_187] : memref<80x128xf32, #tpu.memory_space<vmem_shared>> -> memref<5x128xf32, #tpu.memory_space<vmem_shared>>
      tpu.enqueue_dma source(%dma_start3A_188 : memref<5x128xf32, #tpu.memory_space<vmem_shared>>) target(%arg8 : memref<5x128xf32, #tpu.memory_space<vmem>>) target_semaphore(%run_scoped3A : memref<!tpu.dma_semaphore, #tpu.memory_space<semaphore_mem>>)
      %dma_wait3A_189 = arith.constant 0 : i32
      %dma_wait3A_190 = tpu.memref_slice %arg15[%mul3A_4, %dma_wait3A_189] : memref<80x128xf32, #tpu.memory_space<vmem_shared>> -> memref<5x128xf32, #tpu.memory_space<vmem_shared>>
      %dma_wait3A_191 = arith.constant 0 : i32
      %dma_wait3A_192 = tpu.memref_slice %arg15[%mul3A_4, %dma_wait3A_191] : memref<80x128xf32, #tpu.memory_space<vmem_shared>> -> memref<5x128xf32, #tpu.memory_space<vmem_shared>>
      tpu.wait_dma2 semaphore(%run_scoped3A : memref<!tpu.dma_semaphore, #tpu.memory_space<semaphore_mem>>) src(%dma_wait3A_192 : memref<5x128xf32, #tpu.memory_space<vmem_shared>>) dst(%arg8 : memref<5x128xf32, #tpu.memory_space<vmem>>)
      tpu.yield
    }) : () -> ()
    %parallel_loop3A_51 = arith.constant 0 : i32
    %parallel_loop3A_52 = arith.constant 40 : i32
    %parallel_loop3A_53 = arith.constant 1 : i32
    scf.for %parallel_loop3A_185 = %parallel_loop3A_51 to %parallel_loop3A_52 step %parallel_loop3A_53  : i32 {
      %parallel_loop3A_186 = arith.constant 3 : i32
      %parallel_loop3A_187 = arith.shrui %parallel_loop3A_185, %parallel_loop3A_186 : i32
      %parallel_loop3A_188 = arith.constant 7 : i32
      %parallel_loop3A_189 = arith.andi %parallel_loop3A_185, %parallel_loop3A_188 : i32
      %parallel_loop3A_190 = arith.constant 16 : i32
      %parallel_loop3A_191 = arith.muli %parallel_loop3A_189, %parallel_loop3A_190 : i32
      %parallel_loop3A_192 = arith.index_cast %parallel_loop3A_187 : i32 to index
      %parallel_loop3A_193 = arith.index_cast %parallel_loop3A_191 : i32 to index
      %parallel_loop3A_194 = tpu.vector_load %arg8[%parallel_loop3A_192, %parallel_loop3A_193] {strides = array<i32>} : memref<5x128xf32, #tpu.memory_space<vmem>>, vector<16xf32>,
      %parallel_loop3A_195 = vector.bitcast %parallel_loop3A_194 : vector<16xf32> to vector<16xi32>
      %parallel_loop3A_196 = arith.constant 1 : i32
      %parallel_loop3A_197 = vector.broadcast %parallel_loop3A_196 : i32 to vector<16xi32>
      %parallel_loop3A_198 = arith.shrui %parallel_loop3A_195, %parallel_loop3A_197 : vector<16xi32>
      %parallel_loop3A_199 = arith.constant 1597463007 : i32
      %parallel_loop3A_200 = vector.broadcast %parallel_loop3A_199 : i32 to vector<16xi32>
      %parallel_loop3A_201 = arith.subi %parallel_loop3A_200, %parallel_loop3A_198 : vector<16xi32>
      %parallel_loop3A_202 = vector.bitcast %parallel_loop3A_201 : vector<16xi32> to vector<16xf32>
      %parallel_loop3A_203 = arith.constant 5.000000e-01 : f32
      %parallel_loop3A_204 = vector.broadcast %parallel_loop3A_203 : f32 to vector<16xf32>
      %parallel_loop3A_205 = arith.mulf %parallel_loop3A_204, %parallel_loop3A_194 : vector<16xf32>
      %parallel_loop3A_206 = arith.mulf %parallel_loop3A_205, %parallel_loop3A_202 : vector<16xf32>
      %parallel_loop3A_207 = arith.mulf %parallel_loop3A_206, %parallel_loop3A_202 : vector<16xf32>
      %parallel_loop3A_208 = arith.constant 1.500000e+00 : f32
      %parallel_loop3A_209 = vector.broadcast %parallel_loop3A_208 : f32 to vector<16xf32>
      %parallel_loop3A_210 = arith.subf %parallel_loop3A_209, %parallel_loop3A_207 : vector<16xf32>
      %parallel_loop3A_211 = arith.mulf %parallel_loop3A_202, %parallel_loop3A_210 : vector<16xf32>
      %parallel_loop3A_212 = arith.constant 5.000000e-01 : f32
      %parallel_loop3A_213 = vector.broadcast %parallel_loop3A_212 : f32 to vector<16xf32>
      %parallel_loop3A_214 = arith.mulf %parallel_loop3A_213, %parallel_loop3A_194 : vector<16xf32>
      %parallel_loop3A_215 = arith.mulf %parallel_loop3A_214, %parallel_loop3A_211 : vector<16xf32>
      %parallel_loop3A_216 = arith.mulf %parallel_loop3A_215, %parallel_loop3A_211 : vector<16xf32>
      %parallel_loop3A_217 = arith.constant 1.500000e+00 : f32
      %parallel_loop3A_218 = vector.broadcast %parallel_loop3A_217 : f32 to vector<16xf32>
      %parallel_loop3A_219 = arith.subf %parallel_loop3A_218, %parallel_loop3A_216 : vector<16xf32>
      %parallel_loop3A_220 = arith.mulf %parallel_loop3A_211, %parallel_loop3A_219 : vector<16xf32>
      %parallel_loop3A_221 = arith.constant 5.000000e-01 : f32
      %parallel_loop3A_222 = vector.broadcast %parallel_loop3A_221 : f32 to vector<16xf32>
      %parallel_loop3A_223 = arith.mulf %parallel_loop3A_222, %parallel_loop3A_194 : vector<16xf32>
      %parallel_loop3A_224 = arith.mulf %parallel_loop3A_223, %parallel_loop3A_220 : vector<16xf32>
      %parallel_loop3A_225 = arith.mulf %parallel_loop3A_224, %parallel_loop3A_220 : vector<16xf32>
      %parallel_loop3A_226 = arith.constant 1.500000e+00 : f32
      %parallel_loop3A_227 = vector.broadcast %parallel_loop3A_226 : f32 to vector<16xf32>
      %parallel_loop3A_228 = arith.subf %parallel_loop3A_227, %parallel_loop3A_225 : vector<16xf32>
      %parallel_loop3A_229 = arith.mulf %parallel_loop3A_220, %parallel_loop3A_228 : vector<16xf32>
      %parallel_loop3A_230 = arith.constant 5.000000e-01 : f32
      %parallel_loop3A_231 = vector.broadcast %parallel_loop3A_230 : f32 to vector<16xf32>
      %parallel_loop3A_232 = arith.cmpf ogt, %parallel_loop3A_194, %parallel_loop3A_231 : vector<16xf32>
      %parallel_loop3A_233 = arith.constant 0.000000e+00 : f32
      %parallel_loop3A_234 = vector.broadcast %parallel_loop3A_233 : f32 to vector<16xf32>
      %parallel_loop3A_235 = arith.select %parallel_loop3A_232, %parallel_loop3A_229, %parallel_loop3A_234 : vector<16xi1>, vector<16xf32>
      %parallel_loop3A_236 = arith.constant 16 : i32
      %parallel_loop3A_237 = arith.muli %parallel_loop3A_185, %parallel_loop3A_236 : i32
      %parallel_loop3A_238 = arith.index_cast %parallel_loop3A_237 : i32 to index
      %parallel_loop3A_239 = tpu.vector_load %arg9[%parallel_loop3A_238] {strides = array<i32>} : memref<640xf32, #tpu.memory_space<vmem>>, vector<16xf32>,
      tpu.vector_store %arg9[%parallel_loop3A_238], %parallel_loop3A_235 {strides = array<i32>} : memref<640xf32, #tpu.memory_space<vmem>>, vector<16xf32>,
    } {sc.loop_unroll_factor = 2 : i64, sc.parallel_access}
    "tpu.region"() ({
      %run_scoped3A = tpu.sem_alloc : memref<!tpu.dma_semaphore, #tpu.memory_space<semaphore_mem>>
      %dma_start3A_185 = arith.constant 0 : i32
      %dma_start3A_186 = tpu.memref_slice %arg16[%mul3A_4, %dma_start3A_185] : memref<80x128xf32, #tpu.memory_space<vmem_shared>> -> memref<5x128xf32, #tpu.memory_space<vmem_shared>>
      %dma_start3A_187 = arith.constant 0 : i32
      %dma_start3A_188 = tpu.memref_slice %arg16[%mul3A_4, %dma_start3A_187] : memref<80x128xf32, #tpu.memory_space<vmem_shared>> -> memref<5x128xf32, #tpu.memory_space<vmem_shared>>
      tpu.enqueue_dma source(%dma_start3A_188 : memref<5x128xf32, #tpu.memory_space<vmem_shared>>) target(%arg8 : memref<5x128xf32, #tpu.memory_space<vmem>>) target_semaphore(%run_scoped3A : memref<!tpu.dma_semaphore, #tpu.memory_space<semaphore_mem>>)
      %dma_wait3A_189 = arith.constant 0 : i32
      %dma_wait3A_190 = tpu.memref_slice %arg16[%mul3A_4, %dma_wait3A_189] : memref<80x128xf32, #tpu.memory_space<vmem_shared>> -> memref<5x128xf32, #tpu.memory_space<vmem_shared>>
      %dma_wait3A_191 = arith.constant 0 : i32
      %dma_wait3A_192 = tpu.memref_slice %arg16[%mul3A_4, %dma_wait3A_191] : memref<80x128xf32, #tpu.memory_space<vmem_shared>> -> memref<5x128xf32, #tpu.memory_space<vmem_shared>>
      tpu.wait_dma2 semaphore(%run_scoped3A : memref<!tpu.dma_semaphore, #tpu.memory_space<semaphore_mem>>) src(%dma_wait3A_192 : memref<5x128xf32, #tpu.memory_space<vmem_shared>>) dst(%arg8 : memref<5x128xf32, #tpu.memory_space<vmem>>)
      tpu.yield
    }) : () -> ()
    %parallel_loop3A_54 = arith.constant 0 : i32
    %parallel_loop3A_55 = arith.constant 40 : i32
    %parallel_loop3A_56 = arith.constant 1 : i32
    scf.for %parallel_loop3A_185 = %parallel_loop3A_54 to %parallel_loop3A_55 step %parallel_loop3A_56  : i32 {
      %parallel_loop3A_186 = arith.constant 3 : i32
      %parallel_loop3A_187 = arith.shrui %parallel_loop3A_185, %parallel_loop3A_186 : i32
      %parallel_loop3A_188 = arith.constant 7 : i32
      %parallel_loop3A_189 = arith.andi %parallel_loop3A_185, %parallel_loop3A_188 : i32
      %parallel_loop3A_190 = arith.constant 16 : i32
      %parallel_loop3A_191 = arith.muli %parallel_loop3A_189, %parallel_loop3A_190 : i32
      %parallel_loop3A_192 = arith.index_cast %parallel_loop3A_187 : i32 to index
      %parallel_loop3A_193 = arith.index_cast %parallel_loop3A_191 : i32 to index
      %parallel_loop3A_194 = tpu.vector_load %arg8[%parallel_loop3A_192, %parallel_loop3A_193] {strides = array<i32>} : memref<5x128xf32, #tpu.memory_space<vmem>>, vector<16xf32>,
      %parallel_loop3A_195 = vector.bitcast %parallel_loop3A_194 : vector<16xf32> to vector<16xi32>
      %parallel_loop3A_196 = arith.constant 1 : i32
      %parallel_loop3A_197 = vector.broadcast %parallel_loop3A_196 : i32 to vector<16xi32>
      %parallel_loop3A_198 = arith.shrui %parallel_loop3A_195, %parallel_loop3A_197 : vector<16xi32>
      %parallel_loop3A_199 = arith.constant 1597463007 : i32
      %parallel_loop3A_200 = vector.broadcast %parallel_loop3A_199 : i32 to vector<16xi32>
      %parallel_loop3A_201 = arith.subi %parallel_loop3A_200, %parallel_loop3A_198 : vector<16xi32>
      %parallel_loop3A_202 = vector.bitcast %parallel_loop3A_201 : vector<16xi32> to vector<16xf32>
      %parallel_loop3A_203 = arith.constant 5.000000e-01 : f32
      %parallel_loop3A_204 = vector.broadcast %parallel_loop3A_203 : f32 to vector<16xf32>
      %parallel_loop3A_205 = arith.mulf %parallel_loop3A_204, %parallel_loop3A_194 : vector<16xf32>
      %parallel_loop3A_206 = arith.mulf %parallel_loop3A_205, %parallel_loop3A_202 : vector<16xf32>
      %parallel_loop3A_207 = arith.mulf %parallel_loop3A_206, %parallel_loop3A_202 : vector<16xf32>
      %parallel_loop3A_208 = arith.constant 1.500000e+00 : f32
      %parallel_loop3A_209 = vector.broadcast %parallel_loop3A_208 : f32 to vector<16xf32>
      %parallel_loop3A_210 = arith.subf %parallel_loop3A_209, %parallel_loop3A_207 : vector<16xf32>
      %parallel_loop3A_211 = arith.mulf %parallel_loop3A_202, %parallel_loop3A_210 : vector<16xf32>
      %parallel_loop3A_212 = arith.constant 5.000000e-01 : f32
      %parallel_loop3A_213 = vector.broadcast %parallel_loop3A_212 : f32 to vector<16xf32>
      %parallel_loop3A_214 = arith.mulf %parallel_loop3A_213, %parallel_loop3A_194 : vector<16xf32>
      %parallel_loop3A_215 = arith.mulf %parallel_loop3A_214, %parallel_loop3A_211 : vector<16xf32>
      %parallel_loop3A_216 = arith.mulf %parallel_loop3A_215, %parallel_loop3A_211 : vector<16xf32>
      %parallel_loop3A_217 = arith.constant 1.500000e+00 : f32
      %parallel_loop3A_218 = vector.broadcast %parallel_loop3A_217 : f32 to vector<16xf32>
      %parallel_loop3A_219 = arith.subf %parallel_loop3A_218, %parallel_loop3A_216 : vector<16xf32>
      %parallel_loop3A_220 = arith.mulf %parallel_loop3A_211, %parallel_loop3A_219 : vector<16xf32>
      %parallel_loop3A_221 = arith.constant 5.000000e-01 : f32
      %parallel_loop3A_222 = vector.broadcast %parallel_loop3A_221 : f32 to vector<16xf32>
      %parallel_loop3A_223 = arith.mulf %parallel_loop3A_222, %parallel_loop3A_194 : vector<16xf32>
      %parallel_loop3A_224 = arith.mulf %parallel_loop3A_223, %parallel_loop3A_220 : vector<16xf32>
      %parallel_loop3A_225 = arith.mulf %parallel_loop3A_224, %parallel_loop3A_220 : vector<16xf32>
      %parallel_loop3A_226 = arith.constant 1.500000e+00 : f32
      %parallel_loop3A_227 = vector.broadcast %parallel_loop3A_226 : f32 to vector<16xf32>
      %parallel_loop3A_228 = arith.subf %parallel_loop3A_227, %parallel_loop3A_225 : vector<16xf32>
      %parallel_loop3A_229 = arith.mulf %parallel_loop3A_220, %parallel_loop3A_228 : vector<16xf32>
      %parallel_loop3A_230 = arith.constant 5.000000e-01 : f32
      %parallel_loop3A_231 = vector.broadcast %parallel_loop3A_230 : f32 to vector<16xf32>
      %parallel_loop3A_232 = arith.cmpf ogt, %parallel_loop3A_194, %parallel_loop3A_231 : vector<16xf32>
      %parallel_loop3A_233 = arith.constant 0.000000e+00 : f32
      %parallel_loop3A_234 = vector.broadcast %parallel_loop3A_233 : f32 to vector<16xf32>
      %parallel_loop3A_235 = arith.select %parallel_loop3A_232, %parallel_loop3A_229, %parallel_loop3A_234 : vector<16xi1>, vector<16xf32>
      %parallel_loop3A_236 = arith.constant 16 : i32
      %parallel_loop3A_237 = arith.muli %parallel_loop3A_185, %parallel_loop3A_236 : i32
      %parallel_loop3A_238 = arith.index_cast %parallel_loop3A_237 : i32 to index
      %parallel_loop3A_239 = tpu.vector_load %arg10[%parallel_loop3A_238] {strides = array<i32>} : memref<640xf32, #tpu.memory_space<vmem>>, vector<16xf32>,
      tpu.vector_store %arg10[%parallel_loop3A_238], %parallel_loop3A_235 {strides = array<i32>} : memref<640xf32, #tpu.memory_space<vmem>>, vector<16xf32>,
      %parallel_loop3A_240 = arith.index_cast %parallel_loop3A_187 : i32 to index
      %parallel_loop3A_241 = arith.index_cast %parallel_loop3A_191 : i32 to index
      %parallel_loop3A_242 = tpu.vector_load %arg12[%parallel_loop3A_240, %parallel_loop3A_241] {strides = array<i32>} : memref<5x128xf32, #tpu.memory_space<vmem>>, vector<16xf32>,
      tpu.vector_store %arg12[%parallel_loop3A_240, %parallel_loop3A_241], %parallel_loop3A_235 {strides = array<i32>} : memref<5x128xf32, #tpu.memory_space<vmem>>, vector<16xf32>,
    } {sc.loop_unroll_factor = 2 : i64, sc.parallel_access}
    "tpu.region"() ({
      %run_scoped3A = tpu.sem_alloc : memref<!tpu.dma_semaphore, #tpu.memory_space<semaphore_mem>>
      %dma_start3A_185 = arith.constant 0 : i32
      %dma_start3A_186 = tpu.memref_slice %arg17[%mul3A_4, %dma_start3A_185] : memref<80x128xf32, #tpu.memory_space<vmem_shared>> -> memref<5x128xf32, #tpu.memory_space<vmem_shared>>
      %dma_start3A_187 = arith.constant 0 : i32
      %dma_start3A_188 = tpu.memref_slice %arg17[%mul3A_4, %dma_start3A_187] : memref<80x128xf32, #tpu.memory_space<vmem_shared>> -> memref<5x128xf32, #tpu.memory_space<vmem_shared>>
      tpu.enqueue_dma source(%arg12 : memref<5x128xf32, #tpu.memory_space<vmem>>) target(%dma_start3A_188 : memref<5x128xf32, #tpu.memory_space<vmem_shared>>) target_semaphore(%run_scoped3A : memref<!tpu.dma_semaphore, #tpu.memory_space<semaphore_mem>>)
      %dma_wait3A_189 = arith.constant 0 : i32
      %dma_wait3A_190 = tpu.memref_slice %arg17[%mul3A_4, %dma_wait3A_189] : memref<80x128xf32, #tpu.memory_space<vmem_shared>> -> memref<5x128xf32, #tpu.memory_space<vmem_shared>>
      %dma_wait3A_191 = arith.constant 0 : i32
      %dma_wait3A_192 = tpu.memref_slice %arg17[%mul3A_4, %dma_wait3A_191] : memref<80x128xf32, #tpu.memory_space<vmem_shared>> -> memref<5x128xf32, #tpu.memory_space<vmem_shared>>
      tpu.wait_dma2 semaphore(%run_scoped3A : memref<!tpu.dma_semaphore, #tpu.memory_space<semaphore_mem>>) src(%arg12 : memref<5x128xf32, #tpu.memory_space<vmem>>) dst(%dma_wait3A_192 : memref<5x128xf32, #tpu.memory_space<vmem_shared>>)
      tpu.yield
    }) : () -> ()
    %barrier3A_57 = arith.constant 0 : index
    tpu.barrier barrier_id(%barrier3A_57)
    "tpu.region"() ({
      %run_scoped3A = tpu.sem_alloc : memref<!tpu.dma_semaphore, #tpu.memory_space<semaphore_mem>>
      tpu.enqueue_dma source(%arg17 : memref<80x128xf32, #tpu.memory_space<vmem_shared>>) target(%arg5 : memref<80x128xf32, #tpu.memory_space<vmem>>) target_semaphore(%run_scoped3A : memref<!tpu.dma_semaphore, #tpu.memory_space<semaphore_mem>>)
      tpu.wait_dma2 semaphore(%run_scoped3A : memref<!tpu.dma_semaphore, #tpu.memory_space<semaphore_mem>>) src(%arg17 : memref<80x128xf32, #tpu.memory_space<vmem_shared>>) dst(%arg5 : memref<80x128xf32, #tpu.memory_space<vmem>>)
      tpu.yield
    }) : () -> ()
    %parallel_loop3A_58 = arith.constant 0 : i32
    %parallel_loop3A_59 = arith.constant 640 : i32
    %parallel_loop3A_60 = arith.constant 1 : i32
    scf.for %parallel_loop3A_185 = %parallel_loop3A_58 to %parallel_loop3A_59 step %parallel_loop3A_60  : i32 {
      %parallel_loop3A_186 = arith.constant 3 : i32
      %parallel_loop3A_187 = arith.shrui %parallel_loop3A_185, %parallel_loop3A_186 : i32
      %parallel_loop3A_188 = arith.constant 7 : i32
      %parallel_loop3A_189 = arith.andi %parallel_loop3A_185, %parallel_loop3A_188 : i32
      %parallel_loop3A_190 = arith.constant 16 : i32
      %parallel_loop3A_191 = arith.muli %parallel_loop3A_189, %parallel_loop3A_190 : i32
      %parallel_loop3A_192 = arith.index_cast %parallel_loop3A_187 : i32 to index
      %parallel_loop3A_193 = arith.index_cast %parallel_loop3A_191 : i32 to index
      %parallel_loop3A_194 = tpu.vector_load %arg6[%parallel_loop3A_192, %parallel_loop3A_193] {strides = array<i32>} : memref<80x128xf32, #tpu.memory_space<vmem>>, vector<16xf32>,
      tpu.vector_store %arg6[%parallel_loop3A_192, %parallel_loop3A_193], %broadcast_in_dim3A_5 {strides = array<i32>} : memref<80x128xf32, #tpu.memory_space<vmem>>, vector<16xf32>,
    } {sc.loop_unroll_factor = 8 : i64, sc.parallel_access}
    "tpu.region"() ({
      %run_scoped3A = tpu.sem_alloc : memref<!tpu.dma_semaphore, #tpu.memory_space<semaphore_mem>>
      %dma_start3A_185 = arith.constant 0 : i32
      %dma_start3A_186 = tpu.memref_slice %arg15[%mul3A_4, %dma_start3A_185] : memref<80x128xf32, #tpu.memory_space<vmem_shared>> -> memref<5x128xf32, #tpu.memory_space<vmem_shared>>
      %dma_start3A_187 = arith.constant 0 : i32
      %dma_start3A_188 = tpu.memref_slice %arg15[%mul3A_4, %dma_start3A_187] : memref<80x128xf32, #tpu.memory_space<vmem_shared>> -> memref<5x128xf32, #tpu.memory_space<vmem_shared>>
      tpu.enqueue_dma source(%arg13 : memref<5x128xf32, #tpu.memory_space<vmem>>) target(%dma_start3A_188 : memref<5x128xf32, #tpu.memory_space<vmem_shared>>) target_semaphore(%run_scoped3A : memref<!tpu.dma_semaphore, #tpu.memory_space<semaphore_mem>>)
      %dma_wait3A_189 = arith.constant 0 : i32
      %dma_wait3A_190 = tpu.memref_slice %arg15[%mul3A_4, %dma_wait3A_189] : memref<80x128xf32, #tpu.memory_space<vmem_shared>> -> memref<5x128xf32, #tpu.memory_space<vmem_shared>>
      %dma_wait3A_191 = arith.constant 0 : i32
      %dma_wait3A_192 = tpu.memref_slice %arg15[%mul3A_4, %dma_wait3A_191] : memref<80x128xf32, #tpu.memory_space<vmem_shared>> -> memref<5x128xf32, #tpu.memory_space<vmem_shared>>
      tpu.wait_dma2 semaphore(%run_scoped3A : memref<!tpu.dma_semaphore, #tpu.memory_space<semaphore_mem>>) src(%arg13 : memref<5x128xf32, #tpu.memory_space<vmem>>) dst(%dma_wait3A_192 : memref<5x128xf32, #tpu.memory_space<vmem_shared>>)
      tpu.yield
    }) : () -> ()
    %parallel_loop3A_61 = arith.constant 0 : i32
    %parallel_loop3A_62 = arith.constant 1250 : i32
    %parallel_loop3A_63 = arith.constant 1 : i32
    scf.for %parallel_loop3A_185 = %parallel_loop3A_61 to %parallel_loop3A_62 step %parallel_loop3A_63  : i32 {
      %parallel_loop3A_186 = arith.constant 16 : i32
      %parallel_loop3A_187 = arith.muli %parallel_loop3A_185, %parallel_loop3A_186 : i32
      %parallel_loop3A_188 = arith.index_cast %parallel_loop3A_187 : i32 to index
      %parallel_loop3A_189 = tpu.vector_load %arg4[%parallel_loop3A_188] {strides = array<i32>} : memref<20000xi32, #tpu.memory_space<vmem>>, vector<16xi32>,
      %parallel_loop3A_190 = arith.constant 16 : i32
      %parallel_loop3A_191 = vector.broadcast %parallel_loop3A_190 : i32 to vector<16xi32>
      %parallel_loop3A_192 = arith.shrui %parallel_loop3A_189, %parallel_loop3A_191 : vector<16xi32>
      %parallel_loop3A_193 = arith.constant 7 : i32
      %parallel_loop3A_194 = vector.broadcast %parallel_loop3A_193 : i32 to vector<16xi32>
      %parallel_loop3A_195 = arith.shrui %parallel_loop3A_192, %parallel_loop3A_194 : vector<16xi32>
      %parallel_loop3A_196 = arith.andi %parallel_loop3A_192, %broadcast_in_dim3A_11 : vector<16xi32>
      %parallel_loop3A_197 = tpu.vector_load_idx %arg5[%parallel_loop3A_195, %parallel_loop3A_196] : memref<80x128xf32, #tpu.memory_space<vmem>>[vector<16xi32>, vector<16xi32>], vector<16xf32>,
      %parallel_loop3A_198 = arith.andi %parallel_loop3A_189, %broadcast_in_dim3A_9 : vector<16xi32>
      %parallel_loop3A_199 = arith.constant 7 : i32
      %parallel_loop3A_200 = vector.broadcast %parallel_loop3A_199 : i32 to vector<16xi32>
      %parallel_loop3A_201 = arith.shrui %parallel_loop3A_198, %parallel_loop3A_200 : vector<16xi32>
      %parallel_loop3A_202 = arith.andi %parallel_loop3A_198, %broadcast_in_dim3A_11 : vector<16xi32>
      tpu.vector_store_idx %arg6[%parallel_loop3A_201, %parallel_loop3A_202], %parallel_loop3A_197 {add = true} : memref<80x128xf32, #tpu.memory_space<vmem>>[vector<16xi32>, vector<16xi32>], vector<16xf32>,
    } {sc.loop_unroll_factor = 8 : i64, sc.parallel_access}
    %barrier3A_64 = arith.constant 0 : index
    tpu.barrier barrier_id(%barrier3A_64)
    "tpu.region"() ({
      %run_scoped3A = tpu.sem_alloc : memref<!tpu.dma_semaphore, #tpu.memory_space<semaphore_mem>>
      %dma_start3A_185 = arith.constant 0 : i32
      %dma_start3A_186 = arith.constant 0 : i32
      %dma_start3A_187 = tpu.memref_slice %arg15[%dma_start3A_185, %dma_start3A_186] : memref<80x128xf32, #tpu.memory_space<vmem_shared>> -> memref<80x128xf32, #tpu.memory_space<vmem_shared>>
      tpu.enqueue_indirect_dma source(%arg6 : memref<80x128xf32, #tpu.memory_space<vmem>>) target(%dma_start3A_187 : memref<80x128xf32, #tpu.memory_space<vmem_shared>>) offsets(%arg14 : memref<80xi32, #tpu.memory_space<vmem>>) semaphore(%run_scoped3A : memref<!tpu.dma_semaphore, #tpu.memory_space<semaphore_mem>>) {add = true}
      %dma_wait3A_188 = arith.constant 0 : i32
      %dma_wait3A_189 = arith.constant 0 : i32
      %dma_wait3A_190 = tpu.memref_slice %arg15[%dma_wait3A_188, %dma_wait3A_189] : memref<80x128xf32, #tpu.memory_space<vmem_shared>> -> memref<80x128xf32, #tpu.memory_space<vmem_shared>>
      tpu.wait_indirect_dma semaphore(%run_scoped3A : memref<!tpu.dma_semaphore, #tpu.memory_space<semaphore_mem>>) src(%arg6 : memref<80x128xf32, #tpu.memory_space<vmem>>) dst(%dma_wait3A_190 : memref<80x128xf32, #tpu.memory_space<vmem_shared>>)
      tpu.yield
    }) : () -> ()
    %barrier3A_65 = arith.constant 0 : index
    tpu.barrier barrier_id(%barrier3A_65)
    "tpu.region"() ({
      %run_scoped3A = tpu.sem_alloc : memref<!tpu.dma_semaphore, #tpu.memory_space<semaphore_mem>>
      %dma_start3A_185 = arith.constant 0 : i32
      %dma_start3A_186 = tpu.memref_slice %arg15[%mul3A_4, %dma_start3A_185] : memref<80x128xf32, #tpu.memory_space<vmem_shared>> -> memref<5x128xf32, #tpu.memory_space<vmem_shared>>
      %dma_start3A_187 = arith.constant 0 : i32
      %dma_start3A_188 = tpu.memref_slice %arg15[%mul3A_4, %dma_start3A_187] : memref<80x128xf32, #tpu.memory_space<vmem_shared>> -> memref<5x128xf32, #tpu.memory_space<vmem_shared>>
      tpu.enqueue_dma source(%dma_start3A_188 : memref<5x128xf32, #tpu.memory_space<vmem_shared>>) target(%arg8 : memref<5x128xf32, #tpu.memory_space<vmem>>) target_semaphore(%run_scoped3A : memref<!tpu.dma_semaphore, #tpu.memory_space<semaphore_mem>>)
      %dma_wait3A_189 = arith.constant 0 : i32
      %dma_wait3A_190 = tpu.memref_slice %arg15[%mul3A_4, %dma_wait3A_189] : memref<80x128xf32, #tpu.memory_space<vmem_shared>> -> memref<5x128xf32, #tpu.memory_space<vmem_shared>>
      %dma_wait3A_191 = arith.constant 0 : i32
      %dma_wait3A_192 = tpu.memref_slice %arg15[%mul3A_4, %dma_wait3A_191] : memref<80x128xf32, #tpu.memory_space<vmem_shared>> -> memref<5x128xf32, #tpu.memory_space<vmem_shared>>
      tpu.wait_dma2 semaphore(%run_scoped3A : memref<!tpu.dma_semaphore, #tpu.memory_space<semaphore_mem>>) src(%dma_wait3A_192 : memref<5x128xf32, #tpu.memory_space<vmem_shared>>) dst(%arg8 : memref<5x128xf32, #tpu.memory_space<vmem>>)
      tpu.yield
    }) : () -> ()
    %parallel_loop3A_66 = arith.constant 0 : i32
    %parallel_loop3A_67 = arith.constant 40 : i32
    %parallel_loop3A_68 = arith.constant 1 : i32
    scf.for %parallel_loop3A_185 = %parallel_loop3A_66 to %parallel_loop3A_67 step %parallel_loop3A_68  : i32 {
      %parallel_loop3A_186 = arith.constant 3 : i32
      %parallel_loop3A_187 = arith.shrui %parallel_loop3A_185, %parallel_loop3A_186 : i32
      %parallel_loop3A_188 = arith.constant 7 : i32
      %parallel_loop3A_189 = arith.andi %parallel_loop3A_185, %parallel_loop3A_188 : i32
      %parallel_loop3A_190 = arith.constant 16 : i32
      %parallel_loop3A_191 = arith.muli %parallel_loop3A_189, %parallel_loop3A_190 : i32
      %parallel_loop3A_192 = arith.constant 16 : i32
      %parallel_loop3A_193 = arith.muli %parallel_loop3A_185, %parallel_loop3A_192 : i32
      %parallel_loop3A_194 = arith.index_cast %parallel_loop3A_193 : i32 to index
      %parallel_loop3A_195 = tpu.vector_load %arg9[%parallel_loop3A_194] {strides = array<i32>} : memref<640xf32, #tpu.memory_space<vmem>>, vector<16xf32>,
      %parallel_loop3A_196 = arith.index_cast %parallel_loop3A_187 : i32 to index
      %parallel_loop3A_197 = arith.index_cast %parallel_loop3A_191 : i32 to index
      %parallel_loop3A_198 = tpu.vector_load %arg8[%parallel_loop3A_196, %parallel_loop3A_197] {strides = array<i32>} : memref<5x128xf32, #tpu.memory_space<vmem>>, vector<16xf32>,
      %parallel_loop3A_199 = arith.mulf %parallel_loop3A_195, %parallel_loop3A_198 : vector<16xf32>
      %parallel_loop3A_200 = arith.constant 16 : i32
      %parallel_loop3A_201 = arith.muli %parallel_loop3A_185, %parallel_loop3A_200 : i32
      %parallel_loop3A_202 = arith.constant 0 : i32
      %parallel_loop3A_203 = arith.addi %parallel_loop3A_202, %parallel_loop3A_201 : i32
      %parallel_loop3A_204 = arith.index_cast %parallel_loop3A_203 : i32 to index
      %parallel_loop3A_205 = tpu.vector_load %arg11[%parallel_loop3A_204] {strides = array<i32>} : memref<3200xf32, #tpu.memory_space<vmem>>, vector<16xf32>,
      tpu.vector_store %arg11[%parallel_loop3A_204], %parallel_loop3A_199 {strides = array<i32>} : memref<3200xf32, #tpu.memory_space<vmem>>, vector<16xf32>,
      %parallel_loop3A_206 = arith.constant 16 : i32
      %parallel_loop3A_207 = arith.muli %parallel_loop3A_185, %parallel_loop3A_206 : i32
      %parallel_loop3A_208 = arith.index_cast %parallel_loop3A_207 : i32 to index
      %parallel_loop3A_209 = tpu.vector_load %arg10[%parallel_loop3A_208] {strides = array<i32>} : memref<640xf32, #tpu.memory_space<vmem>>, vector<16xf32>,
      %parallel_loop3A_210 = arith.mulf %parallel_loop3A_209, %parallel_loop3A_199 : vector<16xf32>
      %parallel_loop3A_211 = arith.index_cast %parallel_loop3A_187 : i32 to index
      %parallel_loop3A_212 = arith.index_cast %parallel_loop3A_191 : i32 to index
      %parallel_loop3A_213 = tpu.vector_load %arg12[%parallel_loop3A_211, %parallel_loop3A_212] {strides = array<i32>} : memref<5x128xf32, #tpu.memory_space<vmem>>, vector<16xf32>,
      tpu.vector_store %arg12[%parallel_loop3A_211, %parallel_loop3A_212], %parallel_loop3A_210 {strides = array<i32>} : memref<5x128xf32, #tpu.memory_space<vmem>>, vector<16xf32>,
    } {sc.loop_unroll_factor = 2 : i64, sc.parallel_access}
    %add3A_69 = arith.constant 0 : i32
    %add3A_70 = arith.addi %add3A_69, %mul3A_2 : i32
    %dma_start3A = arith.constant 0 : i32
    %dma_start3A_71 = tpu.memref_slice %arg11[%dma_start3A] : memref<3200xf32, #tpu.memory_space<vmem>> -> memref<640xf32, #tpu.memory_space<vmem>>
    %dma_start3A_72 = tpu.memref_slice %arg3[%add3A_70] : memref<51200xf32, #tpu.memory_space<hbm>> -> memref<640xf32, #tpu.memory_space<hbm>>
    %dma_start3A_73 = tpu.memref_slice %arg3[%add3A_70] : memref<51200xf32, #tpu.memory_space<hbm>> -> memref<640xf32, #tpu.memory_space<hbm>>
    %dma_start3A_74 = arith.constant 0 : i32
    %dma_start3A_75 = tpu.memref_slice %arg11[%dma_start3A_74] : memref<3200xf32, #tpu.memory_space<vmem>> -> memref<640xf32, #tpu.memory_space<vmem>>
    tpu.enqueue_dma source(%dma_start3A_75 : memref<640xf32, #tpu.memory_space<vmem>>) target(%dma_start3A_73 : memref<640xf32, #tpu.memory_space<hbm>>) target_semaphore(%arg18 : memref<!tpu.dma_semaphore, #tpu.memory_space<semaphore_mem>>)
    "tpu.region"() ({
      %run_scoped3A = tpu.sem_alloc : memref<!tpu.dma_semaphore, #tpu.memory_space<semaphore_mem>>
      %dma_start3A_185 = arith.constant 0 : i32
      %dma_start3A_186 = tpu.memref_slice %arg17[%mul3A_4, %dma_start3A_185] : memref<80x128xf32, #tpu.memory_space<vmem_shared>> -> memref<5x128xf32, #tpu.memory_space<vmem_shared>>
      %dma_start3A_187 = arith.constant 0 : i32
      %dma_start3A_188 = tpu.memref_slice %arg17[%mul3A_4, %dma_start3A_187] : memref<80x128xf32, #tpu.memory_space<vmem_shared>> -> memref<5x128xf32, #tpu.memory_space<vmem_shared>>
      tpu.enqueue_dma source(%arg12 : memref<5x128xf32, #tpu.memory_space<vmem>>) target(%dma_start3A_188 : memref<5x128xf32, #tpu.memory_space<vmem_shared>>) target_semaphore(%run_scoped3A : memref<!tpu.dma_semaphore, #tpu.memory_space<semaphore_mem>>)
      %dma_wait3A_189 = arith.constant 0 : i32
      %dma_wait3A_190 = tpu.memref_slice %arg17[%mul3A_4, %dma_wait3A_189] : memref<80x128xf32, #tpu.memory_space<vmem_shared>> -> memref<5x128xf32, #tpu.memory_space<vmem_shared>>
      %dma_wait3A_191 = arith.constant 0 : i32
      %dma_wait3A_192 = tpu.memref_slice %arg17[%mul3A_4, %dma_wait3A_191] : memref<80x128xf32, #tpu.memory_space<vmem_shared>> -> memref<5x128xf32, #tpu.memory_space<vmem_shared>>
      tpu.wait_dma2 semaphore(%run_scoped3A : memref<!tpu.dma_semaphore, #tpu.memory_space<semaphore_mem>>) src(%arg12 : memref<5x128xf32, #tpu.memory_space<vmem>>) dst(%dma_wait3A_192 : memref<5x128xf32, #tpu.memory_space<vmem_shared>>)
      tpu.yield
    }) : () -> ()
    %barrier3A_76 = arith.constant 0 : index
    tpu.barrier barrier_id(%barrier3A_76)
    "tpu.region"() ({
      %run_scoped3A = tpu.sem_alloc : memref<!tpu.dma_semaphore, #tpu.memory_space<semaphore_mem>>
      tpu.enqueue_dma source(%arg17 : memref<80x128xf32, #tpu.memory_space<vmem_shared>>) target(%arg5 : memref<80x128xf32, #tpu.memory_space<vmem>>) target_semaphore(%run_scoped3A : memref<!tpu.dma_semaphore, #tpu.memory_space<semaphore_mem>>)
      tpu.wait_dma2 semaphore(%run_scoped3A : memref<!tpu.dma_semaphore, #tpu.memory_space<semaphore_mem>>) src(%arg17 : memref<80x128xf32, #tpu.memory_space<vmem_shared>>) dst(%arg5 : memref<80x128xf32, #tpu.memory_space<vmem>>)
      tpu.yield
    }) : () -> ()
    %parallel_loop3A_77 = arith.constant 0 : i32
    %parallel_loop3A_78 = arith.constant 640 : i32
    %parallel_loop3A_79 = arith.constant 1 : i32
    scf.for %parallel_loop3A_185 = %parallel_loop3A_77 to %parallel_loop3A_78 step %parallel_loop3A_79  : i32 {
      %parallel_loop3A_186 = arith.constant 3 : i32
      %parallel_loop3A_187 = arith.shrui %parallel_loop3A_185, %parallel_loop3A_186 : i32
      %parallel_loop3A_188 = arith.constant 7 : i32
      %parallel_loop3A_189 = arith.andi %parallel_loop3A_185, %parallel_loop3A_188 : i32
      %parallel_loop3A_190 = arith.constant 16 : i32
      %parallel_loop3A_191 = arith.muli %parallel_loop3A_189, %parallel_loop3A_190 : i32
      %parallel_loop3A_192 = arith.index_cast %parallel_loop3A_187 : i32 to index
      %parallel_loop3A_193 = arith.index_cast %parallel_loop3A_191 : i32 to index
      %parallel_loop3A_194 = tpu.vector_load %arg6[%parallel_loop3A_192, %parallel_loop3A_193] {strides = array<i32>} : memref<80x128xf32, #tpu.memory_space<vmem>>, vector<16xf32>,
      tpu.vector_store %arg6[%parallel_loop3A_192, %parallel_loop3A_193], %broadcast_in_dim3A_5 {strides = array<i32>} : memref<80x128xf32, #tpu.memory_space<vmem>>, vector<16xf32>,
    } {sc.loop_unroll_factor = 8 : i64, sc.parallel_access}
    "tpu.region"() ({
      %run_scoped3A = tpu.sem_alloc : memref<!tpu.dma_semaphore, #tpu.memory_space<semaphore_mem>>
      %dma_start3A_185 = arith.constant 0 : i32
      %dma_start3A_186 = tpu.memref_slice %arg15[%mul3A_4, %dma_start3A_185] : memref<80x128xf32, #tpu.memory_space<vmem_shared>> -> memref<5x128xf32, #tpu.memory_space<vmem_shared>>
      %dma_start3A_187 = arith.constant 0 : i32
      %dma_start3A_188 = tpu.memref_slice %arg15[%mul3A_4, %dma_start3A_187] : memref<80x128xf32, #tpu.memory_space<vmem_shared>> -> memref<5x128xf32, #tpu.memory_space<vmem_shared>>
      tpu.enqueue_dma source(%arg13 : memref<5x128xf32, #tpu.memory_space<vmem>>) target(%dma_start3A_188 : memref<5x128xf32, #tpu.memory_space<vmem_shared>>) target_semaphore(%run_scoped3A : memref<!tpu.dma_semaphore, #tpu.memory_space<semaphore_mem>>)
      %dma_wait3A_189 = arith.constant 0 : i32
      %dma_wait3A_190 = tpu.memref_slice %arg15[%mul3A_4, %dma_wait3A_189] : memref<80x128xf32, #tpu.memory_space<vmem_shared>> -> memref<5x128xf32, #tpu.memory_space<vmem_shared>>
      %dma_wait3A_191 = arith.constant 0 : i32
      %dma_wait3A_192 = tpu.memref_slice %arg15[%mul3A_4, %dma_wait3A_191] : memref<80x128xf32, #tpu.memory_space<vmem_shared>> -> memref<5x128xf32, #tpu.memory_space<vmem_shared>>
      tpu.wait_dma2 semaphore(%run_scoped3A : memref<!tpu.dma_semaphore, #tpu.memory_space<semaphore_mem>>) src(%arg13 : memref<5x128xf32, #tpu.memory_space<vmem>>) dst(%dma_wait3A_192 : memref<5x128xf32, #tpu.memory_space<vmem_shared>>)
      tpu.yield
    }) : () -> ()
    %parallel_loop3A_80 = arith.constant 0 : i32
    %parallel_loop3A_81 = arith.constant 1250 : i32
    %parallel_loop3A_82 = arith.constant 1 : i32
    scf.for %parallel_loop3A_185 = %parallel_loop3A_80 to %parallel_loop3A_81 step %parallel_loop3A_82  : i32 {
      %parallel_loop3A_186 = arith.constant 16 : i32
      %parallel_loop3A_187 = arith.muli %parallel_loop3A_185, %parallel_loop3A_186 : i32
      %parallel_loop3A_188 = arith.index_cast %parallel_loop3A_187 : i32 to index
      %parallel_loop3A_189 = tpu.vector_load %arg4[%parallel_loop3A_188] {strides = array<i32>} : memref<20000xi32, #tpu.memory_space<vmem>>, vector<16xi32>,
      %parallel_loop3A_190 = arith.constant 16 : i32
      %parallel_loop3A_191 = vector.broadcast %parallel_loop3A_190 : i32 to vector<16xi32>
      %parallel_loop3A_192 = arith.shrui %parallel_loop3A_189, %parallel_loop3A_191 : vector<16xi32>
      %parallel_loop3A_193 = arith.constant 7 : i32
      %parallel_loop3A_194 = vector.broadcast %parallel_loop3A_193 : i32 to vector<16xi32>
      %parallel_loop3A_195 = arith.shrui %parallel_loop3A_192, %parallel_loop3A_194 : vector<16xi32>
      %parallel_loop3A_196 = arith.andi %parallel_loop3A_192, %broadcast_in_dim3A_11 : vector<16xi32>
      %parallel_loop3A_197 = tpu.vector_load_idx %arg5[%parallel_loop3A_195, %parallel_loop3A_196] : memref<80x128xf32, #tpu.memory_space<vmem>>[vector<16xi32>, vector<16xi32>], vector<16xf32>,
      %parallel_loop3A_198 = arith.andi %parallel_loop3A_189, %broadcast_in_dim3A_9 : vector<16xi32>
      %parallel_loop3A_199 = arith.constant 7 : i32
      %parallel_loop3A_200 = vector.broadcast %parallel_loop3A_199 : i32 to vector<16xi32>
      %parallel_loop3A_201 = arith.shrui %parallel_loop3A_198, %parallel_loop3A_200 : vector<16xi32>
      %parallel_loop3A_202 = arith.andi %parallel_loop3A_198, %broadcast_in_dim3A_11 : vector<16xi32>
      tpu.vector_store_idx %arg6[%parallel_loop3A_201, %parallel_loop3A_202], %parallel_loop3A_197 {add = true} : memref<80x128xf32, #tpu.memory_space<vmem>>[vector<16xi32>, vector<16xi32>], vector<16xf32>,
    } {sc.loop_unroll_factor = 8 : i64, sc.parallel_access}
    %barrier3A_83 = arith.constant 0 : index
    tpu.barrier barrier_id(%barrier3A_83)
    "tpu.region"() ({
      %run_scoped3A = tpu.sem_alloc : memref<!tpu.dma_semaphore, #tpu.memory_space<semaphore_mem>>
      %dma_start3A_185 = arith.constant 0 : i32
      %dma_start3A_186 = arith.constant 0 : i32
      %dma_start3A_187 = tpu.memref_slice %arg15[%dma_start3A_185, %dma_start3A_186] : memref<80x128xf32, #tpu.memory_space<vmem_shared>> -> memref<80x128xf32, #tpu.memory_space<vmem_shared>>
      tpu.enqueue_indirect_dma source(%arg6 : memref<80x128xf32, #tpu.memory_space<vmem>>) target(%dma_start3A_187 : memref<80x128xf32, #tpu.memory_space<vmem_shared>>) offsets(%arg14 : memref<80xi32, #tpu.memory_space<vmem>>) semaphore(%run_scoped3A : memref<!tpu.dma_semaphore, #tpu.memory_space<semaphore_mem>>) {add = true}
      %dma_wait3A_188 = arith.constant 0 : i32
      %dma_wait3A_189 = arith.constant 0 : i32
      %dma_wait3A_190 = tpu.memref_slice %arg15[%dma_wait3A_188, %dma_wait3A_189] : memref<80x128xf32, #tpu.memory_space<vmem_shared>> -> memref<80x128xf32, #tpu.memory_space<vmem_shared>>
      tpu.wait_indirect_dma semaphore(%run_scoped3A : memref<!tpu.dma_semaphore, #tpu.memory_space<semaphore_mem>>) src(%arg6 : memref<80x128xf32, #tpu.memory_space<vmem>>) dst(%dma_wait3A_190 : memref<80x128xf32, #tpu.memory_space<vmem_shared>>)
      tpu.yield
    }) : () -> ()
    %barrier3A_84 = arith.constant 0 : index
    tpu.barrier barrier_id(%barrier3A_84)
    "tpu.region"() ({
      %run_scoped3A = tpu.sem_alloc : memref<!tpu.dma_semaphore, #tpu.memory_space<semaphore_mem>>
      %dma_start3A_185 = arith.constant 0 : i32
      %dma_start3A_186 = tpu.memref_slice %arg15[%mul3A_4, %dma_start3A_185] : memref<80x128xf32, #tpu.memory_space<vmem_shared>> -> memref<5x128xf32, #tpu.memory_space<vmem_shared>>
      %dma_start3A_187 = arith.constant 0 : i32
      %dma_start3A_188 = tpu.memref_slice %arg15[%mul3A_4, %dma_start3A_187] : memref<80x128xf32, #tpu.memory_space<vmem_shared>> -> memref<5x128xf32, #tpu.memory_space<vmem_shared>>
      tpu.enqueue_dma source(%dma_start3A_188 : memref<5x128xf32, #tpu.memory_space<vmem_shared>>) target(%arg8 : memref<5x128xf32, #tpu.memory_space<vmem>>) target_semaphore(%run_scoped3A : memref<!tpu.dma_semaphore, #tpu.memory_space<semaphore_mem>>)
      %dma_wait3A_189 = arith.constant 0 : i32
      %dma_wait3A_190 = tpu.memref_slice %arg15[%mul3A_4, %dma_wait3A_189] : memref<80x128xf32, #tpu.memory_space<vmem_shared>> -> memref<5x128xf32, #tpu.memory_space<vmem_shared>>
      %dma_wait3A_191 = arith.constant 0 : i32
      %dma_wait3A_192 = tpu.memref_slice %arg15[%mul3A_4, %dma_wait3A_191] : memref<80x128xf32, #tpu.memory_space<vmem_shared>> -> memref<5x128xf32, #tpu.memory_space<vmem_shared>>
      tpu.wait_dma2 semaphore(%run_scoped3A : memref<!tpu.dma_semaphore, #tpu.memory_space<semaphore_mem>>) src(%dma_wait3A_192 : memref<5x128xf32, #tpu.memory_space<vmem_shared>>) dst(%arg8 : memref<5x128xf32, #tpu.memory_space<vmem>>)
      tpu.yield
    }) : () -> ()
    %parallel_loop3A_85 = arith.constant 0 : i32
    %parallel_loop3A_86 = arith.constant 40 : i32
    %parallel_loop3A_87 = arith.constant 1 : i32
    scf.for %parallel_loop3A_185 = %parallel_loop3A_85 to %parallel_loop3A_86 step %parallel_loop3A_87  : i32 {
      %parallel_loop3A_186 = arith.constant 3 : i32
      %parallel_loop3A_187 = arith.shrui %parallel_loop3A_185, %parallel_loop3A_186 : i32
      %parallel_loop3A_188 = arith.constant 7 : i32
      %parallel_loop3A_189 = arith.andi %parallel_loop3A_185, %parallel_loop3A_188 : i32
      %parallel_loop3A_190 = arith.constant 16 : i32
      %parallel_loop3A_191 = arith.muli %parallel_loop3A_189, %parallel_loop3A_190 : i32
      %parallel_loop3A_192 = arith.constant 16 : i32
      %parallel_loop3A_193 = arith.muli %parallel_loop3A_185, %parallel_loop3A_192 : i32
      %parallel_loop3A_194 = arith.index_cast %parallel_loop3A_193 : i32 to index
      %parallel_loop3A_195 = tpu.vector_load %arg9[%parallel_loop3A_194] {strides = array<i32>} : memref<640xf32, #tpu.memory_space<vmem>>, vector<16xf32>,
      %parallel_loop3A_196 = arith.index_cast %parallel_loop3A_187 : i32 to index
      %parallel_loop3A_197 = arith.index_cast %parallel_loop3A_191 : i32 to index
      %parallel_loop3A_198 = tpu.vector_load %arg8[%parallel_loop3A_196, %parallel_loop3A_197] {strides = array<i32>} : memref<5x128xf32, #tpu.memory_space<vmem>>, vector<16xf32>,
      %parallel_loop3A_199 = arith.mulf %parallel_loop3A_195, %parallel_loop3A_198 : vector<16xf32>
      %parallel_loop3A_200 = arith.constant 16 : i32
      %parallel_loop3A_201 = arith.muli %parallel_loop3A_185, %parallel_loop3A_200 : i32
      %parallel_loop3A_202 = arith.constant 640 : i32
      %parallel_loop3A_203 = arith.addi %parallel_loop3A_202, %parallel_loop3A_201 : i32
      %parallel_loop3A_204 = arith.index_cast %parallel_loop3A_203 : i32 to index
      %parallel_loop3A_205 = tpu.vector_load %arg11[%parallel_loop3A_204] {strides = array<i32>} : memref<3200xf32, #tpu.memory_space<vmem>>, vector<16xf32>,
      tpu.vector_store %arg11[%parallel_loop3A_204], %parallel_loop3A_199 {strides = array<i32>} : memref<3200xf32, #tpu.memory_space<vmem>>, vector<16xf32>,
      %parallel_loop3A_206 = arith.constant 16 : i32
      %parallel_loop3A_207 = arith.muli %parallel_loop3A_185, %parallel_loop3A_206 : i32
      %parallel_loop3A_208 = arith.index_cast %parallel_loop3A_207 : i32 to index
      %parallel_loop3A_209 = tpu.vector_load %arg10[%parallel_loop3A_208] {strides = array<i32>} : memref<640xf32, #tpu.memory_space<vmem>>, vector<16xf32>,
      %parallel_loop3A_210 = arith.mulf %parallel_loop3A_209, %parallel_loop3A_199 : vector<16xf32>
      %parallel_loop3A_211 = arith.index_cast %parallel_loop3A_187 : i32 to index
      %parallel_loop3A_212 = arith.index_cast %parallel_loop3A_191 : i32 to index
      %parallel_loop3A_213 = tpu.vector_load %arg12[%parallel_loop3A_211, %parallel_loop3A_212] {strides = array<i32>} : memref<5x128xf32, #tpu.memory_space<vmem>>, vector<16xf32>,
      tpu.vector_store %arg12[%parallel_loop3A_211, %parallel_loop3A_212], %parallel_loop3A_210 {strides = array<i32>} : memref<5x128xf32, #tpu.memory_space<vmem>>, vector<16xf32>,
    } {sc.loop_unroll_factor = 2 : i64, sc.parallel_access}
    %add3A_88 = arith.constant 10240 : i32
    %add3A_89 = arith.addi %add3A_88, %mul3A_2 : i32
    %dma_start3A_90 = arith.constant 640 : i32
    %dma_start3A_91 = tpu.memref_slice %arg11[%dma_start3A_90] : memref<3200xf32, #tpu.memory_space<vmem>> -> memref<640xf32, #tpu.memory_space<vmem>>
    %dma_start3A_92 = tpu.memref_slice %arg3[%add3A_89] : memref<51200xf32, #tpu.memory_space<hbm>> -> memref<640xf32, #tpu.memory_space<hbm>>
    %dma_start3A_93 = tpu.memref_slice %arg3[%add3A_89] : memref<51200xf32, #tpu.memory_space<hbm>> -> memref<640xf32, #tpu.memory_space<hbm>>
    %dma_start3A_94 = arith.constant 640 : i32
    %dma_start3A_95 = tpu.memref_slice %arg11[%dma_start3A_94] : memref<3200xf32, #tpu.memory_space<vmem>> -> memref<640xf32, #tpu.memory_space<vmem>>
    tpu.enqueue_dma source(%dma_start3A_95 : memref<640xf32, #tpu.memory_space<vmem>>) target(%dma_start3A_93 : memref<640xf32, #tpu.memory_space<hbm>>) target_semaphore(%arg18 : memref<!tpu.dma_semaphore, #tpu.memory_space<semaphore_mem>>)
    "tpu.region"() ({
      %run_scoped3A = tpu.sem_alloc : memref<!tpu.dma_semaphore, #tpu.memory_space<semaphore_mem>>
      %dma_start3A_185 = arith.constant 0 : i32
      %dma_start3A_186 = tpu.memref_slice %arg17[%mul3A_4, %dma_start3A_185] : memref<80x128xf32, #tpu.memory_space<vmem_shared>> -> memref<5x128xf32, #tpu.memory_space<vmem_shared>>
      %dma_start3A_187 = arith.constant 0 : i32
      %dma_start3A_188 = tpu.memref_slice %arg17[%mul3A_4, %dma_start3A_187] : memref<80x128xf32, #tpu.memory_space<vmem_shared>> -> memref<5x128xf32, #tpu.memory_space<vmem_shared>>
      tpu.enqueue_dma source(%arg12 : memref<5x128xf32, #tpu.memory_space<vmem>>) target(%dma_start3A_188 : memref<5x128xf32, #tpu.memory_space<vmem_shared>>) target_semaphore(%run_scoped3A : memref<!tpu.dma_semaphore, #tpu.memory_space<semaphore_mem>>)
      %dma_wait3A_189 = arith.constant 0 : i32
      %dma_wait3A_190 = tpu.memref_slice %arg17[%mul3A_4, %dma_wait3A_189] : memref<80x128xf32, #tpu.memory_space<vmem_shared>> -> memref<5x128xf32, #tpu.memory_space<vmem_shared>>
      %dma_wait3A_191 = arith.constant 0 : i32
      %dma_wait3A_192 = tpu.memref_slice %arg17[%mul3A_4, %dma_wait3A_191] : memref<80x128xf32, #tpu.memory_space<vmem_shared>> -> memref<5x128xf32, #tpu.memory_space<vmem_shared>>
      tpu.wait_dma2 semaphore(%run_scoped3A : memref<!tpu.dma_semaphore, #tpu.memory_space<semaphore_mem>>) src(%arg12 : memref<5x128xf32, #tpu.memory_space<vmem>>) dst(%dma_wait3A_192 : memref<5x128xf32, #tpu.memory_space<vmem_shared>>)
      tpu.yield
    }) : () -> ()
    %barrier3A_96 = arith.constant 0 : index
    tpu.barrier barrier_id(%barrier3A_96)
    "tpu.region"() ({
      %run_scoped3A = tpu.sem_alloc : memref<!tpu.dma_semaphore, #tpu.memory_space<semaphore_mem>>
      tpu.enqueue_dma source(%arg17 : memref<80x128xf32, #tpu.memory_space<vmem_shared>>) target(%arg5 : memref<80x128xf32, #tpu.memory_space<vmem>>) target_semaphore(%run_scoped3A : memref<!tpu.dma_semaphore, #tpu.memory_space<semaphore_mem>>)
      tpu.wait_dma2 semaphore(%run_scoped3A : memref<!tpu.dma_semaphore, #tpu.memory_space<semaphore_mem>>) src(%arg17 : memref<80x128xf32, #tpu.memory_space<vmem_shared>>) dst(%arg5 : memref<80x128xf32, #tpu.memory_space<vmem>>)
      tpu.yield
    }) : () -> ()
    %parallel_loop3A_97 = arith.constant 0 : i32
    %parallel_loop3A_98 = arith.constant 640 : i32
    %parallel_loop3A_99 = arith.constant 1 : i32
    scf.for %parallel_loop3A_185 = %parallel_loop3A_97 to %parallel_loop3A_98 step %parallel_loop3A_99  : i32 {
      %parallel_loop3A_186 = arith.constant 3 : i32
      %parallel_loop3A_187 = arith.shrui %parallel_loop3A_185, %parallel_loop3A_186 : i32
      %parallel_loop3A_188 = arith.constant 7 : i32
      %parallel_loop3A_189 = arith.andi %parallel_loop3A_185, %parallel_loop3A_188 : i32
      %parallel_loop3A_190 = arith.constant 16 : i32
      %parallel_loop3A_191 = arith.muli %parallel_loop3A_189, %parallel_loop3A_190 : i32
      %parallel_loop3A_192 = arith.index_cast %parallel_loop3A_187 : i32 to index
      %parallel_loop3A_193 = arith.index_cast %parallel_loop3A_191 : i32 to index
      %parallel_loop3A_194 = tpu.vector_load %arg6[%parallel_loop3A_192, %parallel_loop3A_193] {strides = array<i32>} : memref<80x128xf32, #tpu.memory_space<vmem>>, vector<16xf32>,
      tpu.vector_store %arg6[%parallel_loop3A_192, %parallel_loop3A_193], %broadcast_in_dim3A_5 {strides = array<i32>} : memref<80x128xf32, #tpu.memory_space<vmem>>, vector<16xf32>,
    } {sc.loop_unroll_factor = 8 : i64, sc.parallel_access}
    "tpu.region"() ({
      %run_scoped3A = tpu.sem_alloc : memref<!tpu.dma_semaphore, #tpu.memory_space<semaphore_mem>>
      %dma_start3A_185 = arith.constant 0 : i32
      %dma_start3A_186 = tpu.memref_slice %arg15[%mul3A_4, %dma_start3A_185] : memref<80x128xf32, #tpu.memory_space<vmem_shared>> -> memref<5x128xf32, #tpu.memory_space<vmem_shared>>
      %dma_start3A_187 = arith.constant 0 : i32
      %dma_start3A_188 = tpu.memref_slice %arg15[%mul3A_4, %dma_start3A_187] : memref<80x128xf32, #tpu.memory_space<vmem_shared>> -> memref<5x128xf32, #tpu.memory_space<vmem_shared>>
      tpu.enqueue_dma source(%arg13 : memref<5x128xf32, #tpu.memory_space<vmem>>) target(%dma_start3A_188 : memref<5x128xf32, #tpu.memory_space<vmem_shared>>) target_semaphore(%run_scoped3A : memref<!tpu.dma_semaphore, #tpu.memory_space<semaphore_mem>>)
      %dma_wait3A_189 = arith.constant 0 : i32
      %dma_wait3A_190 = tpu.memref_slice %arg15[%mul3A_4, %dma_wait3A_189] : memref<80x128xf32, #tpu.memory_space<vmem_shared>> -> memref<5x128xf32, #tpu.memory_space<vmem_shared>>
      %dma_wait3A_191 = arith.constant 0 : i32
      %dma_wait3A_192 = tpu.memref_slice %arg15[%mul3A_4, %dma_wait3A_191] : memref<80x128xf32, #tpu.memory_space<vmem_shared>> -> memref<5x128xf32, #tpu.memory_space<vmem_shared>>
      tpu.wait_dma2 semaphore(%run_scoped3A : memref<!tpu.dma_semaphore, #tpu.memory_space<semaphore_mem>>) src(%arg13 : memref<5x128xf32, #tpu.memory_space<vmem>>) dst(%dma_wait3A_192 : memref<5x128xf32, #tpu.memory_space<vmem_shared>>)
      tpu.yield
    }) : () -> ()
    %parallel_loop3A_100 = arith.constant 0 : i32
    %parallel_loop3A_101 = arith.constant 1250 : i32
    %parallel_loop3A_102 = arith.constant 1 : i32
    scf.for %parallel_loop3A_185 = %parallel_loop3A_100 to %parallel_loop3A_101 step %parallel_loop3A_102  : i32 {
      %parallel_loop3A_186 = arith.constant 16 : i32
      %parallel_loop3A_187 = arith.muli %parallel_loop3A_185, %parallel_loop3A_186 : i32
      %parallel_loop3A_188 = arith.index_cast %parallel_loop3A_187 : i32 to index
      %parallel_loop3A_189 = tpu.vector_load %arg4[%parallel_loop3A_188] {strides = array<i32>} : memref<20000xi32, #tpu.memory_space<vmem>>, vector<16xi32>,
      %parallel_loop3A_190 = arith.constant 16 : i32
      %parallel_loop3A_191 = vector.broadcast %parallel_loop3A_190 : i32 to vector<16xi32>
      %parallel_loop3A_192 = arith.shrui %parallel_loop3A_189, %parallel_loop3A_191 : vector<16xi32>
      %parallel_loop3A_193 = arith.constant 7 : i32
      %parallel_loop3A_194 = vector.broadcast %parallel_loop3A_193 : i32 to vector<16xi32>
      %parallel_loop3A_195 = arith.shrui %parallel_loop3A_192, %parallel_loop3A_194 : vector<16xi32>
      %parallel_loop3A_196 = arith.andi %parallel_loop3A_192, %broadcast_in_dim3A_11 : vector<16xi32>
      %parallel_loop3A_197 = tpu.vector_load_idx %arg5[%parallel_loop3A_195, %parallel_loop3A_196] : memref<80x128xf32, #tpu.memory_space<vmem>>[vector<16xi32>, vector<16xi32>], vector<16xf32>,
      %parallel_loop3A_198 = arith.andi %parallel_loop3A_189, %broadcast_in_dim3A_9 : vector<16xi32>
      %parallel_loop3A_199 = arith.constant 7 : i32
      %parallel_loop3A_200 = vector.broadcast %parallel_loop3A_199 : i32 to vector<16xi32>
      %parallel_loop3A_201 = arith.shrui %parallel_loop3A_198, %parallel_loop3A_200 : vector<16xi32>
      %parallel_loop3A_202 = arith.andi %parallel_loop3A_198, %broadcast_in_dim3A_11 : vector<16xi32>
      tpu.vector_store_idx %arg6[%parallel_loop3A_201, %parallel_loop3A_202], %parallel_loop3A_197 {add = true} : memref<80x128xf32, #tpu.memory_space<vmem>>[vector<16xi32>, vector<16xi32>], vector<16xf32>,
    } {sc.loop_unroll_factor = 8 : i64, sc.parallel_access}
    %barrier3A_103 = arith.constant 0 : index
    tpu.barrier barrier_id(%barrier3A_103)
    "tpu.region"() ({
      %run_scoped3A = tpu.sem_alloc : memref<!tpu.dma_semaphore, #tpu.memory_space<semaphore_mem>>
      %dma_start3A_185 = arith.constant 0 : i32
      %dma_start3A_186 = arith.constant 0 : i32
      %dma_start3A_187 = tpu.memref_slice %arg15[%dma_start3A_185, %dma_start3A_186] : memref<80x128xf32, #tpu.memory_space<vmem_shared>> -> memref<80x128xf32, #tpu.memory_space<vmem_shared>>
      tpu.enqueue_indirect_dma source(%arg6 : memref<80x128xf32, #tpu.memory_space<vmem>>) target(%dma_start3A_187 : memref<80x128xf32, #tpu.memory_space<vmem_shared>>) offsets(%arg14 : memref<80xi32, #tpu.memory_space<vmem>>) semaphore(%run_scoped3A : memref<!tpu.dma_semaphore, #tpu.memory_space<semaphore_mem>>) {add = true}
      %dma_wait3A_188 = arith.constant 0 : i32
      %dma_wait3A_189 = arith.constant 0 : i32
      %dma_wait3A_190 = tpu.memref_slice %arg15[%dma_wait3A_188, %dma_wait3A_189] : memref<80x128xf32, #tpu.memory_space<vmem_shared>> -> memref<80x128xf32, #tpu.memory_space<vmem_shared>>
      tpu.wait_indirect_dma semaphore(%run_scoped3A : memref<!tpu.dma_semaphore, #tpu.memory_space<semaphore_mem>>) src(%arg6 : memref<80x128xf32, #tpu.memory_space<vmem>>) dst(%dma_wait3A_190 : memref<80x128xf32, #tpu.memory_space<vmem_shared>>)
      tpu.yield
    }) : () -> ()
    %barrier3A_104 = arith.constant 0 : index
    tpu.barrier barrier_id(%barrier3A_104)
    "tpu.region"() ({
      %run_scoped3A = tpu.sem_alloc : memref<!tpu.dma_semaphore, #tpu.memory_space<semaphore_mem>>
      %dma_start3A_185 = arith.constant 0 : i32
      %dma_start3A_186 = tpu.memref_slice %arg15[%mul3A_4, %dma_start3A_185] : memref<80x128xf32, #tpu.memory_space<vmem_shared>> -> memref<5x128xf32, #tpu.memory_space<vmem_shared>>
      %dma_start3A_187 = arith.constant 0 : i32
      %dma_start3A_188 = tpu.memref_slice %arg15[%mul3A_4, %dma_start3A_187] : memref<80x128xf32, #tpu.memory_space<vmem_shared>> -> memref<5x128xf32, #tpu.memory_space<vmem_shared>>
      tpu.enqueue_dma source(%dma_start3A_188 : memref<5x128xf32, #tpu.memory_space<vmem_shared>>) target(%arg8 : memref<5x128xf32, #tpu.memory_space<vmem>>) target_semaphore(%run_scoped3A : memref<!tpu.dma_semaphore, #tpu.memory_space<semaphore_mem>>)
      %dma_wait3A_189 = arith.constant 0 : i32
      %dma_wait3A_190 = tpu.memref_slice %arg15[%mul3A_4, %dma_wait3A_189] : memref<80x128xf32, #tpu.memory_space<vmem_shared>> -> memref<5x128xf32, #tpu.memory_space<vmem_shared>>
      %dma_wait3A_191 = arith.constant 0 : i32
      %dma_wait3A_192 = tpu.memref_slice %arg15[%mul3A_4, %dma_wait3A_191] : memref<80x128xf32, #tpu.memory_space<vmem_shared>> -> memref<5x128xf32, #tpu.memory_space<vmem_shared>>
      tpu.wait_dma2 semaphore(%run_scoped3A : memref<!tpu.dma_semaphore, #tpu.memory_space<semaphore_mem>>) src(%dma_wait3A_192 : memref<5x128xf32, #tpu.memory_space<vmem_shared>>) dst(%arg8 : memref<5x128xf32, #tpu.memory_space<vmem>>)
      tpu.yield
    }) : () -> ()
    %parallel_loop3A_105 = arith.constant 0 : i32
    %parallel_loop3A_106 = arith.constant 40 : i32
    %parallel_loop3A_107 = arith.constant 1 : i32
    scf.for %parallel_loop3A_185 = %parallel_loop3A_105 to %parallel_loop3A_106 step %parallel_loop3A_107  : i32 {
      %parallel_loop3A_186 = arith.constant 3 : i32
      %parallel_loop3A_187 = arith.shrui %parallel_loop3A_185, %parallel_loop3A_186 : i32
      %parallel_loop3A_188 = arith.constant 7 : i32
      %parallel_loop3A_189 = arith.andi %parallel_loop3A_185, %parallel_loop3A_188 : i32
      %parallel_loop3A_190 = arith.constant 16 : i32
      %parallel_loop3A_191 = arith.muli %parallel_loop3A_189, %parallel_loop3A_190 : i32
      %parallel_loop3A_192 = arith.constant 16 : i32
      %parallel_loop3A_193 = arith.muli %parallel_loop3A_185, %parallel_loop3A_192 : i32
      %parallel_loop3A_194 = arith.index_cast %parallel_loop3A_193 : i32 to index
      %parallel_loop3A_195 = tpu.vector_load %arg9[%parallel_loop3A_194] {strides = array<i32>} : memref<640xf32, #tpu.memory_space<vmem>>, vector<16xf32>,
      %parallel_loop3A_196 = arith.index_cast %parallel_loop3A_187 : i32 to index
      %parallel_loop3A_197 = arith.index_cast %parallel_loop3A_191 : i32 to index
      %parallel_loop3A_198 = tpu.vector_load %arg8[%parallel_loop3A_196, %parallel_loop3A_197] {strides = array<i32>} : memref<5x128xf32, #tpu.memory_space<vmem>>, vector<16xf32>,
      %parallel_loop3A_199 = arith.mulf %parallel_loop3A_195, %parallel_loop3A_198 : vector<16xf32>
      %parallel_loop3A_200 = arith.constant 16 : i32
      %parallel_loop3A_201 = arith.muli %parallel_loop3A_185, %parallel_loop3A_200 : i32
      %parallel_loop3A_202 = arith.constant 1280 : i32
      %parallel_loop3A_203 = arith.addi %parallel_loop3A_202, %parallel_loop3A_201 : i32
      %parallel_loop3A_204 = arith.index_cast %parallel_loop3A_203 : i32 to index
      %parallel_loop3A_205 = tpu.vector_load %arg11[%parallel_loop3A_204] {strides = array<i32>} : memref<3200xf32, #tpu.memory_space<vmem>>, vector<16xf32>,
      tpu.vector_store %arg11[%parallel_loop3A_204], %parallel_loop3A_199 {strides = array<i32>} : memref<3200xf32, #tpu.memory_space<vmem>>, vector<16xf32>,
      %parallel_loop3A_206 = arith.constant 16 : i32
      %parallel_loop3A_207 = arith.muli %parallel_loop3A_185, %parallel_loop3A_206 : i32
      %parallel_loop3A_208 = arith.index_cast %parallel_loop3A_207 : i32 to index
      %parallel_loop3A_209 = tpu.vector_load %arg10[%parallel_loop3A_208] {strides = array<i32>} : memref<640xf32, #tpu.memory_space<vmem>>, vector<16xf32>,
      %parallel_loop3A_210 = arith.mulf %parallel_loop3A_209, %parallel_loop3A_199 : vector<16xf32>
      %parallel_loop3A_211 = arith.index_cast %parallel_loop3A_187 : i32 to index
      %parallel_loop3A_212 = arith.index_cast %parallel_loop3A_191 : i32 to index
      %parallel_loop3A_213 = tpu.vector_load %arg12[%parallel_loop3A_211, %parallel_loop3A_212] {strides = array<i32>} : memref<5x128xf32, #tpu.memory_space<vmem>>, vector<16xf32>,
      tpu.vector_store %arg12[%parallel_loop3A_211, %parallel_loop3A_212], %parallel_loop3A_210 {strides = array<i32>} : memref<5x128xf32, #tpu.memory_space<vmem>>, vector<16xf32>,
    } {sc.loop_unroll_factor = 2 : i64, sc.parallel_access}
    %add3A_108 = arith.constant 20480 : i32
    %add3A_109 = arith.addi %add3A_108, %mul3A_2 : i32
    %dma_start3A_110 = arith.constant 1280 : i32
    %dma_start3A_111 = tpu.memref_slice %arg11[%dma_start3A_110] : memref<3200xf32, #tpu.memory_space<vmem>> -> memref<640xf32, #tpu.memory_space<vmem>>
    %dma_start3A_112 = tpu.memref_slice %arg3[%add3A_109] : memref<51200xf32, #tpu.memory_space<hbm>> -> memref<640xf32, #tpu.memory_space<hbm>>
    %dma_start3A_113 = tpu.memref_slice %arg3[%add3A_109] : memref<51200xf32, #tpu.memory_space<hbm>> -> memref<640xf32, #tpu.memory_space<hbm>>
    %dma_start3A_114 = arith.constant 1280 : i32
    %dma_start3A_115 = tpu.memref_slice %arg11[%dma_start3A_114] : memref<3200xf32, #tpu.memory_space<vmem>> -> memref<640xf32, #tpu.memory_space<vmem>>
    tpu.enqueue_dma source(%dma_start3A_115 : memref<640xf32, #tpu.memory_space<vmem>>) target(%dma_start3A_113 : memref<640xf32, #tpu.memory_space<hbm>>) target_semaphore(%arg18 : memref<!tpu.dma_semaphore, #tpu.memory_space<semaphore_mem>>)
    "tpu.region"() ({
      %run_scoped3A = tpu.sem_alloc : memref<!tpu.dma_semaphore, #tpu.memory_space<semaphore_mem>>
      %dma_start3A_185 = arith.constant 0 : i32
      %dma_start3A_186 = tpu.memref_slice %arg17[%mul3A_4, %dma_start3A_185] : memref<80x128xf32, #tpu.memory_space<vmem_shared>> -> memref<5x128xf32, #tpu.memory_space<vmem_shared>>
      %dma_start3A_187 = arith.constant 0 : i32
      %dma_start3A_188 = tpu.memref_slice %arg17[%mul3A_4, %dma_start3A_187] : memref<80x128xf32, #tpu.memory_space<vmem_shared>> -> memref<5x128xf32, #tpu.memory_space<vmem_shared>>
      tpu.enqueue_dma source(%arg12 : memref<5x128xf32, #tpu.memory_space<vmem>>) target(%dma_start3A_188 : memref<5x128xf32, #tpu.memory_space<vmem_shared>>) target_semaphore(%run_scoped3A : memref<!tpu.dma_semaphore, #tpu.memory_space<semaphore_mem>>)
      %dma_wait3A_189 = arith.constant 0 : i32
      %dma_wait3A_190 = tpu.memref_slice %arg17[%mul3A_4, %dma_wait3A_189] : memref<80x128xf32, #tpu.memory_space<vmem_shared>> -> memref<5x128xf32, #tpu.memory_space<vmem_shared>>
      %dma_wait3A_191 = arith.constant 0 : i32
      %dma_wait3A_192 = tpu.memref_slice %arg17[%mul3A_4, %dma_wait3A_191] : memref<80x128xf32, #tpu.memory_space<vmem_shared>> -> memref<5x128xf32, #tpu.memory_space<vmem_shared>>
      tpu.wait_dma2 semaphore(%run_scoped3A : memref<!tpu.dma_semaphore, #tpu.memory_space<semaphore_mem>>) src(%arg12 : memref<5x128xf32, #tpu.memory_space<vmem>>) dst(%dma_wait3A_192 : memref<5x128xf32, #tpu.memory_space<vmem_shared>>)
      tpu.yield
    }) : () -> ()
    %barrier3A_116 = arith.constant 0 : index
    tpu.barrier barrier_id(%barrier3A_116)
    "tpu.region"() ({
      %run_scoped3A = tpu.sem_alloc : memref<!tpu.dma_semaphore, #tpu.memory_space<semaphore_mem>>
      tpu.enqueue_dma source(%arg17 : memref<80x128xf32, #tpu.memory_space<vmem_shared>>) target(%arg5 : memref<80x128xf32, #tpu.memory_space<vmem>>) target_semaphore(%run_scoped3A : memref<!tpu.dma_semaphore, #tpu.memory_space<semaphore_mem>>)
      tpu.wait_dma2 semaphore(%run_scoped3A : memref<!tpu.dma_semaphore, #tpu.memory_space<semaphore_mem>>) src(%arg17 : memref<80x128xf32, #tpu.memory_space<vmem_shared>>) dst(%arg5 : memref<80x128xf32, #tpu.memory_space<vmem>>)
      tpu.yield
    }) : () -> ()
    %parallel_loop3A_117 = arith.constant 0 : i32
    %parallel_loop3A_118 = arith.constant 640 : i32
    %parallel_loop3A_119 = arith.constant 1 : i32
    scf.for %parallel_loop3A_185 = %parallel_loop3A_117 to %parallel_loop3A_118 step %parallel_loop3A_119  : i32 {
      %parallel_loop3A_186 = arith.constant 3 : i32
      %parallel_loop3A_187 = arith.shrui %parallel_loop3A_185, %parallel_loop3A_186 : i32
      %parallel_loop3A_188 = arith.constant 7 : i32
      %parallel_loop3A_189 = arith.andi %parallel_loop3A_185, %parallel_loop3A_188 : i32
      %parallel_loop3A_190 = arith.constant 16 : i32
      %parallel_loop3A_191 = arith.muli %parallel_loop3A_189, %parallel_loop3A_190 : i32
      %parallel_loop3A_192 = arith.index_cast %parallel_loop3A_187 : i32 to index
      %parallel_loop3A_193 = arith.index_cast %parallel_loop3A_191 : i32 to index
      %parallel_loop3A_194 = tpu.vector_load %arg6[%parallel_loop3A_192, %parallel_loop3A_193] {strides = array<i32>} : memref<80x128xf32, #tpu.memory_space<vmem>>, vector<16xf32>,
      tpu.vector_store %arg6[%parallel_loop3A_192, %parallel_loop3A_193], %broadcast_in_dim3A_5 {strides = array<i32>} : memref<80x128xf32, #tpu.memory_space<vmem>>, vector<16xf32>,
    } {sc.loop_unroll_factor = 8 : i64, sc.parallel_access}
    "tpu.region"() ({
      %run_scoped3A = tpu.sem_alloc : memref<!tpu.dma_semaphore, #tpu.memory_space<semaphore_mem>>
      %dma_start3A_185 = arith.constant 0 : i32
      %dma_start3A_186 = tpu.memref_slice %arg15[%mul3A_4, %dma_start3A_185] : memref<80x128xf32, #tpu.memory_space<vmem_shared>> -> memref<5x128xf32, #tpu.memory_space<vmem_shared>>
      %dma_start3A_187 = arith.constant 0 : i32
      %dma_start3A_188 = tpu.memref_slice %arg15[%mul3A_4, %dma_start3A_187] : memref<80x128xf32, #tpu.memory_space<vmem_shared>> -> memref<5x128xf32, #tpu.memory_space<vmem_shared>>
      tpu.enqueue_dma source(%arg13 : memref<5x128xf32, #tpu.memory_space<vmem>>) target(%dma_start3A_188 : memref<5x128xf32, #tpu.memory_space<vmem_shared>>) target_semaphore(%run_scoped3A : memref<!tpu.dma_semaphore, #tpu.memory_space<semaphore_mem>>)
      %dma_wait3A_189 = arith.constant 0 : i32
      %dma_wait3A_190 = tpu.memref_slice %arg15[%mul3A_4, %dma_wait3A_189] : memref<80x128xf32, #tpu.memory_space<vmem_shared>> -> memref<5x128xf32, #tpu.memory_space<vmem_shared>>
      %dma_wait3A_191 = arith.constant 0 : i32
      %dma_wait3A_192 = tpu.memref_slice %arg15[%mul3A_4, %dma_wait3A_191] : memref<80x128xf32, #tpu.memory_space<vmem_shared>> -> memref<5x128xf32, #tpu.memory_space<vmem_shared>>
      tpu.wait_dma2 semaphore(%run_scoped3A : memref<!tpu.dma_semaphore, #tpu.memory_space<semaphore_mem>>) src(%arg13 : memref<5x128xf32, #tpu.memory_space<vmem>>) dst(%dma_wait3A_192 : memref<5x128xf32, #tpu.memory_space<vmem_shared>>)
      tpu.yield
    }) : () -> ()
    %parallel_loop3A_120 = arith.constant 0 : i32
    %parallel_loop3A_121 = arith.constant 1250 : i32
    %parallel_loop3A_122 = arith.constant 1 : i32
    scf.for %parallel_loop3A_185 = %parallel_loop3A_120 to %parallel_loop3A_121 step %parallel_loop3A_122  : i32 {
      %parallel_loop3A_186 = arith.constant 16 : i32
      %parallel_loop3A_187 = arith.muli %parallel_loop3A_185, %parallel_loop3A_186 : i32
      %parallel_loop3A_188 = arith.index_cast %parallel_loop3A_187 : i32 to index
      %parallel_loop3A_189 = tpu.vector_load %arg4[%parallel_loop3A_188] {strides = array<i32>} : memref<20000xi32, #tpu.memory_space<vmem>>, vector<16xi32>,
      %parallel_loop3A_190 = arith.constant 16 : i32
      %parallel_loop3A_191 = vector.broadcast %parallel_loop3A_190 : i32 to vector<16xi32>
      %parallel_loop3A_192 = arith.shrui %parallel_loop3A_189, %parallel_loop3A_191 : vector<16xi32>
      %parallel_loop3A_193 = arith.constant 7 : i32
      %parallel_loop3A_194 = vector.broadcast %parallel_loop3A_193 : i32 to vector<16xi32>
      %parallel_loop3A_195 = arith.shrui %parallel_loop3A_192, %parallel_loop3A_194 : vector<16xi32>
      %parallel_loop3A_196 = arith.andi %parallel_loop3A_192, %broadcast_in_dim3A_11 : vector<16xi32>
      %parallel_loop3A_197 = tpu.vector_load_idx %arg5[%parallel_loop3A_195, %parallel_loop3A_196] : memref<80x128xf32, #tpu.memory_space<vmem>>[vector<16xi32>, vector<16xi32>], vector<16xf32>,
      %parallel_loop3A_198 = arith.andi %parallel_loop3A_189, %broadcast_in_dim3A_9 : vector<16xi32>
      %parallel_loop3A_199 = arith.constant 7 : i32
      %parallel_loop3A_200 = vector.broadcast %parallel_loop3A_199 : i32 to vector<16xi32>
      %parallel_loop3A_201 = arith.shrui %parallel_loop3A_198, %parallel_loop3A_200 : vector<16xi32>
      %parallel_loop3A_202 = arith.andi %parallel_loop3A_198, %broadcast_in_dim3A_11 : vector<16xi32>
      tpu.vector_store_idx %arg6[%parallel_loop3A_201, %parallel_loop3A_202], %parallel_loop3A_197 {add = true} : memref<80x128xf32, #tpu.memory_space<vmem>>[vector<16xi32>, vector<16xi32>], vector<16xf32>,
    } {sc.loop_unroll_factor = 8 : i64, sc.parallel_access}
    %barrier3A_123 = arith.constant 0 : index
    tpu.barrier barrier_id(%barrier3A_123)
    "tpu.region"() ({
      %run_scoped3A = tpu.sem_alloc : memref<!tpu.dma_semaphore, #tpu.memory_space<semaphore_mem>>
      %dma_start3A_185 = arith.constant 0 : i32
      %dma_start3A_186 = arith.constant 0 : i32
      %dma_start3A_187 = tpu.memref_slice %arg15[%dma_start3A_185, %dma_start3A_186] : memref<80x128xf32, #tpu.memory_space<vmem_shared>> -> memref<80x128xf32, #tpu.memory_space<vmem_shared>>
      tpu.enqueue_indirect_dma source(%arg6 : memref<80x128xf32, #tpu.memory_space<vmem>>) target(%dma_start3A_187 : memref<80x128xf32, #tpu.memory_space<vmem_shared>>) offsets(%arg14 : memref<80xi32, #tpu.memory_space<vmem>>) semaphore(%run_scoped3A : memref<!tpu.dma_semaphore, #tpu.memory_space<semaphore_mem>>) {add = true}
      %dma_wait3A_188 = arith.constant 0 : i32
      %dma_wait3A_189 = arith.constant 0 : i32
      %dma_wait3A_190 = tpu.memref_slice %arg15[%dma_wait3A_188, %dma_wait3A_189] : memref<80x128xf32, #tpu.memory_space<vmem_shared>> -> memref<80x128xf32, #tpu.memory_space<vmem_shared>>
      tpu.wait_indirect_dma semaphore(%run_scoped3A : memref<!tpu.dma_semaphore, #tpu.memory_space<semaphore_mem>>) src(%arg6 : memref<80x128xf32, #tpu.memory_space<vmem>>) dst(%dma_wait3A_190 : memref<80x128xf32, #tpu.memory_space<vmem_shared>>)
      tpu.yield
    }) : () -> ()
    %barrier3A_124 = arith.constant 0 : index
    tpu.barrier barrier_id(%barrier3A_124)
    "tpu.region"() ({
      %run_scoped3A = tpu.sem_alloc : memref<!tpu.dma_semaphore, #tpu.memory_space<semaphore_mem>>
      %dma_start3A_185 = arith.constant 0 : i32
      %dma_start3A_186 = tpu.memref_slice %arg15[%mul3A_4, %dma_start3A_185] : memref<80x128xf32, #tpu.memory_space<vmem_shared>> -> memref<5x128xf32, #tpu.memory_space<vmem_shared>>
      %dma_start3A_187 = arith.constant 0 : i32
      %dma_start3A_188 = tpu.memref_slice %arg15[%mul3A_4, %dma_start3A_187] : memref<80x128xf32, #tpu.memory_space<vmem_shared>> -> memref<5x128xf32, #tpu.memory_space<vmem_shared>>
      tpu.enqueue_dma source(%dma_start3A_188 : memref<5x128xf32, #tpu.memory_space<vmem_shared>>) target(%arg8 : memref<5x128xf32, #tpu.memory_space<vmem>>) target_semaphore(%run_scoped3A : memref<!tpu.dma_semaphore, #tpu.memory_space<semaphore_mem>>)
      %dma_wait3A_189 = arith.constant 0 : i32
      %dma_wait3A_190 = tpu.memref_slice %arg15[%mul3A_4, %dma_wait3A_189] : memref<80x128xf32, #tpu.memory_space<vmem_shared>> -> memref<5x128xf32, #tpu.memory_space<vmem_shared>>
      %dma_wait3A_191 = arith.constant 0 : i32
      %dma_wait3A_192 = tpu.memref_slice %arg15[%mul3A_4, %dma_wait3A_191] : memref<80x128xf32, #tpu.memory_space<vmem_shared>> -> memref<5x128xf32, #tpu.memory_space<vmem_shared>>
      tpu.wait_dma2 semaphore(%run_scoped3A : memref<!tpu.dma_semaphore, #tpu.memory_space<semaphore_mem>>) src(%dma_wait3A_192 : memref<5x128xf32, #tpu.memory_space<vmem_shared>>) dst(%arg8 : memref<5x128xf32, #tpu.memory_space<vmem>>)
      tpu.yield
    }) : () -> ()
    %parallel_loop3A_125 = arith.constant 0 : i32
    %parallel_loop3A_126 = arith.constant 40 : i32
    %parallel_loop3A_127 = arith.constant 1 : i32
    scf.for %parallel_loop3A_185 = %parallel_loop3A_125 to %parallel_loop3A_126 step %parallel_loop3A_127  : i32 {
      %parallel_loop3A_186 = arith.constant 3 : i32
      %parallel_loop3A_187 = arith.shrui %parallel_loop3A_185, %parallel_loop3A_186 : i32
      %parallel_loop3A_188 = arith.constant 7 : i32
      %parallel_loop3A_189 = arith.andi %parallel_loop3A_185, %parallel_loop3A_188 : i32
      %parallel_loop3A_190 = arith.constant 16 : i32
      %parallel_loop3A_191 = arith.muli %parallel_loop3A_189, %parallel_loop3A_190 : i32
      %parallel_loop3A_192 = arith.constant 16 : i32
      %parallel_loop3A_193 = arith.muli %parallel_loop3A_185, %parallel_loop3A_192 : i32
      %parallel_loop3A_194 = arith.index_cast %parallel_loop3A_193 : i32 to index
      %parallel_loop3A_195 = tpu.vector_load %arg9[%parallel_loop3A_194] {strides = array<i32>} : memref<640xf32, #tpu.memory_space<vmem>>, vector<16xf32>,
      %parallel_loop3A_196 = arith.index_cast %parallel_loop3A_187 : i32 to index
      %parallel_loop3A_197 = arith.index_cast %parallel_loop3A_191 : i32 to index
      %parallel_loop3A_198 = tpu.vector_load %arg8[%parallel_loop3A_196, %parallel_loop3A_197] {strides = array<i32>} : memref<5x128xf32, #tpu.memory_space<vmem>>, vector<16xf32>,
      %parallel_loop3A_199 = arith.mulf %parallel_loop3A_195, %parallel_loop3A_198 : vector<16xf32>
      %parallel_loop3A_200 = arith.constant 16 : i32
      %parallel_loop3A_201 = arith.muli %parallel_loop3A_185, %parallel_loop3A_200 : i32
      %parallel_loop3A_202 = arith.constant 1920 : i32
      %parallel_loop3A_203 = arith.addi %parallel_loop3A_202, %parallel_loop3A_201 : i32
      %parallel_loop3A_204 = arith.index_cast %parallel_loop3A_203 : i32 to index
      %parallel_loop3A_205 = tpu.vector_load %arg11[%parallel_loop3A_204] {strides = array<i32>} : memref<3200xf32, #tpu.memory_space<vmem>>, vector<16xf32>,
      tpu.vector_store %arg11[%parallel_loop3A_204], %parallel_loop3A_199 {strides = array<i32>} : memref<3200xf32, #tpu.memory_space<vmem>>, vector<16xf32>,
      %parallel_loop3A_206 = arith.constant 16 : i32
      %parallel_loop3A_207 = arith.muli %parallel_loop3A_185, %parallel_loop3A_206 : i32
      %parallel_loop3A_208 = arith.index_cast %parallel_loop3A_207 : i32 to index
      %parallel_loop3A_209 = tpu.vector_load %arg10[%parallel_loop3A_208] {strides = array<i32>} : memref<640xf32, #tpu.memory_space<vmem>>, vector<16xf32>,
      %parallel_loop3A_210 = arith.mulf %parallel_loop3A_209, %parallel_loop3A_199 : vector<16xf32>
      %parallel_loop3A_211 = arith.index_cast %parallel_loop3A_187 : i32 to index
      %parallel_loop3A_212 = arith.index_cast %parallel_loop3A_191 : i32 to index
      %parallel_loop3A_213 = tpu.vector_load %arg12[%parallel_loop3A_211, %parallel_loop3A_212] {strides = array<i32>} : memref<5x128xf32, #tpu.memory_space<vmem>>, vector<16xf32>,
      tpu.vector_store %arg12[%parallel_loop3A_211, %parallel_loop3A_212], %parallel_loop3A_210 {strides = array<i32>} : memref<5x128xf32, #tpu.memory_space<vmem>>, vector<16xf32>,
    } {sc.loop_unroll_factor = 2 : i64, sc.parallel_access}
    %add3A_128 = arith.constant 30720 : i32
    %add3A_129 = arith.addi %add3A_128, %mul3A_2 : i32
    %dma_start3A_130 = arith.constant 1920 : i32
    %dma_start3A_131 = tpu.memref_slice %arg11[%dma_start3A_130] : memref<3200xf32, #tpu.memory_space<vmem>> -> memref<640xf32, #tpu.memory_space<vmem>>
    %dma_start3A_132 = tpu.memref_slice %arg3[%add3A_129] : memref<51200xf32, #tpu.memory_space<hbm>> -> memref<640xf32, #tpu.memory_space<hbm>>
    %dma_start3A_133 = tpu.memref_slice %arg3[%add3A_129] : memref<51200xf32, #tpu.memory_space<hbm>> -> memref<640xf32, #tpu.memory_space<hbm>>
    %dma_start3A_134 = arith.constant 1920 : i32
    %dma_start3A_135 = tpu.memref_slice %arg11[%dma_start3A_134] : memref<3200xf32, #tpu.memory_space<vmem>> -> memref<640xf32, #tpu.memory_space<vmem>>
    tpu.enqueue_dma source(%dma_start3A_135 : memref<640xf32, #tpu.memory_space<vmem>>) target(%dma_start3A_133 : memref<640xf32, #tpu.memory_space<hbm>>) target_semaphore(%arg18 : memref<!tpu.dma_semaphore, #tpu.memory_space<semaphore_mem>>)
    "tpu.region"() ({
      %run_scoped3A = tpu.sem_alloc : memref<!tpu.dma_semaphore, #tpu.memory_space<semaphore_mem>>
      %dma_start3A_185 = arith.constant 0 : i32
      %dma_start3A_186 = tpu.memref_slice %arg17[%mul3A_4, %dma_start3A_185] : memref<80x128xf32, #tpu.memory_space<vmem_shared>> -> memref<5x128xf32, #tpu.memory_space<vmem_shared>>
      %dma_start3A_187 = arith.constant 0 : i32
      %dma_start3A_188 = tpu.memref_slice %arg17[%mul3A_4, %dma_start3A_187] : memref<80x128xf32, #tpu.memory_space<vmem_shared>> -> memref<5x128xf32, #tpu.memory_space<vmem_shared>>
      tpu.enqueue_dma source(%arg12 : memref<5x128xf32, #tpu.memory_space<vmem>>) target(%dma_start3A_188 : memref<5x128xf32, #tpu.memory_space<vmem_shared>>) target_semaphore(%run_scoped3A : memref<!tpu.dma_semaphore, #tpu.memory_space<semaphore_mem>>)
      %dma_wait3A_189 = arith.constant 0 : i32
      %dma_wait3A_190 = tpu.memref_slice %arg17[%mul3A_4, %dma_wait3A_189] : memref<80x128xf32, #tpu.memory_space<vmem_shared>> -> memref<5x128xf32, #tpu.memory_space<vmem_shared>>
      %dma_wait3A_191 = arith.constant 0 : i32
      %dma_wait3A_192 = tpu.memref_slice %arg17[%mul3A_4, %dma_wait3A_191] : memref<80x128xf32, #tpu.memory_space<vmem_shared>> -> memref<5x128xf32, #tpu.memory_space<vmem_shared>>
      tpu.wait_dma2 semaphore(%run_scoped3A : memref<!tpu.dma_semaphore, #tpu.memory_space<semaphore_mem>>) src(%arg12 : memref<5x128xf32, #tpu.memory_space<vmem>>) dst(%dma_wait3A_192 : memref<5x128xf32, #tpu.memory_space<vmem_shared>>)
      tpu.yield
    }) : () -> ()
    %barrier3A_136 = arith.constant 0 : index
    tpu.barrier barrier_id(%barrier3A_136)
    "tpu.region"() ({
      %run_scoped3A = tpu.sem_alloc : memref<!tpu.dma_semaphore, #tpu.memory_space<semaphore_mem>>
      tpu.enqueue_dma source(%arg17 : memref<80x128xf32, #tpu.memory_space<vmem_shared>>) target(%arg5 : memref<80x128xf32, #tpu.memory_space<vmem>>) target_semaphore(%run_scoped3A : memref<!tpu.dma_semaphore, #tpu.memory_space<semaphore_mem>>)
      tpu.wait_dma2 semaphore(%run_scoped3A : memref<!tpu.dma_semaphore, #tpu.memory_space<semaphore_mem>>) src(%arg17 : memref<80x128xf32, #tpu.memory_space<vmem_shared>>) dst(%arg5 : memref<80x128xf32, #tpu.memory_space<vmem>>)
      tpu.yield
    }) : () -> ()
    %parallel_loop3A_137 = arith.constant 0 : i32
    %parallel_loop3A_138 = arith.constant 640 : i32
    %parallel_loop3A_139 = arith.constant 1 : i32
    scf.for %parallel_loop3A_185 = %parallel_loop3A_137 to %parallel_loop3A_138 step %parallel_loop3A_139  : i32 {
      %parallel_loop3A_186 = arith.constant 3 : i32
      %parallel_loop3A_187 = arith.shrui %parallel_loop3A_185, %parallel_loop3A_186 : i32
      %parallel_loop3A_188 = arith.constant 7 : i32
      %parallel_loop3A_189 = arith.andi %parallel_loop3A_185, %parallel_loop3A_188 : i32
      %parallel_loop3A_190 = arith.constant 16 : i32
      %parallel_loop3A_191 = arith.muli %parallel_loop3A_189, %parallel_loop3A_190 : i32
      %parallel_loop3A_192 = arith.index_cast %parallel_loop3A_187 : i32 to index
      %parallel_loop3A_193 = arith.index_cast %parallel_loop3A_191 : i32 to index
      %parallel_loop3A_194 = tpu.vector_load %arg6[%parallel_loop3A_192, %parallel_loop3A_193] {strides = array<i32>} : memref<80x128xf32, #tpu.memory_space<vmem>>, vector<16xf32>,
      tpu.vector_store %arg6[%parallel_loop3A_192, %parallel_loop3A_193], %broadcast_in_dim3A_5 {strides = array<i32>} : memref<80x128xf32, #tpu.memory_space<vmem>>, vector<16xf32>,
    } {sc.loop_unroll_factor = 8 : i64, sc.parallel_access}
    "tpu.region"() ({
      %run_scoped3A = tpu.sem_alloc : memref<!tpu.dma_semaphore, #tpu.memory_space<semaphore_mem>>
      %dma_start3A_185 = arith.constant 0 : i32
      %dma_start3A_186 = tpu.memref_slice %arg15[%mul3A_4, %dma_start3A_185] : memref<80x128xf32, #tpu.memory_space<vmem_shared>> -> memref<5x128xf32, #tpu.memory_space<vmem_shared>>
      %dma_start3A_187 = arith.constant 0 : i32
      %dma_start3A_188 = tpu.memref_slice %arg15[%mul3A_4, %dma_start3A_187] : memref<80x128xf32, #tpu.memory_space<vmem_shared>> -> memref<5x128xf32, #tpu.memory_space<vmem_shared>>
      tpu.enqueue_dma source(%arg13 : memref<5x128xf32, #tpu.memory_space<vmem>>) target(%dma_start3A_188 : memref<5x128xf32, #tpu.memory_space<vmem_shared>>) target_semaphore(%run_scoped3A : memref<!tpu.dma_semaphore, #tpu.memory_space<semaphore_mem>>)
      %dma_wait3A_189 = arith.constant 0 : i32
      %dma_wait3A_190 = tpu.memref_slice %arg15[%mul3A_4, %dma_wait3A_189] : memref<80x128xf32, #tpu.memory_space<vmem_shared>> -> memref<5x128xf32, #tpu.memory_space<vmem_shared>>
      %dma_wait3A_191 = arith.constant 0 : i32
      %dma_wait3A_192 = tpu.memref_slice %arg15[%mul3A_4, %dma_wait3A_191] : memref<80x128xf32, #tpu.memory_space<vmem_shared>> -> memref<5x128xf32, #tpu.memory_space<vmem_shared>>
      tpu.wait_dma2 semaphore(%run_scoped3A : memref<!tpu.dma_semaphore, #tpu.memory_space<semaphore_mem>>) src(%arg13 : memref<5x128xf32, #tpu.memory_space<vmem>>) dst(%dma_wait3A_192 : memref<5x128xf32, #tpu.memory_space<vmem_shared>>)
      tpu.yield
    }) : () -> ()
    %parallel_loop3A_140 = arith.constant 0 : i32
    %parallel_loop3A_141 = arith.constant 1250 : i32
    %parallel_loop3A_142 = arith.constant 1 : i32
    scf.for %parallel_loop3A_185 = %parallel_loop3A_140 to %parallel_loop3A_141 step %parallel_loop3A_142  : i32 {
      %parallel_loop3A_186 = arith.constant 16 : i32
      %parallel_loop3A_187 = arith.muli %parallel_loop3A_185, %parallel_loop3A_186 : i32
      %parallel_loop3A_188 = arith.index_cast %parallel_loop3A_187 : i32 to index
      %parallel_loop3A_189 = tpu.vector_load %arg4[%parallel_loop3A_188] {strides = array<i32>} : memref<20000xi32, #tpu.memory_space<vmem>>, vector<16xi32>,
      %parallel_loop3A_190 = arith.constant 16 : i32
      %parallel_loop3A_191 = vector.broadcast %parallel_loop3A_190 : i32 to vector<16xi32>
      %parallel_loop3A_192 = arith.shrui %parallel_loop3A_189, %parallel_loop3A_191 : vector<16xi32>
      %parallel_loop3A_193 = arith.constant 7 : i32
      %parallel_loop3A_194 = vector.broadcast %parallel_loop3A_193 : i32 to vector<16xi32>
      %parallel_loop3A_195 = arith.shrui %parallel_loop3A_192, %parallel_loop3A_194 : vector<16xi32>
      %parallel_loop3A_196 = arith.andi %parallel_loop3A_192, %broadcast_in_dim3A_11 : vector<16xi32>
      %parallel_loop3A_197 = tpu.vector_load_idx %arg5[%parallel_loop3A_195, %parallel_loop3A_196] : memref<80x128xf32, #tpu.memory_space<vmem>>[vector<16xi32>, vector<16xi32>], vector<16xf32>,
      %parallel_loop3A_198 = arith.andi %parallel_loop3A_189, %broadcast_in_dim3A_9 : vector<16xi32>
      %parallel_loop3A_199 = arith.constant 7 : i32
      %parallel_loop3A_200 = vector.broadcast %parallel_loop3A_199 : i32 to vector<16xi32>
      %parallel_loop3A_201 = arith.shrui %parallel_loop3A_198, %parallel_loop3A_200 : vector<16xi32>
      %parallel_loop3A_202 = arith.andi %parallel_loop3A_198, %broadcast_in_dim3A_11 : vector<16xi32>
      tpu.vector_store_idx %arg6[%parallel_loop3A_201, %parallel_loop3A_202], %parallel_loop3A_197 {add = true} : memref<80x128xf32, #tpu.memory_space<vmem>>[vector<16xi32>, vector<16xi32>], vector<16xf32>,
    } {sc.loop_unroll_factor = 8 : i64, sc.parallel_access}
    %barrier3A_143 = arith.constant 0 : index
    tpu.barrier barrier_id(%barrier3A_143)
    "tpu.region"() ({
      %run_scoped3A = tpu.sem_alloc : memref<!tpu.dma_semaphore, #tpu.memory_space<semaphore_mem>>
      %dma_start3A_185 = arith.constant 0 : i32
      %dma_start3A_186 = arith.constant 0 : i32
      %dma_start3A_187 = tpu.memref_slice %arg15[%dma_start3A_185, %dma_start3A_186] : memref<80x128xf32, #tpu.memory_space<vmem_shared>> -> memref<80x128xf32, #tpu.memory_space<vmem_shared>>
      tpu.enqueue_indirect_dma source(%arg6 : memref<80x128xf32, #tpu.memory_space<vmem>>) target(%dma_start3A_187 : memref<80x128xf32, #tpu.memory_space<vmem_shared>>) offsets(%arg14 : memref<80xi32, #tpu.memory_space<vmem>>) semaphore(%run_scoped3A : memref<!tpu.dma_semaphore, #tpu.memory_space<semaphore_mem>>) {add = true}
      %dma_wait3A_188 = arith.constant 0 : i32
      %dma_wait3A_189 = arith.constant 0 : i32
      %dma_wait3A_190 = tpu.memref_slice %arg15[%dma_wait3A_188, %dma_wait3A_189] : memref<80x128xf32, #tpu.memory_space<vmem_shared>> -> memref<80x128xf32, #tpu.memory_space<vmem_shared>>
      tpu.wait_indirect_dma semaphore(%run_scoped3A : memref<!tpu.dma_semaphore, #tpu.memory_space<semaphore_mem>>) src(%arg6 : memref<80x128xf32, #tpu.memory_space<vmem>>) dst(%dma_wait3A_190 : memref<80x128xf32, #tpu.memory_space<vmem_shared>>)
      tpu.yield
    }) : () -> ()
    %barrier3A_144 = arith.constant 0 : index
    tpu.barrier barrier_id(%barrier3A_144)
    "tpu.region"() ({
      %run_scoped3A = tpu.sem_alloc : memref<!tpu.dma_semaphore, #tpu.memory_space<semaphore_mem>>
      %dma_start3A_185 = arith.constant 0 : i32
      %dma_start3A_186 = tpu.memref_slice %arg15[%mul3A_4, %dma_start3A_185] : memref<80x128xf32, #tpu.memory_space<vmem_shared>> -> memref<5x128xf32, #tpu.memory_space<vmem_shared>>
      %dma_start3A_187 = arith.constant 0 : i32
      %dma_start3A_188 = tpu.memref_slice %arg15[%mul3A_4, %dma_start3A_187] : memref<80x128xf32, #tpu.memory_space<vmem_shared>> -> memref<5x128xf32, #tpu.memory_space<vmem_shared>>
      tpu.enqueue_dma source(%dma_start3A_188 : memref<5x128xf32, #tpu.memory_space<vmem_shared>>) target(%arg8 : memref<5x128xf32, #tpu.memory_space<vmem>>) target_semaphore(%run_scoped3A : memref<!tpu.dma_semaphore, #tpu.memory_space<semaphore_mem>>)
      %dma_wait3A_189 = arith.constant 0 : i32
      %dma_wait3A_190 = tpu.memref_slice %arg15[%mul3A_4, %dma_wait3A_189] : memref<80x128xf32, #tpu.memory_space<vmem_shared>> -> memref<5x128xf32, #tpu.memory_space<vmem_shared>>
      %dma_wait3A_191 = arith.constant 0 : i32
      %dma_wait3A_192 = tpu.memref_slice %arg15[%mul3A_4, %dma_wait3A_191] : memref<80x128xf32, #tpu.memory_space<vmem_shared>> -> memref<5x128xf32, #tpu.memory_space<vmem_shared>>
      tpu.wait_dma2 semaphore(%run_scoped3A : memref<!tpu.dma_semaphore, #tpu.memory_space<semaphore_mem>>) src(%dma_wait3A_192 : memref<5x128xf32, #tpu.memory_space<vmem_shared>>) dst(%arg8 : memref<5x128xf32, #tpu.memory_space<vmem>>)
      tpu.yield
    }) : () -> ()
    %parallel_loop3A_145 = arith.constant 0 : i32
    %parallel_loop3A_146 = arith.constant 40 : i32
    %parallel_loop3A_147 = arith.constant 1 : i32
    scf.for %parallel_loop3A_185 = %parallel_loop3A_145 to %parallel_loop3A_146 step %parallel_loop3A_147  : i32 {
      %parallel_loop3A_186 = arith.constant 3 : i32
      %parallel_loop3A_187 = arith.shrui %parallel_loop3A_185, %parallel_loop3A_186 : i32
      %parallel_loop3A_188 = arith.constant 7 : i32
      %parallel_loop3A_189 = arith.andi %parallel_loop3A_185, %parallel_loop3A_188 : i32
      %parallel_loop3A_190 = arith.constant 16 : i32
      %parallel_loop3A_191 = arith.muli %parallel_loop3A_189, %parallel_loop3A_190 : i32
      %parallel_loop3A_192 = arith.constant 16 : i32
      %parallel_loop3A_193 = arith.muli %parallel_loop3A_185, %parallel_loop3A_192 : i32
      %parallel_loop3A_194 = arith.index_cast %parallel_loop3A_193 : i32 to index
      %parallel_loop3A_195 = tpu.vector_load %arg9[%parallel_loop3A_194] {strides = array<i32>} : memref<640xf32, #tpu.memory_space<vmem>>, vector<16xf32>,
      %parallel_loop3A_196 = arith.index_cast %parallel_loop3A_187 : i32 to index
      %parallel_loop3A_197 = arith.index_cast %parallel_loop3A_191 : i32 to index
      %parallel_loop3A_198 = tpu.vector_load %arg8[%parallel_loop3A_196, %parallel_loop3A_197] {strides = array<i32>} : memref<5x128xf32, #tpu.memory_space<vmem>>, vector<16xf32>,
      %parallel_loop3A_199 = arith.mulf %parallel_loop3A_195, %parallel_loop3A_198 : vector<16xf32>
      %parallel_loop3A_200 = arith.constant 16 : i32
      %parallel_loop3A_201 = arith.muli %parallel_loop3A_185, %parallel_loop3A_200 : i32
      %parallel_loop3A_202 = arith.constant 2560 : i32
      %parallel_loop3A_203 = arith.addi %parallel_loop3A_202, %parallel_loop3A_201 : i32
      %parallel_loop3A_204 = arith.index_cast %parallel_loop3A_203 : i32 to index
      %parallel_loop3A_205 = tpu.vector_load %arg11[%parallel_loop3A_204] {strides = array<i32>} : memref<3200xf32, #tpu.memory_space<vmem>>, vector<16xf32>,
      tpu.vector_store %arg11[%parallel_loop3A_204], %parallel_loop3A_199 {strides = array<i32>} : memref<3200xf32, #tpu.memory_space<vmem>>, vector<16xf32>,
      %parallel_loop3A_206 = arith.constant 16 : i32
      %parallel_loop3A_207 = arith.muli %parallel_loop3A_185, %parallel_loop3A_206 : i32
      %parallel_loop3A_208 = arith.index_cast %parallel_loop3A_207 : i32 to index
      %parallel_loop3A_209 = tpu.vector_load %arg10[%parallel_loop3A_208] {strides = array<i32>} : memref<640xf32, #tpu.memory_space<vmem>>, vector<16xf32>,
      %parallel_loop3A_210 = arith.mulf %parallel_loop3A_209, %parallel_loop3A_199 : vector<16xf32>
      %parallel_loop3A_211 = arith.index_cast %parallel_loop3A_187 : i32 to index
      %parallel_loop3A_212 = arith.index_cast %parallel_loop3A_191 : i32 to index
      %parallel_loop3A_213 = tpu.vector_load %arg12[%parallel_loop3A_211, %parallel_loop3A_212] {strides = array<i32>} : memref<5x128xf32, #tpu.memory_space<vmem>>, vector<16xf32>,
      tpu.vector_store %arg12[%parallel_loop3A_211, %parallel_loop3A_212], %parallel_loop3A_210 {strides = array<i32>} : memref<5x128xf32, #tpu.memory_space<vmem>>, vector<16xf32>,
    } {sc.loop_unroll_factor = 2 : i64, sc.parallel_access}
    %add3A_148 = arith.constant 40960 : i32
    %add3A_149 = arith.addi %add3A_148, %mul3A_2 : i32
    %dma_start3A_150 = arith.constant 2560 : i32
    %dma_start3A_151 = tpu.memref_slice %arg11[%dma_start3A_150] : memref<3200xf32, #tpu.memory_space<vmem>> -> memref<640xf32, #tpu.memory_space<vmem>>
    %dma_start3A_152 = tpu.memref_slice %arg3[%add3A_149] : memref<51200xf32, #tpu.memory_space<hbm>> -> memref<640xf32, #tpu.memory_space<hbm>>
    %dma_start3A_153 = tpu.memref_slice %arg3[%add3A_149] : memref<51200xf32, #tpu.memory_space<hbm>> -> memref<640xf32, #tpu.memory_space<hbm>>
    %dma_start3A_154 = arith.constant 2560 : i32
    %dma_start3A_155 = tpu.memref_slice %arg11[%dma_start3A_154] : memref<3200xf32, #tpu.memory_space<vmem>> -> memref<640xf32, #tpu.memory_space<vmem>>
    tpu.enqueue_dma source(%dma_start3A_155 : memref<640xf32, #tpu.memory_space<vmem>>) target(%dma_start3A_153 : memref<640xf32, #tpu.memory_space<hbm>>) target_semaphore(%arg18 : memref<!tpu.dma_semaphore, #tpu.memory_space<semaphore_mem>>)
    %dma_wait3A = arith.constant 0 : i32
    %dma_wait3A_156 = tpu.memref_slice %arg11[%dma_wait3A] : memref<3200xf32, #tpu.memory_space<vmem>> -> memref<640xf32, #tpu.memory_space<vmem>>
    %dma_wait3A_157 = tpu.memref_slice %arg3[%add3A_70] : memref<51200xf32, #tpu.memory_space<hbm>> -> memref<640xf32, #tpu.memory_space<hbm>>
    %dma_wait3A_158 = tpu.memref_slice %arg3[%add3A_70] : memref<51200xf32, #tpu.memory_space<hbm>> -> memref<640xf32, #tpu.memory_space<hbm>>
    %dma_wait3A_159 = arith.constant 0 : i32
    %dma_wait3A_160 = tpu.memref_slice %arg11[%dma_wait3A_159] : memref<3200xf32, #tpu.memory_space<vmem>> -> memref<640xf32, #tpu.memory_space<vmem>>
    tpu.wait_dma2 semaphore(%arg18 : memref<!tpu.dma_semaphore, #tpu.memory_space<semaphore_mem>>) src(%dma_wait3A_160 : memref<640xf32, #tpu.memory_space<vmem>>) dst(%dma_wait3A_158 : memref<640xf32, #tpu.memory_space<hbm>>)
    %dma_wait3A_161 = arith.constant 640 : i32
    %dma_wait3A_162 = tpu.memref_slice %arg11[%dma_wait3A_161] : memref<3200xf32, #tpu.memory_space<vmem>> -> memref<640xf32, #tpu.memory_space<vmem>>
    %dma_wait3A_163 = tpu.memref_slice %arg3[%add3A_89] : memref<51200xf32, #tpu.memory_space<hbm>> -> memref<640xf32, #tpu.memory_space<hbm>>
    %dma_wait3A_164 = tpu.memref_slice %arg3[%add3A_89] : memref<51200xf32, #tpu.memory_space<hbm>> -> memref<640xf32, #tpu.memory_space<hbm>>
    %dma_wait3A_165 = arith.constant 640 : i32
    %dma_wait3A_166 = tpu.memref_slice %arg11[%dma_wait3A_165] : memref<3200xf32, #tpu.memory_space<vmem>> -> memref<640xf32, #tpu.memory_space<vmem>>
    tpu.wait_dma2 semaphore(%arg18 : memref<!tpu.dma_semaphore, #tpu.memory_space<semaphore_mem>>) src(%dma_wait3A_166 : memref<640xf32, #tpu.memory_space<vmem>>) dst(%dma_wait3A_164 : memref<640xf32, #tpu.memory_space<hbm>>)
    %dma_wait3A_167 = arith.constant 1280 : i32
    %dma_wait3A_168 = tpu.memref_slice %arg11[%dma_wait3A_167] : memref<3200xf32, #tpu.memory_space<vmem>> -> memref<640xf32, #tpu.memory_space<vmem>>
    %dma_wait3A_169 = tpu.memref_slice %arg3[%add3A_109] : memref<51200xf32, #tpu.memory_space<hbm>> -> memref<640xf32, #tpu.memory_space<hbm>>
    %dma_wait3A_170 = tpu.memref_slice %arg3[%add3A_109] : memref<51200xf32, #tpu.memory_space<hbm>> -> memref<640xf32, #tpu.memory_space<hbm>>
    %dma_wait3A_171 = arith.constant 1280 : i32
    %dma_wait3A_172 = tpu.memref_slice %arg11[%dma_wait3A_171] : memref<3200xf32, #tpu.memory_space<vmem>> -> memref<640xf32, #tpu.memory_space<vmem>>
    tpu.wait_dma2 semaphore(%arg18 : memref<!tpu.dma_semaphore, #tpu.memory_space<semaphore_mem>>) src(%dma_wait3A_172 : memref<640xf32, #tpu.memory_space<vmem>>) dst(%dma_wait3A_170 : memref<640xf32, #tpu.memory_space<hbm>>)
    %dma_wait3A_173 = arith.constant 1920 : i32
    %dma_wait3A_174 = tpu.memref_slice %arg11[%dma_wait3A_173] : memref<3200xf32, #tpu.memory_space<vmem>> -> memref<640xf32, #tpu.memory_space<vmem>>
    %dma_wait3A_175 = tpu.memref_slice %arg3[%add3A_129] : memref<51200xf32, #tpu.memory_space<hbm>> -> memref<640xf32, #tpu.memory_space<hbm>>
    %dma_wait3A_176 = tpu.memref_slice %arg3[%add3A_129] : memref<51200xf32, #tpu.memory_space<hbm>> -> memref<640xf32, #tpu.memory_space<hbm>>
    %dma_wait3A_177 = arith.constant 1920 : i32
    %dma_wait3A_178 = tpu.memref_slice %arg11[%dma_wait3A_177] : memref<3200xf32, #tpu.memory_space<vmem>> -> memref<640xf32, #tpu.memory_space<vmem>>
    tpu.wait_dma2 semaphore(%arg18 : memref<!tpu.dma_semaphore, #tpu.memory_space<semaphore_mem>>) src(%dma_wait3A_178 : memref<640xf32, #tpu.memory_space<vmem>>) dst(%dma_wait3A_176 : memref<640xf32, #tpu.memory_space<hbm>>)
    %dma_wait3A_179 = arith.constant 2560 : i32
    %dma_wait3A_180 = tpu.memref_slice %arg11[%dma_wait3A_179] : memref<3200xf32, #tpu.memory_space<vmem>> -> memref<640xf32, #tpu.memory_space<vmem>>
    %dma_wait3A_181 = tpu.memref_slice %arg3[%add3A_149] : memref<51200xf32, #tpu.memory_space<hbm>> -> memref<640xf32, #tpu.memory_space<hbm>>
    %dma_wait3A_182 = tpu.memref_slice %arg3[%add3A_149] : memref<51200xf32, #tpu.memory_space<hbm>> -> memref<640xf32, #tpu.memory_space<hbm>>
    %dma_wait3A_183 = arith.constant 2560 : i32
    %dma_wait3A_184 = tpu.memref_slice %arg11[%dma_wait3A_183] : memref<3200xf32, #tpu.memory_space<vmem>> -> memref<640xf32, #tpu.memory_space<vmem>>
    tpu.wait_dma2 semaphore(%arg18 : memref<!tpu.dma_semaphore, #tpu.memory_space<semaphore_mem>>) src(%dma_wait3A_184 : memref<640xf32, #tpu.memory_space<vmem>>) dst(%dma_wait3A_182 : memref<640xf32, #tpu.memory_space<hbm>>)
    return
  }
}

module attributes {stable_mosaic.version = 14 : i64} {
  func.func @_tc_body(%arg0: memref<10000x128xf32, #tpu.memory_space<vmem>>, %arg1: memref<5x10240xf32, #tpu.memory_space<vmem>>, %arg2: memref<128x128xf32, #tpu.memory_space<vmem>>, %arg3: memref<1x128xf32, #tpu.memory_space<vmem>>, %arg4: memref<128x128xf32, #tpu.memory_space<vmem>>, %arg5: memref<1x128xf32, #tpu.memory_space<vmem>>, %arg6: memref<128x128xf32, #tpu.memory_space<vmem>>, %arg7: memref<1x128xf32, #tpu.memory_space<vmem>>, %arg8: memref<128x128xf32, #tpu.memory_space<vmem>>, %arg9: memref<1x128xf32, #tpu.memory_space<vmem>>, %arg10: memref<128x128xf32, #tpu.memory_space<vmem>>, %arg11: memref<1x128xf32, #tpu.memory_space<vmem>>, %arg12: memref<1x128xf32, #tpu.memory_space<vmem>>, %arg13: memref<1x1xf32, #tpu.memory_space<vmem>>, %arg14: memref<1x128xf32, #tpu.memory_space<vmem>>) attributes {dimension_semantics = [], scalar_prefetch = 0 : i64, scratch_operands = 0 : i64, tpu.core_type = #tpu.core_type<tc>} {
    %get3A = arith.constant 4 : index
    %get3A_0 = arith.constant 0 : index
    %get3A_1 = vector.load %arg1[%get3A, %get3A_0] : memref<5x10240xf32, #tpu.memory_space<vmem>>, vector<1x10000xf32>
    %get3A_2 = arith.constant 0 : index
    %get3A_3 = arith.constant 0 : index
    %get3A_4 = vector.load %arg0[%get3A_2, %get3A_3] : memref<10000x128xf32, #tpu.memory_space<vmem>>, vector<10000x128xf32>
    %dot_general3A = arith.constant dense<0.000000e+00> : vector<1x128xf32>
    %dot_general3A_5 = tpu.matmul %get3A_1, %get3A_4, %dot_general3A {dimension_numbers = #tpu.dot_dimension_numbers<[1], [0], [0], [1], [0, 0, 1, 1], [], []>, transpose_lhs_hint = false} : vector<1x10000xf32>, vector<10000x128xf32>, vector<1x128xf32> -> vector<1x128xf32>
    %get3A_6 = arith.constant 0 : index
    %get3A_7 = arith.constant 0 : index
    %get3A_8 = vector.load %arg1[%get3A_6, %get3A_7] : memref<5x10240xf32, #tpu.memory_space<vmem>>, vector<1x10240xf32>
    %get3A_9 = vector.shape_cast %get3A_8 : vector<1x10240xf32> to vector<10240xf32>
    %reduce_sum3A = vector.shape_cast %get3A_9 : vector<10240xf32> to vector<1x10240xf32>
    %reduce_sum3A_10 = arith.constant dense<0.000000e+00> : vector<1xf32>
    %reduce_sum3A_11 = vector.multi_reduction <add>, %reduce_sum3A, %reduce_sum3A_10 [1] : vector<1x10240xf32> to vector<1xf32>
    %reduce_sum3A_12 = vector.shape_cast %reduce_sum3A_11 : vector<1xf32> to vector<1x1xf32>
    %reduce_sum3A_13 = vector.extract %reduce_sum3A_12[0, 0] : f32 from vector<1x1xf32>
    %get3A_14 = arith.constant 1 : index
    %get3A_15 = arith.constant 0 : index
    %get3A_16 = vector.load %arg1[%get3A_14, %get3A_15] : memref<5x10240xf32, #tpu.memory_space<vmem>>, vector<1x10240xf32>
    %get3A_17 = vector.shape_cast %get3A_16 : vector<1x10240xf32> to vector<10240xf32>
    %reduce_sum3A_18 = vector.shape_cast %get3A_17 : vector<10240xf32> to vector<1x10240xf32>
    %reduce_sum3A_19 = arith.constant dense<0.000000e+00> : vector<1xf32>
    %reduce_sum3A_20 = vector.multi_reduction <add>, %reduce_sum3A_18, %reduce_sum3A_19 [1] : vector<1x10240xf32> to vector<1xf32>
    %reduce_sum3A_21 = vector.shape_cast %reduce_sum3A_20 : vector<1xf32> to vector<1x1xf32>
    %reduce_sum3A_22 = vector.extract %reduce_sum3A_21[0, 0] : f32 from vector<1x1xf32>
    %get3A_23 = arith.constant 2 : index
    %get3A_24 = arith.constant 0 : index
    %get3A_25 = vector.load %arg1[%get3A_23, %get3A_24] : memref<5x10240xf32, #tpu.memory_space<vmem>>, vector<1x10240xf32>
    %get3A_26 = vector.shape_cast %get3A_25 : vector<1x10240xf32> to vector<10240xf32>
    %reduce_sum3A_27 = vector.shape_cast %get3A_26 : vector<10240xf32> to vector<1x10240xf32>
    %reduce_sum3A_28 = arith.constant dense<0.000000e+00> : vector<1xf32>
    %reduce_sum3A_29 = vector.multi_reduction <add>, %reduce_sum3A_27, %reduce_sum3A_28 [1] : vector<1x10240xf32> to vector<1xf32>
    %reduce_sum3A_30 = vector.shape_cast %reduce_sum3A_29 : vector<1xf32> to vector<1x1xf32>
    %reduce_sum3A_31 = vector.extract %reduce_sum3A_30[0, 0] : f32 from vector<1x1xf32>
    %get3A_32 = arith.constant 3 : index
    %get3A_33 = arith.constant 0 : index
    %get3A_34 = vector.load %arg1[%get3A_32, %get3A_33] : memref<5x10240xf32, #tpu.memory_space<vmem>>, vector<1x10240xf32>
    %get3A_35 = vector.shape_cast %get3A_34 : vector<1x10240xf32> to vector<10240xf32>
    %reduce_sum3A_36 = vector.shape_cast %get3A_35 : vector<10240xf32> to vector<1x10240xf32>
    %reduce_sum3A_37 = arith.constant dense<0.000000e+00> : vector<1xf32>
    %reduce_sum3A_38 = vector.multi_reduction <add>, %reduce_sum3A_36, %reduce_sum3A_37 [1] : vector<1x10240xf32> to vector<1xf32>
    %reduce_sum3A_39 = vector.shape_cast %reduce_sum3A_38 : vector<1xf32> to vector<1x1xf32>
    %reduce_sum3A_40 = vector.extract %reduce_sum3A_39[0, 0] : f32 from vector<1x1xf32>
    %get3A_41 = arith.constant 0 : index
    %get3A_42 = arith.constant 0 : index
    %get3A_43 = vector.load %arg2[%get3A_41, %get3A_42] : memref<128x128xf32, #tpu.memory_space<vmem>>, vector<128x128xf32>
    %dot_general3A_44 = arith.constant dense<0.000000e+00> : vector<1x128xf32>
    %dot_general3A_45 = tpu.matmul %dot_general3A_5, %get3A_43, %dot_general3A_44 {dimension_numbers = #tpu.dot_dimension_numbers<[1], [0], [0], [1], [0, 0, 1, 1], [], []>, transpose_lhs_hint = false} : vector<1x128xf32>, vector<128x128xf32>, vector<1x128xf32> -> vector<1x128xf32>
    %get3A_46 = arith.constant 0 : index
    %get3A_47 = arith.constant 0 : index
    %get3A_48 = vector.load %arg3[%get3A_46, %get3A_47] : memref<1x128xf32, #tpu.memory_space<vmem>>, vector<1x128xf32>
    %mul3A = vector.broadcast %reduce_sum3A_40 : f32 to vector<1x128xf32>
    %mul3A_49 = arith.mulf %mul3A, %get3A_48 : vector<1x128xf32>
    %add3A = arith.addf %dot_general3A_45, %mul3A_49 : vector<1x128xf32>
    %get3A_50 = arith.constant 0 : index
    %get3A_51 = arith.constant 0 : index
    %get3A_52 = vector.load %arg4[%get3A_50, %get3A_51] : memref<128x128xf32, #tpu.memory_space<vmem>>, vector<128x128xf32>
    %dot_general3A_53 = arith.constant dense<0.000000e+00> : vector<1x128xf32>
    %dot_general3A_54 = tpu.matmul %add3A, %get3A_52, %dot_general3A_53 {dimension_numbers = #tpu.dot_dimension_numbers<[1], [0], [0], [1], [0, 0, 1, 1], [], []>, transpose_lhs_hint = false} : vector<1x128xf32>, vector<128x128xf32>, vector<1x128xf32> -> vector<1x128xf32>
    %get3A_55 = arith.constant 0 : index
    %get3A_56 = arith.constant 0 : index
    %get3A_57 = vector.load %arg5[%get3A_55, %get3A_56] : memref<1x128xf32, #tpu.memory_space<vmem>>, vector<1x128xf32>
    %mul3A_58 = vector.broadcast %reduce_sum3A_31 : f32 to vector<1x128xf32>
    %mul3A_59 = arith.mulf %mul3A_58, %get3A_57 : vector<1x128xf32>
    %add3A_60 = arith.addf %dot_general3A_54, %mul3A_59 : vector<1x128xf32>
    %get3A_61 = arith.constant 0 : index
    %get3A_62 = arith.constant 0 : index
    %get3A_63 = vector.load %arg6[%get3A_61, %get3A_62] : memref<128x128xf32, #tpu.memory_space<vmem>>, vector<128x128xf32>
    %dot_general3A_64 = arith.constant dense<0.000000e+00> : vector<1x128xf32>
    %dot_general3A_65 = tpu.matmul %add3A_60, %get3A_63, %dot_general3A_64 {dimension_numbers = #tpu.dot_dimension_numbers<[1], [0], [0], [1], [0, 0, 1, 1], [], []>, transpose_lhs_hint = false} : vector<1x128xf32>, vector<128x128xf32>, vector<1x128xf32> -> vector<1x128xf32>
    %get3A_66 = arith.constant 0 : index
    %get3A_67 = arith.constant 0 : index
    %get3A_68 = vector.load %arg7[%get3A_66, %get3A_67] : memref<1x128xf32, #tpu.memory_space<vmem>>, vector<1x128xf32>
    %mul3A_69 = vector.broadcast %reduce_sum3A_22 : f32 to vector<1x128xf32>
    %mul3A_70 = arith.mulf %mul3A_69, %get3A_68 : vector<1x128xf32>
    %add3A_71 = arith.addf %dot_general3A_65, %mul3A_70 : vector<1x128xf32>
    %get3A_72 = arith.constant 0 : index
    %get3A_73 = arith.constant 0 : index
    %get3A_74 = vector.load %arg8[%get3A_72, %get3A_73] : memref<128x128xf32, #tpu.memory_space<vmem>>, vector<128x128xf32>
    %dot_general3A_75 = arith.constant dense<0.000000e+00> : vector<1x128xf32>
    %dot_general3A_76 = tpu.matmul %add3A_71, %get3A_74, %dot_general3A_75 {dimension_numbers = #tpu.dot_dimension_numbers<[1], [0], [0], [1], [0, 0, 1, 1], [], []>, transpose_lhs_hint = false} : vector<1x128xf32>, vector<128x128xf32>, vector<1x128xf32> -> vector<1x128xf32>
    %get3A_77 = arith.constant 0 : index
    %get3A_78 = arith.constant 0 : index
    %get3A_79 = vector.load %arg9[%get3A_77, %get3A_78] : memref<1x128xf32, #tpu.memory_space<vmem>>, vector<1x128xf32>
    %mul3A_80 = vector.broadcast %reduce_sum3A_13 : f32 to vector<1x128xf32>
    %mul3A_81 = arith.mulf %mul3A_80, %get3A_79 : vector<1x128xf32>
    %add3A_82 = arith.addf %dot_general3A_76, %mul3A_81 : vector<1x128xf32>
    %get3A_83 = arith.constant 0 : index
    %get3A_84 = arith.constant 0 : index
    %get3A_85 = vector.load %arg10[%get3A_83, %get3A_84] : memref<128x128xf32, #tpu.memory_space<vmem>>, vector<128x128xf32>
    %dot_general3A_86 = arith.constant dense<0.000000e+00> : vector<1x128xf32>
    %dot_general3A_87 = tpu.matmul %add3A_82, %get3A_85, %dot_general3A_86 {dimension_numbers = #tpu.dot_dimension_numbers<[1], [0], [0], [1], [0, 0, 1, 1], [], []>, transpose_lhs_hint = false} : vector<1x128xf32>, vector<128x128xf32>, vector<1x128xf32> -> vector<1x128xf32>
    %get3A_88 = arith.constant 0 : index
    %get3A_89 = arith.constant 0 : index
    %get3A_90 = vector.load %arg11[%get3A_88, %get3A_89] : memref<1x128xf32, #tpu.memory_space<vmem>>, vector<1x128xf32>
    %mul3A_91 = arith.constant 1.000000e+04 : f32
    %mul3A_92 = vector.broadcast %mul3A_91 : f32 to vector<1x128xf32>
    %mul3A_93 = arith.mulf %mul3A_92, %get3A_90 : vector<1x128xf32>
    %add3A_94 = arith.addf %dot_general3A_87, %mul3A_93 : vector<1x128xf32>
    %mul3A_95 = arith.constant 9.99999974E-5 : f32
    %mul3A_96 = vector.broadcast %mul3A_95 : f32 to vector<1x128xf32>
    %mul3A_97 = arith.mulf %add3A_94, %mul3A_96 : vector<1x128xf32>
    %get3A_98 = arith.constant 0 : index
    %get3A_99 = arith.constant 0 : index
    %get3A_100 = vector.load %arg12[%get3A_98, %get3A_99] : memref<1x128xf32, #tpu.memory_space<vmem>>, vector<1x128xf32>
    %mul3A_101 = arith.mulf %mul3A_97, %get3A_100 : vector<1x128xf32>
    %reduce_sum3A_102 = vector.shape_cast %mul3A_101 : vector<1x128xf32> to vector<1x1x128xf32>
    %reduce_sum3A_103 = arith.constant dense<0.000000e+00> : vector<1xf32>
    %reduce_sum3A_104 = vector.multi_reduction <add>, %reduce_sum3A_102, %reduce_sum3A_103 [1, 2] : vector<1x1x128xf32> to vector<1xf32>
    %reduce_sum3A_105 = vector.shape_cast %reduce_sum3A_104 : vector<1xf32> to vector<1x1x1xf32>
    %reduce_sum3A_106 = vector.extract %reduce_sum3A_105[0, 0, 0] : f32 from vector<1x1x1xf32>
    %get3A_107 = arith.constant 0 : index
    %get3A_108 = arith.constant 0 : index
    %get3A_109 = vector.load %arg13[%get3A_107, %get3A_108] : memref<1x1xf32, #tpu.memory_space<vmem>>, vector<1x1xf32>
    %get3A_110 = vector.extract %get3A_109[0, 0] : f32 from vector<1x1xf32>
    %add3A_111 = arith.addf %reduce_sum3A_106, %get3A_110 : f32
    %broadcast_in_dim3A = arith.constant 0.000000e+00 : f32
    %broadcast_in_dim3A_112 = vector.broadcast %broadcast_in_dim3A : f32 to vector<1x128xf32>
    %add3A_113 = vector.broadcast %add3A_111 : f32 to vector<1x128xf32>
    %add3A_114 = arith.addf %broadcast_in_dim3A_112, %add3A_113 : vector<1x128xf32>
    %logistic3A = arith.negf %add3A_114 : vector<1x128xf32>
    %logistic3A_115 = math.exp %logistic3A : vector<1x128xf32>
    %logistic3A_116 = arith.constant 1.000000e+00 : f32
    %logistic3A_117 = vector.broadcast %logistic3A_116 : f32 to vector<1x128xf32>
    %logistic3A_118 = arith.addf %logistic3A_117, %logistic3A_115 : vector<1x128xf32>
    %logistic3A_119 = arith.divf %logistic3A_117, %logistic3A_118 : vector<1x128xf32>
    %swap3A = arith.constant 0 : index
    %swap3A_120 = arith.constant 0 : index
    %swap3A_121 = vector.load %arg14[%swap3A, %swap3A_120] : memref<1x128xf32, #tpu.memory_space<vmem>>, vector<1x128xf32>
    tpu.vector_store %arg14[%swap3A, %swap3A_120], %logistic3A_119 {strides = array<i32>} : memref<1x128xf32, #tpu.memory_space<vmem>>, vector<1x128xf32>,
    return
  }
}

</mosaic_0001>

<sc_bundles>
// kernel: kernel.4.cloned.1.call-start
scs
__scs_entry_jumppad:
0x0: {  	(pc) =	sbr.rel $0x88, $3  }
0x1: {  	(tag) =	ssettag $0x0;
	lr =	simm.s32 $0x1  }
0x2: {  	[smem:$0x3F93] =	sst lr;
	_ =	strace $0xD0000000  }
0x3: {  	_ = 	snop  }
0x4: {  	_ = 	snop  }
0x5: {  	_ = 	snop  }
0x6: {  	_ = 	snop  }
0x7: {  	_ = 	snop  }
__scs_overlays_trampoline_lowered:
0x8: {  	[smem:$0x3FA2] =	sst s0  }
0x9: {  	[smem:$0x3FA3] =	sst s1  }
0xa: {  	[smem:$0x3FA4] =	sst s2  }
0xb: {  	[smem:$0x3FA5] =	sst s3  }
0xc: {  	[smem:$0x3FA6] =	sst s4  }
0xd: {  	[smem:$0x3FA7] =	sst s5  }
0xe: {  	[smem:$0x3FA8] =	sst s6  }
0xf: {  	[smem:$0x3FA9] =	sst s7  }
0x10: {  	[smem:$0x3FAA] =	sst s8  }
0x11: {  	[smem:$0x3FAB] =	sst s9;
	s0 =	simm.s32 @!p0 $0x0  }
0x12: {  	s1 =	sld [smem:$0x3F91];
	s0 =	simm.s32 @p0 $0x1  }
0x13: {  	[smem:$0x3FAC] =	sst s0;
	s0 =	simm.s32 @!p1 $0x0  }
0x14: {  	s2 =	sld [smem:$0x3F90];
	s0 =	simm.s32 @p1 $0x1  }
0x15: {  	[smem:$0x3FAD] =	sst s0;
	s0 =	simm.s32 @!p2 $0x0  }
0x16: {  	s3 =	sld [smem:$0x3FDB];
	s0 =	simm.s32 @p2 $0x1  }
0x17: {  	s4 =	simm.s32 $0x1BF5;
	[smem:$0x3FAF] =	sst s0  }
0x18: {  	s0 =	sld [smem:$0x3F92];
	_ =	swait.ge [sflag:s4], $0x0  }
0x19: {  	s7 =	sld [smem:$0x3F93]  }
0x1a: {  	s8 =	sadd.s32 $0xFFFFE003, lr  }
0x1b: {  	s9 =	sadd.s32 $0xFFFFFEF7, lr;
	s5 =	simm.s32 $0xFFFFFFFF;
	p2 =	slt.u32 s8, $0xFFFFF086  }
0x1c: {  	p1 =	slt.u32 s9, $0xF7A;
	s5 =	simm.s32 @!p2 $0x0  }
0x1d: {  	s5 =	simm.s32 @p1 $0x1;
	p0 =	seq.s32 s7, s2  }
0x1e: {  	s7 =	smul.u32 @!p0 $0xF7A, s2;
	p2 =	seq.s32 @!p0 s5, $0x0  }
0x1f: {  	s9 =	smul.u32 $0xF7A, s1;
	s8 =	simm.s32 @!p0 $0x1BF5;
	p2 =	por !p2, p0  }
0x20: {  	[sflag:s8] =	ssyncset.s32 @!p0 $0xFFFFF086;
	s6 =	sadd.s32 @!p0 s3, s7;
	s7 =	simm.s32 @!p0 $0x108  }
0x21: {  	s3 =	sadd.s32 s3, s9;
	s6 =	sadd.s32 @!p0 $0x88, s6;
	s7 =	simm.s32 @p2 $0x1082  }
0x22: {  	[simem:s7], [sflag:s8] =	dma.local @!p0 [hbm:s6], $0xF7A  }
0x23: {  	s9 =	sor.u32 $0xD0000000, s2;
	s6 =	simm.s32 $0x108;
	_ =	swait.ge @!p0 [sflag:s8], $0x0  }
0x24: {  	s3 =	sadd.s32 $0x88, s3;
	s6 =	simm.s32 @!p1 $0x1082;
	[sflag:s4] =	ssyncset.s32 $0xFFFFF086  }
0x25: {  	[simem:s6], [sflag:s4] =	dma.local [hbm:s3], $0xF7A  }
0x26: {  	[smem:$0x3F93] =	sst s1;
	(tag) =	ssettag s2;
	_ =	strace s9  }
0x27: {  	s1 =	sld [smem:$0x3FA3]  }
0x28: {  	s2 =	sld [smem:$0x3FA4]  }
0x29: {  	s4 =	sld [smem:$0x3FA6]  }
0x2a: {  	p0 =	seq.s32 s5, $0x0;
	s5 =	sld [smem:$0x3FA7]  }
0x2b: {  	s6 =	sld [smem:$0x3FA8]  }
0x2c: {  	s7 =	sld [smem:$0x3FA9]  }
0x2d: {  	s3 =	simm.s32 $0x108;
	s8 =	sld [smem:$0x3FAA]  }
0x2e: {  	s3 =	simm.s32 @!p0 $0x1082;
	s9 =	sld [smem:$0x3FAB]  }
0x2f: {  	lr =	sadd.s32 s0, s3;
	s0 =	sld [smem:$0x3FA2]  }
0x30: {  	s3 =	sld [smem:$0x3FA5]  }
0x31: {  	[smem:$0x3FAE] =	sst s10  }
0x32: {  	s10 =	sld [smem:$0x3FAC];
	_ =	sdelay $0x3  }
0x33: {  	p0 =	seq.s32 s10, $0x1;
	s10 =	sld [smem:$0x3FAE];
	_ =	sdelay $0x3  }
0x34: {  	[smem:$0x3FAE] =	sst s10  }
0x35: {  	s10 =	sld [smem:$0x3FAD];
	_ =	sdelay $0x3  }
0x36: {  	p1 =	seq.s32 s10, $0x1;
	s10 =	sld [smem:$0x3FAE];
	_ =	sdelay $0x3  }
0x37: {  	[smem:$0x3FAE] =	sst s10  }
0x38: {  	s10 =	sld [smem:$0x3FAF]  }
0x39: {  	_ = 	snop;
	(pc) =	sbr.ind lr, $3  }
0x3a: {  	_ = 	snop  }
0x3b: {  	_ = 	snop  }
0x3c: {  	p2 =	seq.s32 s10, $0x1;
	s10 =	sld [smem:$0x3FAE]  }
0x3d: {  	_ =	shalt  }
0x3e: {  	_ =	shalt  }
0x3f: {  	_ =	shalt  }
0x40: {  	_ =	shalt  }
0x41: {  	_ =	shalt  }
0x42: {  	_ =	shalt  }
0x43: {  	_ =	shalt  }
0x44: {  	_ =	shalt  }
0x45: {  	_ =	shalt  }
0x46: {  	_ =	shalt  }
0x47: {  	_ =	shalt  }
0x48: {  	_ =	shalt  }
0x49: {  	_ =	shalt  }
0x4a: {  	_ =	shalt  }
0x4b: {  	_ =	shalt  }
0x4c: {  	_ =	shalt  }
0x4d: {  	_ =	shalt  }
0x4e: {  	_ =	shalt  }
0x4f: {  	_ =	shalt  }
0x50: {  	_ =	shalt  }
0x51: {  	_ =	shalt  }
0x52: {  	_ =	shalt  }
0x53: {  	_ =	shalt  }
0x54: {  	_ =	shalt  }
0x55: {  	_ =	shalt  }
0x56: {  	_ =	shalt  }
0x57: {  	_ =	shalt  }
0x58: {  	_ =	shalt  }
0x59: {  	_ =	shalt  }
0x5a: {  	_ =	shalt  }
0x5b: {  	_ =	shalt  }
0x5c: {  	_ =	shalt  }
0x5d: {  	_ =	shalt  }
0x5e: {  	_ =	shalt  }
0x5f: {  	_ =	shalt  }
0x60: {  	_ =	shalt  }
0x61: {  	_ =	shalt  }
0x62: {  	_ =	shalt  }
0x63: {  	_ =	shalt  }
0x64: {  	_ =	shalt  }
0x65: {  	_ =	shalt  }
0x66: {  	_ =	shalt  }
0x67: {  	_ =	shalt  }
0x68: {  	_ =	shalt  }
0x69: {  	_ =	shalt  }
0x6a: {  	_ =	shalt  }
0x6b: {  	_ =	shalt  }
0x6c: {  	_ =	shalt  }
0x6d: {  	_ =	shalt  }
0x6e: {  	_ =	shalt  }
0x6f: {  	_ =	shalt  }
0x70: {  	_ =	shalt  }
0x71: {  	_ =	shalt  }
0x72: {  	_ =	shalt  }
0x73: {  	_ =	shalt  }
0x74: {  	_ =	shalt  }
0x75: {  	_ =	shalt  }
0x76: {  	_ =	shalt  }
0x77: {  	_ =	shalt  }
0x78: {  	_ =	shalt  }
0x79: {  	_ =	shalt  }
0x7a: {  	_ =	shalt  }
0x7b: {  	_ =	shalt  }
0x7c: {  	_ =	shalt  }
0x7d: {  	_ =	shalt  }
0x7e: {  	_ =	shalt  }
0x7f: {  	_ =	shalt  }
0x80: {  	_ =	shalt  }
0x81: {  	_ =	shalt  }
0x82: {  	_ =	shalt  }
0x83: {  	_ =	shalt  }
0x84: {  	_ =	shalt  }
0x85: {  	_ =	shalt  }
0x86: {  	_ =	shalt  }
0x87: {  	_ =	shalt  }
.Lfunc_end0:
.L_simem_size_0:
called_computation_lowered:
.L_overlay_start_0:
0x88: {  	s0 =	sld [smem:$0x3FD9]  }
0x89: {  	s1 =	sld [smem:$0x3FFE];
	_ =	sdelay $0x3  }
0x8a: {  	s0 =	sadd.s32 s1, s0  }
0x8b: {  	[smem:$0x3FBA] =	sst s0  }
0x8c: {  	_ = 	snop  }
0x8d: {  	(tm) =	ssettm $0x1  }
0x8e: {  	s15 =	sld [smem:$0x3FFB];
	_ =	sdelay $0x3  }
0x8f: {  	_ =	strace s15  }
0x90: {  	s0 =	sld [smem:$0x3FFC];
	_ =	sdelay $0x3  }
0x91: {  	_ =	strace s0  }
0x92: {  	s0 =	sld [smem:$0x3FFD];
	_ =	sdelay $0x3  }
0x93: {  	_ =	strace s0  }
0x94: {  	_ =	strace $0x8FFFFFFF  }
0x95: {  	s16 =	sld [smem:$0x3FDB];
	_ =	sdelay $0x1  }
0x96: {  	s17 =	simm.s32 $_scs_section_size  }
0x97: {  	s2 =	simm.s32 $_size__tile_overlayer_lowered;
	s3 =	simm.s32 $_tile_overlayer_lowered  }
0x98: {  	s20 =	simm.s32 $0x1BFF;
	s19 =	sshll.u32 s3, $0x1;
	s0 =	sadd.s32 s17, s16  }
0x99: {  	s4 =	simm.s32 $0x0;
	s18 =	sshll.u32 s2, $0x1;
	s2 =	sadd.s32 s19, s0  }
0x9a: {  	[timem:s4], [sflag:s20] =	dma.local [hbm:s2], s18  }
0x9b: {  	_ =	swait.ge [sflag:s20], s18  }
0x9c: {  	s1 =	ssub.s32 $0x0, s18;
	[sflag:s20] =	ssyncset.done $0x0  }
0x9d: {  	[sflag:s20] =	ssyncadd.s32 s1;
	_ =	sdelay $0x1  }
0x9e: {  	s21 =	simm.s32 $0x1B8B  }
0x9f: {  	_ =	swait.ge [sflag:s21], $0x1  }
0xa0: {  	[sflag:s21] =	ssyncset.done $0x0  }
0xa1: {  	s23 =	simm.s32 $0x1B8E;
	s22 =	sld [smem:$0x3FFE];
	[sflag:s21] =	ssyncadd.s32 $0xFFFFFFFF  }
0xa2: {  	s24 =	simm.s32 $execute0_lowered;
	[smem:$0x3FD2] =	sst s23  }
0xa3: {  	s2 =	sshll.u32 s24, $0x1;
	_ =	strace $0x80000046;
	[dreg:$0x1] =	wrdreg $0xFFFFFFFF  }
0xa4: {  	s25 =	simm.s32 $_size_execute0_lowered;
	s0 =	sadd.s32 s0, s2;
	[dreg:$0x0] =	wrdreg $0x0  }
0xa5: {  	s2 =	sshll.u32 s25, $0x1;
	[dreg:$0x2] =	wrdreg s0  }
0xa6: {  	[dreg:$0x3] =	wrdreg s2  }
0xa7: {  	[dreg:$0x4] =	wrdreg $0xC0  }
0xa8: {  	_ =	task [dreg:s4], $0x5FFFF  }
0xa9: {  	[dreg:$0x1] =	wrdreg $0xFFFFFFFF  }
0xaa: {  	[dreg:$0x0] =	wrdreg $0x60  }
0xab: {  	[dreg:$0x2] =	wrdreg s22  }
0xac: {  	[dreg:$0x3] =	wrdreg $0xE4800  }
0xad: {  	[dreg:$0x4] =	wrdreg $0xE7000  }
0xae: {  	[dreg:$0x5] =	wrdreg $0xE9800  }
0xaf: {  	[dreg:$0x6] =	wrdreg $0x9  }
0xb0: {  	_ =	task.clear_ibuf [dreg:s4], $0x7FFFF;
	_ =	strace $0x90000046  }
0xb1: {  	s26 =	simm.s32 $0x9;
	_ =	strace $0x80000048  }
0xb2: {  	_ =	swait.ge [sflag:s26], $0x1  }
0xb3: {  	[sflag:s26] =	ssyncadd.s32 $0xFFFFFFFF  }
0xb4: {  	_ =	strace $0x90000048  }
0xb5: {  	_ =	sfence  }
0xb6: {  	s28 =	sld [smem:$0x0];
	_ =	sdelay $0x1  }
0xb7: {  	s29 =	srdreg.scid  }
0xb8: {  	s30 =	sshll.u32 s29, $0xD;
	s31 =	sshrl.u32 s29, $0x2  }
0xb9: {  	s1 =	sand.u32 $0x1, s29;
	s2 =	sand.u32 $0x4000, s30;
	s0 =	sadd.s32 s31, s28  }
0xba: {  	s1 =	sor.u32 s2, s1;
	s0 =	sshll.u32 s0, $0x11  }
0xbb: {  	s0 =	sor.u32 s0, s1  }
0xbc: {  	s0 =	sadd.s32 $0x8F2B, s0  }
0xbd: {  	[sflag:s0] =	ssyncadd.remote.s32 $0x1  }
0xbe: {  	_ =	sfence.sel $0xFFFF  }
0xbf: {  	[dreg:$0x0] =	wrdreg $0xFFFFFFFF;
	(pc) =	sbr.abs _section_cstart, $3  }
0xc0: {  	[dreg:$0x1] =	wrdreg $0xFFFFFFFF  }
0xc1: {  	_ =	task.clear_ibuf [dreg:s4], $0x2FFFF;
	_ =	strace $0x9FFFFFFF  }
0xc2: {  	(tm) =	ssettm $0x7FFFFFFF  }
0xc3: {  	_ =	shalt  }
tec
execute0_lowered:
.L_overlay_start_1:
0x0: {  	(tag) =	ssettag $0x1  }
0x1: {  	s5 =	rddreg [dreg:$0x0]  }
0x2: {  	s2 =	rddreg [dreg:$0x1]  }
0x3: {  	s8 =	rddreg [dreg:$0x2];
	s0 =	stileid.u32  }
0x4: {  	s4 =	rddreg [dreg:$0x3];
	s3 =	smul.u32 $0x9C4, s0  }
0x5: {  	s1 =	rddreg [dreg:$0x4];
	s6 =	simm.s32 $0x0  }
0x6: {  	[smem:$0x7FF] =	sst s6;
	s3 =	sadd.s32 s3, s5  }
0x7: {  	s31 =	simm.s32 $0x2;
	_ =	strace $0x80000047;
	s3 =	sadd.s32 $0x1800, s3  }
0x8: {  	[tilespmem:s6], [sflag:$0x2] =	stream.linear.gather [hbm4b:s3+s6], $0x4E20, $0x38;
	[tilespmem:$0xEC00] =	vst v63  }
0x9: {  	_ =	swait.ge [sflag:s31], $0x4E20  }
0xa: {  	[sflag:s31] =	ssyncset.done $0x0  }
0xb: {  	v0 =	vlaneseq.u32;
	[sflag:s31] =	ssyncadd.s32 $0xFFFFB1E0  }
0xc: {  	v1 =	vor.u32 $0x10, v0;
	[tilespmem:$0xE400] =	vst v0  }
0xd: {  	[tilespmem:$0xE410] =	vst v1;
	v1 =	vor.u32 $0x20, v0  }
0xe: {  	[tilespmem:$0xE420] =	vst v1;
	v1 =	vor.u32 $0x30, v0  }
0xf: {  	v0 =	vor.u32 $0x40, v0;
	[tilespmem:$0xE430] =	vst v1  }
0x10: {  	s3 =	simm.s32 $0xE040;
	[tilespmem:$0xE440] =	vst v0;
	v0 =	vimm.f32 $0.0e+00  }
0x11: {  	[tilespmem:s3+$0xFFFFFFC0] =	vst v0  }
0x12: {  	[tilespmem:s3+$0x30] =	vst v0  }
0x13: {  	[tilespmem:s3+$0x20] =	vst v0  }
0x14: {  	[tilespmem:s3+$0x10] =	vst v0  }
0x15: {  	[tilespmem:s3+$0x0] =	vst v0  }
0x16: {  	[tilespmem:s3+$0xFFFFFFF0] =	vst v0  }
0x17: {  	s5 =	sadd.s32 $0xB600, s5;
	s6 =	simm.s32 $0x0;
	[tilespmem:s3+$0xFFFFFFE0] =	vst v0  }
.LBB2_1:
0x18: {  	s6 =	sadd.s32 $0x8, s6;
	[tilespmem:s3+$0xFFFFFFD0] =	vst v0;
	s3 =	sadd.s32 $0x80, s3  }
0x19: {  	[tilespmem:s3+$0xFFFFFFC0] =	vst v0;
	p0 =	slt.u32 s6, $0x20  }
0x1a: {  	[tilespmem:s3+$0x30] =	vst v0  }
.Ltmp0:
0x1b: {  	[tilespmem:s3+$0x20] =	vst v0;
	(pc) =	sbr.rel @p0 .LBB2_1-.Ltmp0, $4  }
0x1c: {  	[tilespmem:s3+$0x10] =	vst v0  }
0x1d: {  	[tilespmem:s3+$0x0] =	vst v0  }
0x1e: {  	[tilespmem:s3+$0xFFFFFFF0] =	vst v0  }
0x1f: {  	[tilespmem:s3+$0xFFFFFFE0] =	vst v0  }
0x20: {  	[tilespmem:s3+$0xFFFFFFD0] =	vst v0;
	s3 =	simm.s32 $0x76C0;
	v0 =	vimm.f32 $0.0e+00  }
0x21: {  	[tilespmem:s3+$0xFFFFFFC0] =	vst v0  }
0x22: {  	[tilespmem:s3+$0x30] =	vst v0  }
0x23: {  	[tilespmem:s3+$0x20] =	vst v0  }
0x24: {  	[tilespmem:s3+$0x10] =	vst v0  }
0x25: {  	[tilespmem:s3+$0x0] =	vst v0  }
0x26: {  	[tilespmem:s3+$0xFFFFFFF0] =	vst v0  }
0x27: {  	s6 =	simm.s32 $0x0;
	[tilespmem:s3+$0xFFFFFFE0] =	vst v0  }
.LBB2_3:
0x28: {  	s6 =	sadd.s32 $0x8, s6;
	[tilespmem:s3+$0xFFFFFFD0] =	vst v0;
	s3 =	sadd.s32 $0x80, s3  }
0x29: {  	[tilespmem:s3+$0xFFFFFFC0] =	vst v0;
	p0 =	slt.u32 s6, $0x278  }
0x2a: {  	[tilespmem:s3+$0x30] =	vst v0  }
.Ltmp1:
0x2b: {  	[tilespmem:s3+$0x20] =	vst v0;
	(pc) =	sbr.rel @p0 .LBB2_3-.Ltmp1, $4  }
0x2c: {  	[tilespmem:s3+$0x10] =	vst v0  }
0x2d: {  	[tilespmem:s3+$0x0] =	vst v0  }
0x2e: {  	[tilespmem:s3+$0xFFFFFFF0] =	vst v0  }
0x2f: {  	[tilespmem:s3+$0xFFFFFFE0] =	vst v0  }
0x30: {  	[tilespmem:s3+$0xFFFFFFD0] =	vst v0;
	s3 =	simm.s32 $0x9EC0;
	v0 =	vimm.f32 $0.0e+00  }
0x31: {  	[tilespmem:s3+$0xFFFFFFC0] =	vst v0  }
0x32: {  	[tilespmem:s3+$0x30] =	vst v0  }
0x33: {  	[tilespmem:s3+$0x20] =	vst v0  }
0x34: {  	[tilespmem:s3+$0x10] =	vst v0  }
0x35: {  	[tilespmem:s3+$0x0] =	vst v0  }
0x36: {  	[tilespmem:s3+$0xFFFFFFF0] =	vst v0  }
0x37: {  	s6 =	simm.s32 $0x0;
	[tilespmem:s3+$0xFFFFFFE0] =	vst v0  }
.LBB2_5:
0x38: {  	s6 =	sadd.s32 $0x8, s6;
	[tilespmem:s3+$0xFFFFFFD0] =	vst v0;
	s3 =	sadd.s32 $0x80, s3  }
0x39: {  	[tilespmem:s3+$0xFFFFFFC0] =	vst v0;
	p0 =	slt.u32 s6, $0x278  }
0x3a: {  	[tilespmem:s3+$0x30] =	vst v0  }
.Ltmp2:
0x3b: {  	[tilespmem:s3+$0x20] =	vst v0;
	(pc) =	sbr.rel @p0 .LBB2_5-.Ltmp2, $4  }
0x3c: {  	[tilespmem:s3+$0x10] =	vst v0  }
0x3d: {  	[tilespmem:s3+$0x0] =	vst v0  }
0x3e: {  	[tilespmem:s3+$0xFFFFFFF0] =	vst v0  }
0x3f: {  	[tilespmem:s3+$0xFFFFFFE0] =	vst v0  }
0x40: {  	s7 =	smul.u32 $0x280, s0;
	_ =	sdelay $0x1  }
0x41: {  	[tilespmem:s3+$0xFFFFFFD0] =	vst v0;
	s9 =	simm.s32 $0xE000;
	s10 =	simm.s32 $0x2;
	s3 =	sadd.s32 s7, s2  }
0x42: {  	[spmem:s3] =	stream.linear.scatter [tilespmem:s9], [sflag:$0x2], $0x280, $0x38;
	[tilespmem:$0xEC00] =	vst v63  }
0x43: {  	_ =	swait.ge [sflag:s10], $0x280  }
0x44: {  	[sflag:s10] =	ssyncset.done $0x0  }
0x45: {  	s6 =	sadd.s32 s7, s8;
	[sflag:s10] =	ssyncadd.s32 $0xFFFFFD80  }
0x46: {  	[spmem:s6] =	stream.linear.scatter [tilespmem:s9], [sflag:$0x2], $0x280, $0x38;
	[tilespmem:$0xEC00] =	vst v63  }
0x47: {  	_ =	swait.ge [sflag:s10], $0x280  }
0x48: {  	[sflag:s10] =	ssyncset.done $0x0  }
0x49: {  	s31 =	simm.s32 $0x40;
	[sflag:s10] =	ssyncadd.s32 $0xFFFFFD80  }
0x4a: {  	v0 =	vld [tilespmem:s31+$0x30]  }
0x4b: {  	v1 =	vld [tilespmem:s31+$0xFFFFFFD0]  }
0x4c: {  	v2 =	vld [tilespmem:s31+$0xFFFFFFE0]  }
0x4d: {  	v3 =	vld [tilespmem:s31+$0xFFFFFFF0]  }
0x4e: {  	v8 =	vld [tilespmem:s31+$0xFFFFFFC0]  }
0x4f: {  	v9 =	vld [tilespmem:s31+$0x10];
	v4 =	vand.u32 $0xFFFF, v0  }
0x50: {  	v7 =	vand.u32 $0xFFFF, v1  }
0x51: {  	v11 =	vand.u32 $0xFFFF, v2  }
0x52: {  	v5 =	vld [tilespmem:s31+$0x0];
	v59 =	vand.u32 $0xFFFF, v3  }
0x53: {  	s9 =	simm.s32 $0x7680;
	v10 =	vld [tilespmem:s31+$0x20];
	v6 =	vshrl.u32 v0, $0x10;
	v0 =	vimm.f32 $1.000000000e+00;
	v60 =	vand.u32 $0xFFFF, v8  }
0x54: {  	v62 =	vand.u32 $0xFFFF, v9;
	[tilespmem:v4+s9+$0x0] =	vst.idx.add.f32.msk $0xffff, v0  }
0x55: {  	v1 =	vshrl.u32 v1, $0x10;
	[tilespmem:v7+s9+$0x0] =	vst.idx.add.f32.msk $0xffff, v0  }
0x56: {  	[tilespmem:v11+s9+$0x0] =	vst.idx.add.f32.msk $0xffff, v0  }
0x57: {  	v2 =	vshrl.u32 v2, $0x10;
	[tilespmem:v59+s9+$0x0] =	vst.idx.add.f32.msk $0xffff, v0  }
0x58: {  	v61 =	vshrl.u32 v8, $0x10;
	[tilespmem:v60+s9+$0x0] =	vst.idx.add.f32.msk $0xffff, v0  }
0x59: {  	s10 =	simm.s32 $0x9E80;
	v63 =	vshrl.u32 v9, $0x10;
	[tilespmem:v62+s9+$0x0] =	vst.idx.add.f32.msk $0xffff, v0  }
0x5a: {  	[tilespmem:v1+s10+$0x0] =	vst.idx.add.f32.msk $0xffff, v0;
	v1 =	vshrl.u32 v3, $0x10  }
0x5b: {  	[tilespmem:v6+s10+$0x0] =	vst.idx.add.f32.msk $0xffff, v0;
	v3 =	vand.u32 $0xFFFF, v5  }
0x5c: {  	[tilespmem:v2+s10+$0x0] =	vst.idx.add.f32.msk $0xffff, v0;
	v2 =	vshrl.u32 v5, $0x10  }
0x5d: {  	[tilespmem:v61+s10+$0x0] =	vst.idx.add.f32.msk $0xffff, v0  }
0x5e: {  	[tilespmem:v63+s10+$0x0] =	vst.idx.add.f32.msk $0xffff, v0  }
0x5f: {  	[tilespmem:v1+s10+$0x0] =	vst.idx.add.f32.msk $0xffff, v0  }
0x60: {  	[tilespmem:v3+s9+$0x0] =	vst.idx.add.f32.msk $0xffff, v0  }
0x61: {  	s11 =	simm.s32 $0x0;
	s12 =	simm.s32 $0xC0;
	v1 =	vshrl.u32 v10, $0x10;
	[tilespmem:v2+s10+$0x0] =	vst.idx.add.f32.msk $0xffff, v0;
	v2 =	vand.u32 $0xFFFF, v10  }
.LBB2_7:
0x62: {  	v3 =	vld [tilespmem:s12+$0x30]  }
0x63: {  	s11 =	sadd.s32 $0x8, s11;
	v4 =	vld [tilespmem:s12+$0xFFFFFFD0]  }
0x64: {  	p0 =	slt.u32 s11, $0x4D8;
	v5 =	vld [tilespmem:s12+$0xFFFFFFE0]  }
0x65: {  	v6 =	vld [tilespmem:s12+$0xFFFFFFF0]  }
0x66: {  	v7 =	vld [tilespmem:s12+$0x0]  }
0x67: {  	v8 =	vld [tilespmem:s12+$0x10];
	v9 =	vand.u32 $0xFFFF, v3  }
0x68: {  	v3 =	vshrl.u32 v3, $0x10;
	v10 =	vshrl.u32 v4, $0x10;
	v4 =	vand.u32 $0xFFFF, v4;
	v11 =	vld [tilespmem:s12+$0x20]  }
0x69: {  	v12 =	vld [tilespmem:s12+$0xFFFFFFC0];
	v13 =	vshrl.u32 v5, $0x10;
	v5 =	vand.u32 $0xFFFF, v5  }
0x6a: {  	v14 =	vshrl.u32 v6, $0x10;
	v6 =	vand.u32 $0xFFFF, v6;
	[tilespmem:v2+s9+$0x0] =	vst.idx.add.f32.msk $0xffff, v0  }
0x6b: {  	v15 =	vshrl.u32 v7, $0x10;
	v7 =	vand.u32 $0xFFFF, v7;
	[tilespmem:v1+s10+$0x0] =	vst.idx.add.f32.msk $0xffff, v0  }
0x6c: {  	v16 =	vshrl.u32 v8, $0x10;
	v8 =	vand.u32 $0xFFFF, v8;
	[tilespmem:v9+s9+$0x0] =	vst.idx.add.f32.msk $0xffff, v0  }
0x6d: {  	v1 =	vshrl.u32 v11, $0x10;
	v2 =	vand.u32 $0xFFFF, v11;
	[tilespmem:v3+s10+$0x0] =	vst.idx.add.f32.msk $0xffff, v0  }
0x6e: {  	v3 =	vshrl.u32 v12, $0x10;
	v9 =	vand.u32 $0xFFFF, v12;
	[tilespmem:v4+s9+$0x0] =	vst.idx.add.f32.msk $0xffff, v0  }
0x6f: {  	[tilespmem:v10+s10+$0x0] =	vst.idx.add.f32.msk $0xffff, v0  }
0x70: {  	[tilespmem:v5+s9+$0x0] =	vst.idx.add.f32.msk $0xffff, v0  }
0x71: {  	[tilespmem:v13+s10+$0x0] =	vst.idx.add.f32.msk $0xffff, v0  }
0x72: {  	[tilespmem:v6+s9+$0x0] =	vst.idx.add.f32.msk $0xffff, v0  }
0x73: {  	[tilespmem:v9+s9+$0x0] =	vst.idx.add.f32.msk $0xffff, v0  }
0x74: {  	[tilespmem:v3+s10+$0x0] =	vst.idx.add.f32.msk $0xffff, v0  }
.Ltmp3:
0x75: {  	[tilespmem:v14+s10+$0x0] =	vst.idx.add.f32.msk $0xffff, v0;
	(pc) =	sbr.rel @p0 .LBB2_7-.Ltmp3, $4  }
0x76: {  	[tilespmem:v7+s9+$0x0] =	vst.idx.add.f32.msk $0xffff, v0  }
0x77: {  	[tilespmem:v15+s10+$0x0] =	vst.idx.add.f32.msk $0xffff, v0  }
0x78: {  	[tilespmem:v8+s9+$0x0] =	vst.idx.add.f32.msk $0xffff, v0  }
0x79: {  	s12 =	sadd.s32 $0x80, s12;
	[tilespmem:v16+s10+$0x0] =	vst.idx.add.f32.msk $0xffff, v0  }
0x7a: {  	_ =	sdelay $0x3  }
0x7b: {  	[tilespmem:v2+s9+$0x0] =	vst.idx.add.f32.msk $0xffff, v0  }
0x7c: {  	s9 =	simm.s32 $0x0;
	s11 =	simm.s32 $0x9E80;
	[tilespmem:v1+s10+$0x0] =	vst.idx.add.f32.msk $0xffff, v0;
	v0 =	vimm.f32 $1.000000000e+00;
	s10 =	simm.s32 $0x7680  }
.LBB2_9:
0x7d: {  	s12 =	sshra.s32 s9, $0x2  }
0x7e: {  	v1 =	vld [tilespmem:s12+$0x4E00];
	_ =	sdelay $0x4  }
0x7f: {  	v2 =	vand.u32 $0xFFFF, v1  }
0x80: {  	p0 =	sne.s32 s9, $0x40;
	v1 =	vshrl.u32 v1, $0x10  }
.Ltmp4:
0x81: {  	_ = 	snop;
	(pc) =	sbr.rel @p0 .LBB2_9-.Ltmp4, $3  }
0x82: {  	_ =	sdelay $0x1  }
0x83: {  	[tilespmem:v2+s10+$0x0] =	vst.idx.add.f32.msk $0xffff, v0  }
0x84: {  	s9 =	sadd.s32 $0x40, s9;
	[tilespmem:v1+s11+$0x0] =	vst.idx.add.f32.msk $0xffff, v0  }
0x85: {  	[bflag:$0x0] =	sbarrier.arrive $0xFFFF;
	s9 =	simm.s32 $0x50  }
0x86: {  	s10 =	simm.s32 $0xE400;
	s11 =	simm.s32 $0x7680;
	s17 =	simm.s32 $0x2  }
0x87: {  	[spmem:s2] =	stream.indirect.scatter.add.f32 [tilespmem:s11], [sflag:$0x2], $0x80, s10, s9, $0xb8;
	[tilespmem:$0xEC00] =	vst v63  }
0x88: {  	_ =	swait.ge [sflag:s17], $0x2800  }
0x89: {  	[sflag:s17] =	ssyncset.done $0x0  }
0x8a: {  	s12 =	simm.s32 $0x9E80;
	[sflag:s17] =	ssyncadd.s32 $0xFFFFD800  }
0x8b: {  	[spmem:s8] =	stream.indirect.scatter.add.f32 [tilespmem:s12], [sflag:$0x2], $0x80, s10, s9, $0xb8;
	[tilespmem:$0xEC00] =	vst v63  }
0x8c: {  	_ =	swait.ge [sflag:s17], $0x2800  }
0x8d: {  	[sflag:s17] =	ssyncset.done $0x0  }
0x8e: {  	[sflag:s17] =	ssyncadd.s32 $0xFFFFD800  }
0x8f: {  	s18 =	simm.s32 $0xC680;
	s19 =	simm.s32 $0x0;
	[bflag:$0x0] =	sbarrier.arrive $0xFFFF  }
0x90: {  	[tilespmem:s18], [sflag:$0x2] =	stream.linear.gather [spmem:s3], $0x280, $0x38;
	[tilespmem:$0xEC00] =	vst v63  }
0x91: {  	s20 =	simm.s32 $0x10;
	s21 =	sand.u32 $0x380, s19;
	_ =	swait.ge [sflag:s17], $0x280  }
0x92: {  	s10 =	sadd.s32 $0xC680, s21;
	s9 =	sand.u32 $0x70, s20;
	[sflag:s17] =	ssyncset.done $0x0  }
0x93: {  	s9 =	sor.u32 s9, s10;
	[sflag:s17] =	ssyncadd.s32 $0xFFFFFD80  }
0x94: {  	v2 =	vld [tilespmem:s9+$0x0];
	_ =	sdelay $0x3  }
0x95: {  	s8 =	sand.u32 $0x60, s19  }
0x96: {  	s22 =	simm.s32 $0x20;
	s8 =	sor.u32 s8, s10;
	v3 =	vmul.f32 $5.000000000e-01, v2;
	v0 =	vshrl.u32 v2, $0x1  }
0x97: {  	s23 =	simm.s32 $0x30;
	s24 =	sand.u32 $0x380, s22;
	v4 =	vld [tilespmem:s8+$0x0];
	v0 =	vsub.s32 $0x5F3759DF, v0  }
0x98: {  	s10 =	sadd.s32 $0xC680, s24;
	s9 =	sand.u32 $0x70, s23;
	v1 =	vmul.f32 v0, v3  }
0x99: {  	s9 =	sor.u32 s9, s10  }
0x9a: {  	v16 =	vld [tilespmem:s9+$0x0];
	v1 =	vmul.f32 v0, v1;
	_ =	sdelay $0x1  }
0x9b: {  	v5 =	vshrl.u32 v4, $0x1;
	v6 =	vmul.f32 $5.000000000e-01, v4;
	v1 =	vsub.f32 $1.500000000e+00, v1  }
0x9c: {  	v5 =	vsub.s32 $0x5F3759DF, v5  }
0x9d: {  	s8 =	sand.u32 $0x60, s22;
	v7 =	vmul.f32 v5, v6;
	v0 =	vmul.f32 v0, v1  }
0x9e: {  	s8 =	sor.u32 s8, s10;
	v9 =	vmul.f32 $5.000000000e-01, v16;
	v10 =	vshrl.u32 v16, $0x1  }
0x9f: {  	v8 =	vld [tilespmem:s8+$0x0];
	v10 =	vsub.s32 $0x5F3759DF, v10;
	v1 =	vmul.f32 v5, v7;
	v7 =	vmul.f32 v0, v3  }
0xa0: {  	v11 =	vmul.f32 v10, v9  }
0xa1: {  	v1 =	vsub.f32 $1.500000000e+00, v1;
	v7 =	vmul.f32 v7, v0  }
0xa2: {  	v11 =	vmul.f32 v10, v11  }
0xa3: {  	s25 =	simm.s32 $0x40;
	v5 =	vmul.f32 v5, v1;
	v7 =	vsub.f32 $1.500000000e+00, v7  }
0xa4: {  	s26 =	simm.s32 $0x50;
	s28 =	sand.u32 $0x380, s25;
	v12 =	vshrl.u32 v8, $0x1;
	v11 =	vsub.f32 $1.500000000e+00, v11;
	v1 =	vmul.f32 $5.000000000e-01, v8  }
0xa5: {  	s10 =	sadd.s32 $0xC680, s28;
	s9 =	sand.u32 $0x70, s26;
	v12 =	vsub.s32 $0x5F3759DF, v12;
	v13 =	vmul.f32 v5, v6;
	v7 =	vmul.f32 v7, v0  }
0xa6: {  	s9 =	sor.u32 s9, s10;
	v10 =	vmul.f32 v10, v11;
	v14 =	vmul.f32 v12, v1  }
0xa7: {  	v13 =	vmul.f32 v13, v5;
	v0 =	vld [tilespmem:s9+$0x0];
	v3 =	vmul.f32 v7, v3  }
0xa8: {  	s8 =	sand.u32 $0x60, s25;
	vm0 =	vgt.f32 v4, $5.000000000e-01;
	vm2 =	vgt.f32 v8, $5.000000000e-01;
	v8 =	vmul.f32 v10, v9  }
0xa9: {  	s8 =	sor.u32 s8, s10;
	v4 =	vmul.f32 v12, v14;
	v13 =	vsub.f32 $1.500000000e+00, v13;
	v14 =	vmul.f32 v3, v7  }
0xaa: {  	vm1 =	vmmov vm0;
	v11 =	vld [tilespmem:s8+$0x0]  }
0xab: {  	v8 =	vmul.f32 v8, v10;
	v3 =	vmul.f32 v13, v5;
	v13 =	vsub.f32 $1.500000000e+00, v14  }
0xac: {  	v4 =	vsub.f32 $1.500000000e+00, v4;
	v5 =	vmul.f32 $5.000000000e-01, v0;
	v14 =	vshrl.u32 v0, $0x1  }
0xad: {  	v8 =	vsub.f32 $1.500000000e+00, v8;
	v7 =	vmul.f32 v13, v7;
	v13 =	vsub.s32 $0x5F3759DF, v14  }
0xae: {  	s29 =	simm.s32 $0x60;
	vm0 =	vgt.f32 v2, $5.000000000e-01;
	v12 =	vmul.f32 v12, v4;
	v15 =	vmul.f32 v13, v5  }
0xaf: {  	s30 =	simm.s32 $0x70;
	s31 =	sand.u32 $0x380, s29;
	v17 =	vmul.f32 v8, v10;
	v4 =	vmul.f32 $5.000000000e-01, v11;
	v14 =	vshrl.u32 v11, $0x1  }
0xb0: {  	s10 =	sadd.s32 $0xC680, s31;
	s9 =	sand.u32 $0x70, s30;
	v2 =	vmul.f32 v12, v1;
	v14 =	vsub.s32 $0x5F3759DF, v14;
	v15 =	vmul.f32 v13, v15  }
0xb1: {  	s9 =	sor.u32 s9, s10;
	v9 =	vmul.f32 v17, v9;
	v18 =	vnsel vm0, $0x0, v7;
	v7 =	vmul.f32 v14, v4  }
0xb2: {  	s8 =	sand.u32 $0x60, s29;
	v6 =	vmul.f32 v3, v6;
	v8 =	vmul.f32 v2, v12;
	v2 =	vld [tilespmem:s9+$0x0];
	v10 =	vsub.f32 $1.500000000e+00, v15  }
0xb3: {  	vm1 =	vmmov vm1;
	s8 =	sor.u32 s8, s10;
	v9 =	vmul.f32 v9, v17;
	v15 =	vmul.f32 v14, v7  }
0xb4: {  	vm0 =	vgt.f32 v11, $5.000000000e-01;
	v8 =	vsub.f32 $1.500000000e+00, v8;
	v7 =	vld [tilespmem:s8+$0x0];
	v11 =	vmul.f32 v13, v10  }
0xb5: {  	vm3 =	vgt.f32 v16, $5.000000000e-01;
	v10 =	vsub.f32 $1.500000000e+00, v15;
	v13 =	vmul.f32 v6, v3  }
0xb6: {  	v6 =	vmul.f32 v8, v12;
	v15 =	vsub.f32 $1.500000000e+00, v9;
	v12 =	vmul.f32 v11, v5  }
0xb7: {  	v9 =	vmul.f32 $5.000000000e-01, v2;
	v8 =	vmul.f32 v14, v10;
	v10 =	vsub.f32 $1.500000000e+00, v13  }
0xb8: {  	s8 =	simm.s32 $0xCA90;
	v13 =	vmul.f32 v15, v17;
	v17 =	vshrl.u32 v2, $0x1;
	v14 =	vmul.f32 v12, v11  }
0xb9: {  	s11 =	simm.s32 $0x90;
	vm2 =	vmmov vm2;
	s10 =	simm.s32 $0x6;
	s9 =	simm.s32 $0xCA90;
	[tilespmem:s8+$0x0] =	vst v18;
	v15 =	vshrl.u32 v7, $0x1;
	v12 =	vsub.s32 $0x5F3759DF, v17  }
.LBB2_11:
0xba: {  	v16 =	vmul.f32 v12, v9;
	v14 =	vsub.f32 $1.500000000e+00, v14;
	v13 =	vnsel vm3, $0x0, v13  }
0xbb: {  	s12 =	sadd.s32 $0xFFFFFFF0, s11;
	s8 =	sadd.s32 $0x20, s8;
	vm3 =	vmmov vm1;
	vm1 =	vmmov vm2;
	vm2 =	vmmov vm0  }
0xbc: {  	s10 =	sadd.s32 $0x2, s10;
	v15 =	vsub.s32 $0x5F3759DF, v15;
	v17 =	vmul.f32 $5.000000000e-01, v7;
	v18 =	vmul.f32 v8, v4;
	s13 =	sand.u32 $0x60, s12;
	s12 =	sand.u32 $0x380, s12;
	[tilespmem:s8+$0x0] =	vst v13  }
0xbd: {  	s14 =	sand.u32 $0x70, s11;
	vm0 =	vgt.f32 v7, $5.000000000e-01;
	p0 =	slt.u32 s10, $0x26;
	s12 =	sadd.s32 $0xC680, s12;
	v7 =	vmul.f32 v12, v16;
	v13 =	vmul.f32 v14, v11  }
0xbe: {  	v11 =	vmul.f32 v15, v17;
	v14 =	vmul.f32 v18, v8;
	s13 =	sor.u32 s13, s12;
	s12 =	sor.u32 s14, s12  }
0xbf: {  	v20 =	vmul.f32 v6, v1;
	v1 =	vmovc v4;
	v4 =	vmovc v17;
	v16 =	vld [tilespmem:s12+$0x0];
	v18 =	vsub.f32 $1.500000000e+00, v7;
	v19 =	vmul.f32 v13, v5  }
0xc0: {  	v10 =	vmul.f32 v10, v3;
	v3 =	vmovc v6;
	v17 =	vmul.f32 v15, v11;
	v14 =	vsub.f32 $1.500000000e+00, v14;
	v5 =	vmovc v9;
	v7 =	vld [tilespmem:s13+$0x0]  }
0xc1: {  	v11 =	vmul.f32 v12, v18;
	v9 =	vmul.f32 v19, v13  }
.Ltmp5:
0xc2: {  	v12 =	vsub.f32 $1.500000000e+00, v17;
	v6 =	vmul.f32 v14, v8;
	v14 =	vmul.f32 v20, v3;
	(pc) =	sbr.rel @p0 .LBB2_11-.Ltmp5, $4  }
0xc3: {  	v19 =	vnsel vm3, $0x0, v10;
	v17 =	vmul.f32 v11, v5;
	v18 =	vsub.f32 $1.500000000e+00, v9  }
0xc4: {  	v8 =	vmul.f32 v15, v12;
	v10 =	vsub.f32 $1.500000000e+00, v14;
	v9 =	vmul.f32 $5.000000000e-01, v16;
	[tilespmem:s9+$0xFFFFFFF0] =	vst v19;
	s9 =	smov.u32 s8  }
0xc5: {  	v12 =	vshrl.u32 v16, $0x1;
	v14 =	vmul.f32 v17, v11;
	v13 =	vmul.f32 v18, v13  }
0xc6: {  	s11 =	sadd.s32 $0x20, s11;
	vm3 =	vgt.f32 v0, $5.000000000e-01;
	v0 =	vmovc v2;
	v2 =	vmovc v16;
	v15 =	vshrl.u32 v7, $0x1;
	v12 =	vsub.s32 $0x5F3759DF, v12  }
0xc7: {  	v16 =	vmul.f32 v12, v9;
	v17 =	vmul.f32 $5.000000000e-01, v7  }
0xc8: {  	v15 =	vsub.s32 $0x5F3759DF, v15  }
0xc9: {  	v16 =	vmul.f32 v12, v16;
	v18 =	vmul.f32 v15, v17;
	_ =	sdelay $0x1  }
0xca: {  	v16 =	vsub.f32 $1.500000000e+00, v16;
	v18 =	vmul.f32 v15, v18  }
0xcb: {  	v14 =	vsub.f32 $1.500000000e+00, v14  }
0xcc: {  	v12 =	vmul.f32 v12, v16;
	v16 =	vsub.f32 $1.500000000e+00, v18  }
0xcd: {  	v11 =	vmul.f32 v14, v11;
	v18 =	vmul.f32 v8, v4  }
0xce: {  	v19 =	vmul.f32 v12, v9;
	v14 =	vmul.f32 v15, v16  }
0xcf: {  	v13 =	vnsel vm3, $0x0, v13;
	v15 =	vmul.f32 v18, v8  }
0xd0: {  	vm1 =	vmmov vm1;
	v16 =	vmul.f32 v19, v12;
	v18 =	vmul.f32 v14, v17  }
0xd1: {  	v1 =	vmul.f32 v6, v1;
	vm2 =	vmmov vm2;
	v3 =	vmul.f32 v10, v3  }
0xd2: {  	v15 =	vsub.f32 $1.500000000e+00, v15;
	v16 =	vsub.f32 $1.500000000e+00, v16;
	v18 =	vmul.f32 v18, v14  }
0xd3: {  	vm0 =	vmmov vm0;
	vm7 =	vgt.f32 v7, $5.000000000e-01;
	vm8 =	vgt.f32 v0, $5.000000000e-01  }
0xd4: {  	v8 =	vmul.f32 v15, v8;
	v10 =	vmul.f32 v16, v12;
	v12 =	vsub.f32 $1.500000000e+00, v18  }
0xd5: {  	vm11 =	vgt.f32 v2, $5.000000000e-01;
	v1 =	vmul.f32 v1, v6;
	v5 =	vmul.f32 v11, v5  }
0xd6: {  	vm9 =	vmmov vm2;
	v4 =	vmul.f32 v8, v4;
	v7 =	vmul.f32 v12, v14  }
0xd7: {  	vm0 =	vmmov vm0;
	v5 =	vmul.f32 v5, v11;
	v9 =	vmul.f32 v10, v9  }
0xd8: {  	v1 =	vsub.f32 $1.500000000e+00, v1;
	v4 =	vmul.f32 v4, v8;
	v0 =	vmul.f32 v7, v17  }
0xd9: {  	vm10 =	vmmov vm7;
	v5 =	vsub.f32 $1.500000000e+00, v5;
	v9 =	vmul.f32 v9, v10  }
0xda: {  	s8 =	sadd.s32 $0x20, s8;
	v1 =	vmul.f32 v1, v6;
	v4 =	vsub.f32 $1.500000000e+00, v4;
	v0 =	vmul.f32 v0, v7  }
0xdb: {  	[tilespmem:s8+$0x0] =	vst v13;
	v3 =	vnsel vm1, $0x0, v3;
	v5 =	vmul.f32 v5, v11;
	v9 =	vsub.f32 $1.500000000e+00, v9  }
0xdc: {  	[tilespmem:s9+$0xFFFFFFF0] =	vst v3;
	v1 =	vnsel vm9, $0x0, v1;
	v3 =	vmul.f32 v4, v8;
	v0 =	vsub.f32 $1.500000000e+00, v0  }
0xdd: {  	s16 =	sadd.s32 $0x20, s8;
	vm0 =	vmmov vm0;
	[tilespmem:s8+$0xFFFFFFF0] =	vst v1;
	v5 =	vnsel vm8, $0x0, v5;
	v6 =	vmul.f32 v9, v10  }
0xde: {  	vm12 =	vmmov vm10;
	[tilespmem:s16+$0x0] =	vst v5;
	v1 =	vnsel vm0, $0x0, v3;
	v0 =	vmul.f32 v0, v7  }
0xdf: {  	s17 =	sadd.s32 $0x20, s16;
	vm13 =	vmmov vm12;
	[tilespmem:s16+$0xFFFFFFF0] =	vst v1;
	v2 =	vnsel vm11, $0x0, v6  }
0xe0: {  	[tilespmem:s17+$0x0] =	vst v2;
	v0 =	vnsel vm13, $0x0, v0  }
0xe1: {  	s18 =	simm.s32 $0xC680;
	s19 =	simm.s32 $0x2;
	[tilespmem:s17+$0xFFFFFFF0] =	vst v0  }
0xe2: {  	[tilespmem:s18], [sflag:$0x2] =	stream.linear.gather [spmem:s6], $0x280, $0x38;
	[tilespmem:$0xEC00] =	vst v63  }
0xe3: {  	s20 =	simm.s32 $0x10;
	s10 =	simm.s32 $0x0;
	_ =	swait.ge [sflag:s19], $0x280  }
0xe4: {  	s10 =	sand.u32 $0x380, s10;
	s9 =	sand.u32 $0x70, s20;
	[sflag:s19] =	ssyncset.done $0x0  }
0xe5: {  	s11 =	sor.u32 s10, s9;
	[sflag:s19] =	ssyncadd.s32 $0xFFFFFD80  }
0xe6: {  	v7 =	vld [tilespmem:s11+$0xC680]  }
0xe7: {  	v8 =	vld [tilespmem:s18+$0x0];
	_ =	sdelay $0x3  }
0xe8: {  	v5 =	vmul.f32 $5.000000000e-01, v7  }
0xe9: {  	v0 =	vshrl.u32 v7, $0x1;
	v6 =	vmul.f32 $5.000000000e-01, v8;
	v1 =	vshrl.u32 v8, $0x1  }
0xea: {  	s21 =	simm.s32 $0xC6A0;
	s22 =	simm.s32 $0x30;
	s23 =	simm.s32 $0x20;
	v3 =	vsub.s32 $0x5F3759DF, v0;
	v1 =	vsub.s32 $0x5F3759DF, v1  }
0xeb: {  	s24 =	sand.u32 $0x380, s23;
	s8 =	sand.u32 $0x70, s22;
	v0 =	vld [tilespmem:s21+$0x0];
	v2 =	vmul.f32 v3, v5;
	v4 =	vmul.f32 v1, v6  }
0xec: {  	s6 =	sor.u32 s24, s8  }
0xed: {  	v9 =	vmul.f32 v3, v2;
	v4 =	vmul.f32 v1, v4;
	v2 =	vld [tilespmem:s6+$0xC680];
	_ =	sdelay $0x1  }
0xee: {  	v9 =	vsub.f32 $1.500000000e+00, v9;
	v4 =	vsub.f32 $1.500000000e+00, v4  }
0xef: {  	v11 =	vmul.f32 $5.000000000e-01, v0  }
0xf0: {  	v3 =	vmul.f32 v3, v9;
	v4 =	vmul.f32 v1, v4;
	v1 =	vshrl.u32 v0, $0x1  }
0xf1: {  	v9 =	vsub.s32 $0x5F3759DF, v1;
	v12 =	vmul.f32 $5.000000000e-01, v2;
	v13 =	vshrl.u32 v2, $0x1  }
0xf2: {  	v1 =	vmul.f32 v3, v5;
	v10 =	vmul.f32 v4, v6;
	v13 =	vsub.s32 $0x5F3759DF, v13  }
0xf3: {  	s25 =	simm.s32 $0xC6C0;
	v14 =	vmul.f32 v9, v11;
	v16 =	vmul.f32 v13, v12  }
0xf4: {  	v15 =	vmul.f32 v1, v3;
	v1 =	vld [tilespmem:s25+$0x0];
	v10 =	vmul.f32 v10, v4  }
0xf5: {  	v14 =	vmul.f32 v9, v14  }
0xf6: {  	s26 =	simm.s32 $0x50;
	s28 =	simm.s32 $0x40;
	v16 =	vmul.f32 v13, v16;
	v15 =	vsub.f32 $1.500000000e+00, v15;
	v10 =	vsub.f32 $1.500000000e+00, v10  }
0xf7: {  	s9 =	sand.u32 $0x380, s28;
	s8 =	sand.u32 $0x70, s26;
	v14 =	vsub.f32 $1.500000000e+00, v14  }
0xf8: {  	s8 =	sor.u32 s9, s8;
	v16 =	vsub.f32 $1.500000000e+00, v16;
	v15 =	vmul.f32 v15, v3;
	v10 =	vmul.f32 v10, v4  }
0xf9: {  	v3 =	vld [tilespmem:s8+$0xC680];
	v9 =	vmul.f32 v9, v14;
	v4 =	vmul.f32 $5.000000000e-01, v1  }
0xfa: {  	v13 =	vmul.f32 v13, v16;
	v5 =	vmul.f32 v15, v5  }
0xfb: {  	v14 =	vshrl.u32 v1, $0x1;
	v6 =	vmul.f32 v10, v6;
	v16 =	vmul.f32 v9, v11  }
0xfc: {  	v14 =	vsub.s32 $0x5F3759DF, v14;
	v18 =	vmul.f32 v13, v12;
	v5 =	vmul.f32 v5, v15  }
0xfd: {  	vm14 =	vgt.f32 v7, $5.000000000e-01;
	v19 =	vmul.f32 v14, v4;
	v17 =	vmul.f32 v6, v10  }
0xfe: {  	v16 =	vmul.f32 v16, v9;
	v6 =	vmul.f32 $5.000000000e-01, v3;
	v5 =	vsub.f32 $1.500000000e+00, v5  }
0xff: {  	v20 =	vshrl.u32 v3, $0x1;
	v18 =	vmul.f32 v18, v13;
	v17 =	vsub.f32 $1.500000000e+00, v17  }
0x100: {  	s29 =	simm.s32 $0xC6E0;
	v7 =	vmul.f32 v14, v19;
	v20 =	vsub.s32 $0x5F3759DF, v20;
	v15 =	vmul.f32 v5, v15  }
0x101: {  	s12 =	simm.s32 $0x70;
	s30 =	simm.s32 $0x60;
	v18 =	vsub.f32 $1.500000000e+00, v18;
	v5 =	vld [tilespmem:s29+$0x0];
	v17 =	vmul.f32 v17, v10;
	v10 =	vmul.f32 v20, v6  }
0x102: {  	s31 =	sand.u32 $0x70, s12;
	s9 =	sand.u32 $0x380, s30;
	v16 =	vsub.f32 $1.500000000e+00, v16  }
0x103: {  	s9 =	sor.u32 s9, s31;
	v21 =	vmul.f32 v18, v13;
	v13 =	vsub.f32 $1.500000000e+00, v7;
	v19 =	vmul.f32 v20, v10  }
0x104: {  	vm15 =	vgt.f32 v8, $5.000000000e-01;
	v8 =	vld [tilespmem:s9+$0xC680];
	v15 =	vnsel vm14, $0x0, v15;
	v10 =	vmul.f32 v16, v9  }
0x105: {  	v12 =	vmul.f32 v21, v12;
	v9 =	vmul.f32 v14, v13;
	v16 =	vsub.f32 $1.500000000e+00, v19  }
0x106: {  	v18 =	vnsel vm15, $0x0, v17;
	v11 =	vmul.f32 v10, v11;
	v7 =	vmul.f32 $5.000000000e-01, v5  }
0x107: {  	s10 =	simm.s32 $0xCD10;
	v14 =	vshrl.u32 v5, $0x1;
	v13 =	vmul.f32 v20, v16;
	v16 =	vmul.f32 v12, v21  }
0x108: {  	[tilespmem:s10+$0x0] =	vst v15;
	v17 =	vmul.f32 v9, v4;
	v12 =	vsub.s32 $0x5F3759DF, v14;
	v19 =	vmul.f32 v11, v10  }
0x109: {  	[tilespmem:s10+$0xFFFFFFF0] =	vst v18;
	v11 =	vmul.f32 $5.000000000e-01, v8;
	v20 =	vmul.f32 v13, v6;
	v16 =	vsub.f32 $1.500000000e+00, v16  }
0x10a: {  	[tilespmem:s11+$0xDC00] =	vst v15;
	s11 =	simm.s32 $0xDC00;
	v14 =	vmul.f32 v12, v7;
	v15 =	vmul.f32 v17, v9;
	v17 =	vsub.f32 $1.500000000e+00, v19  }
0x10b: {  	s13 =	simm.s32 $0x6;
	s14 =	simm.s32 $0xC700;
	[tilespmem:s11+$0x0] =	vst v18;
	v19 =	vshrl.u32 v8, $0x1;
	v18 =	vmul.f32 v20, v13;
	v16 =	vmul.f32 v16, v21  }
.LBB2_13:
0x10c: {  	v20 =	vld [tilespmem:s14+$0x0];
	v19 =	vsub.s32 $0x5F3759DF, v19;
	v10 =	vmul.f32 v17, v10;
	vm0 =	vgt.f32 v2, $5.000000000e-01;
	v2 =	vmovc v3;
	v3 =	vmovc v8  }
0x10d: {  	s12 =	sadd.s32 $0x20, s12;
	s10 =	sadd.s32 $0x20, s10;
	v8 =	vmul.f32 v19, v11;
	v17 =	vsub.f32 $1.500000000e+00, v18;
	v16 =	vnsel vm0, $0x0, v16  }
0x10e: {  	v14 =	vmul.f32 v12, v14;
	v15 =	vsub.f32 $1.500000000e+00, v15;
	s15 =	sadd.s32 $0xFFFFFFF0, s12;
	vm0 =	vgt.f32 v0, $5.000000000e-01;
	v0 =	vmovc v1;
	v1 =	vmovc v5;
	[tilespmem:s10+$0x0] =	vst v16  }
0x10f: {  	s16 =	sand.u32 $0x70, s12;
	s15 =	sand.u32 $0x380, s15;
	v18 =	vmul.f32 v19, v8;
	v21 =	vmul.f32 v17, v13;
	v13 =	vnsel vm0, $0x0, v10;
	[tilespmem:s6+$0xDC00] =	vst v16;
	s6 =	smov.u32 s8  }
0x110: {  	s13 =	sadd.s32 $0x2, s13;
	s11 =	sadd.s32 $0x20, s11;
	v14 =	vsub.f32 $1.500000000e+00, v14;
	s15 =	sor.u32 s15, s16;
	v10 =	vmul.f32 v15, v9;
	[tilespmem:s10+$0xFFFFFFF0] =	vst v13  }
0x111: {  	p0 =	slt.u32 s13, $0x26;
	s8 =	smov.u32 s9;
	s9 =	smov.u32 s15;
	v15 =	vmul.f32 $5.000000000e-01, v20;
	v8 =	vld [tilespmem:s15+$0xC680];
	v16 =	vsub.f32 $1.500000000e+00, v18;
	v17 =	vmul.f32 v21, v6;
	[tilespmem:s11+$0x0] =	vst v13;
	v5 =	vmovc v20;
	v6 =	vmovc v11  }
0x112: {  	v9 =	vmul.f32 v12, v14;
	v11 =	vmul.f32 v10, v4;
	v4 =	vmov v7  }
.Ltmp6:
0x113: {  	v12 =	vshrl.u32 v5, $0x1;
	v13 =	vmul.f32 v19, v16;
	v16 =	vmul.f32 v17, v21;
	v7 =	vmovc v15;
	(pc) =	sbr.rel @p0 .LBB2_13-.Ltmp6, $4  }
0x114: {  	v12 =	vsub.s32 $0x5F3759DF, v12;
	v15 =	vmul.f32 v9, v4;
	v17 =	vmul.f32 v11, v10  }
0x115: {  	v14 =	vmul.f32 v12, v7;
	v18 =	vmul.f32 v13, v6;
	v16 =	vsub.f32 $1.500000000e+00, v16  }
0x116: {  	v15 =	vmul.f32 v15, v9;
	v17 =	vsub.f32 $1.500000000e+00, v17;
	v11 =	vmul.f32 $5.000000000e-01, v8  }
0x117: {  	s14 =	sadd.s32 $0x20, s14;
	v19 =	vshrl.u32 v8, $0x1;
	v18 =	vmul.f32 v18, v13;
	v16 =	vmul.f32 v16, v21  }
0x118: {  	v19 =	vsub.s32 $0x5F3759DF, v19  }
0x119: {  	v14 =	vmul.f32 v12, v14;
	v20 =	vmul.f32 v19, v11;
	_ =	sdelay $0x1  }
0x11a: {  	v14 =	vsub.f32 $1.500000000e+00, v14;
	v20 =	vmul.f32 v19, v20;
	_ =	sdelay $0x1  }
0x11b: {  	v53 =	vmul.f32 v12, v14;
	v20 =	vsub.f32 $1.500000000e+00, v20  }
0x11c: {  	v15 =	vsub.f32 $1.500000000e+00, v15  }
0x11d: {  	v55 =	vmul.f32 v53, v7;
	v19 =	vmul.f32 v19, v20  }
0x11e: {  	v18 =	vsub.f32 $1.500000000e+00, v18;
	v9 =	vmul.f32 v15, v9  }
0x11f: {  	v56 =	vmul.f32 v55, v53;
	v54 =	vmul.f32 v19, v11  }
0x120: {  	v13 =	vmul.f32 v18, v13;
	v4 =	vmul.f32 v9, v4  }
0x121: {  	v15 =	vsub.f32 $1.500000000e+00, v56;
	v14 =	vmul.f32 v54, v19  }
0x122: {  	vm0 =	vgt.f32 v2, $5.000000000e-01;
	v6 =	vmul.f32 v13, v6;
	v2 =	vmul.f32 v4, v9  }
0x123: {  	v10 =	vmul.f32 v17, v10;
	v12 =	vmul.f32 v15, v53;
	v14 =	vsub.f32 $1.500000000e+00, v14  }
0x124: {  	vm11 =	vgt.f32 v0, $5.000000000e-01;
	v6 =	vmul.f32 v6, v13;
	v0 =	vsub.f32 $1.500000000e+00, v2  }
0x125: {  	s10 =	sadd.s32 $0x20, s10;
	v58 =	vnsel vm0, $0x0, v16;
	v61 =	vmul.f32 v12, v7;
	v14 =	vmul.f32 v14, v19  }
0x126: {  	vm12 =	vgt.f32 v3, $5.000000000e-01;
	[tilespmem:s10+$0x0] =	vst v58;
	v57 =	vsub.f32 $1.500000000e+00, v6;
	v0 =	vmul.f32 v0, v9  }
0x127: {  	v60 =	vnsel vm11, $0x0, v10;
	[tilespmem:s6+$0xDC00] =	vst v58;
	v3 =	vmul.f32 v61, v12;
	v59 =	vmul.f32 v14, v11  }
0x128: {  	s26 =	sadd.s32 $0x20, s11;
	vm13 =	vgt.f32 v1, $5.000000000e-01;
	[tilespmem:s10+$0xFFFFFFF0] =	vst v60;
	v2 =	vmul.f32 v57, v13  }
0x129: {  	s10 =	sadd.s32 $0x20, s10;
	[tilespmem:s26+$0x0] =	vst v60;
	v0 =	vnsel vm13, $0x0, v0;
	v1 =	vsub.f32 $1.500000000e+00, v3;
	v62 =	vmul.f32 v59, v14  }
0x12a: {  	s6 =	sadd.s32 $0x20, s26;
	[tilespmem:s10+$0xFFFFFFF0] =	vst v0  }
0x12b: {  	v2 =	vnsel vm12, $0x0, v2;
	[tilespmem:s6+$0x0] =	vst v0;
	v0 =	vmul.f32 v1, v12;
	v63 =	vsub.f32 $1.500000000e+00, v62  }
0x12c: {  	vm15 =	vgt.f32 v5, $5.000000000e-01;
	[tilespmem:s10+$0x0] =	vst v2  }
0x12d: {  	s28 =	sadd.s32 $0x20, s10;
	[tilespmem:s8+$0xDC00] =	vst v2;
	v0 =	vnsel vm15, $0x0, v0;
	v2 =	vmul.f32 v63, v14  }
0x12e: {  	vm14 =	vgt.f32 v8, $5.000000000e-01;
	s6 =	sadd.s32 $0x20, s6;
	[tilespmem:s28+$0xFFFFFFF0] =	vst v0  }
0x12f: {  	[tilespmem:s6+$0x0] =	vst v0;
	v1 =	vnsel vm14, $0x0, v2  }
0x130: {  	[tilespmem:s28+$0x0] =	vst v1  }
0x131: {  	s29 =	simm.s32 $0xDC00;
	s30 =	simm.s32 $0x2;
	s6 =	sadd.s32 s7, s4;
	[tilespmem:s9+$0xDC00] =	vst v1  }
0x132: {  	[spmem:s6] =	stream.linear.scatter [tilespmem:s29], [sflag:$0x2], $0x280, $0x38;
	[tilespmem:$0xEC00] =	vst v63  }
0x133: {  	_ =	swait.ge [sflag:s30], $0x280  }
0x134: {  	[sflag:s30] =	ssyncset.done $0x0  }
0x135: {  	[sflag:s30] =	ssyncadd.s32 $0xFFFFFD80  }
0x136: {  	s31 =	simm.s32 $0x4E80;
	[bflag:$0x0] =	sbarrier.arrive $0xFFFF  }
0x137: {  	[tilespmem:s31], [sflag:$0x2] =	stream.linear.gather [spmem:s4], $0x2800, $0x38;
	[tilespmem:$0xEC00] =	vst v63  }
0x138: {  	_ =	swait.ge [sflag:s30], $0x2800  }
0x139: {  	[sflag:s30] =	ssyncset.done $0x0  }
0x13a: {  	s8 =	simm.s32 $0x76C0;
	v0 =	vimm.f32 $0.0e+00;
	[sflag:s30] =	ssyncadd.s32 $0xFFFFD800  }
0x13b: {  	[tilespmem:s8+$0xFFFFFFC0] =	vst v0  }
0x13c: {  	[tilespmem:s8+$0x30] =	vst v0  }
0x13d: {  	[tilespmem:s8+$0x20] =	vst v0  }
0x13e: {  	[tilespmem:s8+$0x10] =	vst v0  }
0x13f: {  	[tilespmem:s8+$0x0] =	vst v0  }
0x140: {  	[tilespmem:s8+$0xFFFFFFF0] =	vst v0  }
0x141: {  	s9 =	simm.s32 $0x0;
	[tilespmem:s8+$0xFFFFFFE0] =	vst v0  }
.LBB2_15:
0x142: {  	s9 =	sadd.s32 $0x8, s9;
	[tilespmem:s8+$0xFFFFFFD0] =	vst v0;
	s8 =	sadd.s32 $0x80, s8  }
0x143: {  	[tilespmem:s8+$0xFFFFFFC0] =	vst v0;
	p0 =	slt.u32 s9, $0x278  }
0x144: {  	[tilespmem:s8+$0x30] =	vst v0  }
.Ltmp7:
0x145: {  	[tilespmem:s8+$0x20] =	vst v0;
	(pc) =	sbr.rel @p0 .LBB2_15-.Ltmp7, $4  }
0x146: {  	[tilespmem:s8+$0x10] =	vst v0  }
0x147: {  	[tilespmem:s8+$0x0] =	vst v0  }
0x148: {  	[tilespmem:s8+$0xFFFFFFF0] =	vst v0  }
0x149: {  	[tilespmem:s8+$0xFFFFFFE0] =	vst v0  }
0x14a: {  	[tilespmem:s8+$0xFFFFFFD0] =	vst v0;
	s29 =	simm.s32 $0xE000;
	s30 =	simm.s32 $0x2  }
0x14b: {  	[spmem:s3] =	stream.linear.scatter [tilespmem:s29], [sflag:$0x2], $0x280, $0x38;
	[tilespmem:$0xEC00] =	vst v63  }
0x14c: {  	_ =	swait.ge [sflag:s30], $0x280  }
0x14d: {  	[sflag:s30] =	ssyncset.done $0x0  }
0x14e: {  	s31 =	simm.s32 $0x40;
	[sflag:s30] =	ssyncadd.s32 $0xFFFFFD80  }
0x14f: {  	v0 =	vld [tilespmem:s31+$0x30]  }
0x150: {  	v1 =	vld [tilespmem:s31+$0xFFFFFFD0]  }
0x151: {  	v2 =	vld [tilespmem:s31+$0xFFFFFFE0]  }
0x152: {  	v3 =	vld [tilespmem:s31+$0xFFFFFFF0]  }
0x153: {  	v4 =	vld [tilespmem:s31+$0x0]  }
0x154: {  	v5 =	vld [tilespmem:s31+$0x10];
	v6 =	vshrl.u32 v0, $0x10  }
0x155: {  	v10 =	vld [tilespmem:s31+$0x20];
	v7 =	vshrl.u32 v1, $0x10  }
0x156: {  	v9 =	vshrl.u32 v2, $0x10  }
0x157: {  	v8 =	vld [tilespmem:s31+$0xFFFFFFC0];
	v11 =	vshrl.u32 v3, $0x10  }
0x158: {  	s8 =	simm.s32 $0x4E80;
	v12 =	vshrl.u32 v4, $0x10  }
0x159: {  	v13 =	vshrl.u32 v5, $0x10;
	v6 =	vld.idx.msk [tilespmem:v6+s8+$0x0], $0xffff  }
0x15a: {  	v15 =	vshrl.u32 v10, $0x10;
	v7 =	vld.idx.msk [tilespmem:v7+s8+$0x0], $0xffff  }
0x15b: {  	v0 =	vand.u32 $0xFFFF, v0;
	v9 =	vld.idx.msk [tilespmem:v9+s8+$0x0], $0xffff  }
0x15c: {  	v14 =	vshrl.u32 v8, $0x10;
	v11 =	vld.idx.msk [tilespmem:v11+s8+$0x0], $0xffff  }
0x15d: {  	v1 =	vand.u32 $0xFFFF, v1;
	v12 =	vld.idx.msk [tilespmem:v12+s8+$0x0], $0xffff  }
0x15e: {  	v16 =	vand.u32 $0xFFFF, v2;
	v2 =	vld.idx.msk [tilespmem:v13+s8+$0x0], $0xffff  }
0x15f: {  	s9 =	simm.s32 $0x7680;
	v62 =	vand.u32 $0xFFFF, v3;
	v3 =	vld.idx.msk [tilespmem:v15+s8+$0x0], $0xffff  }
0x160: {  	[tilespmem:v0+s9+$0x0] =	vst.idx.add.f32.msk $0xffff, v6;
	v0 =	vand.u32 $0xFFFF, v4  }
0x161: {  	v63 =	vand.u32 $0xFFFF, v8;
	v4 =	vld.idx.msk [tilespmem:v14+s8+$0x0], $0xffff  }
0x162: {  	[tilespmem:v1+s9+$0x0] =	vst.idx.add.f32.msk $0xffff, v7  }
0x163: {  	[tilespmem:v16+s9+$0x0] =	vst.idx.add.f32.msk $0xffff, v9  }
0x164: {  	[tilespmem:v62+s9+$0x0] =	vst.idx.add.f32.msk $0xffff, v11  }
0x165: {  	[tilespmem:v0+s9+$0x0] =	vst.idx.add.f32.msk $0xffff, v12  }
0x166: {  	s10 =	simm.s32 $0x0;
	s11 =	simm.s32 $0xC0;
	v1 =	vand.u32 $0xFFFF, v10;
	v0 =	vand.u32 $0xFFFF, v5;
	[tilespmem:v63+s9+$0x0] =	vst.idx.add.f32.msk $0xffff, v4  }
.LBB2_17:
0x167: {  	v4 =	vld [tilespmem:s11+$0x30];
	s10 =	sadd.s32 $0x8, s10  }
0x168: {  	v5 =	vld [tilespmem:s11+$0xFFFFFFD0];
	p0 =	slt.u32 s10, $0x4D8  }
0x169: {  	v6 =	vld [tilespmem:s11+$0xFFFFFFE0]  }
0x16a: {  	v7 =	vld [tilespmem:s11+$0xFFFFFFF0]  }
0x16b: {  	v8 =	vld [tilespmem:s11+$0x0]  }
0x16c: {  	v9 =	vld [tilespmem:s11+$0x10];
	v10 =	vshrl.u32 v4, $0x10  }
0x16d: {  	v11 =	vshrl.u32 v5, $0x10;
	v5 =	vand.u32 $0xFFFF, v5;
	v12 =	vld [tilespmem:s11+$0x20]  }
0x16e: {  	v13 =	vld [tilespmem:s11+$0xFFFFFFC0];
	v14 =	vshrl.u32 v6, $0x10;
	v6 =	vand.u32 $0xFFFF, v6  }
0x16f: {  	v15 =	vshrl.u32 v7, $0x10;
	v7 =	vand.u32 $0xFFFF, v7;
	[tilespmem:v0+s9+$0x0] =	vst.idx.add.f32.msk $0xffff, v2  }
0x170: {  	v2 =	vshrl.u32 v8, $0x10;
	v8 =	vand.u32 $0xFFFF, v8;
	[tilespmem:v1+s9+$0x0] =	vst.idx.add.f32.msk $0xffff, v3  }
0x171: {  	v3 =	vshrl.u32 v9, $0x10;
	v0 =	vand.u32 $0xFFFF, v9;
	v9 =	vld.idx.msk [tilespmem:v10+s8+$0x0], $0xffff  }
0x172: {  	v4 =	vand.u32 $0xFFFF, v4;
	v10 =	vld.idx.msk [tilespmem:v11+s8+$0x0], $0xffff;
	v11 =	vshrl.u32 v12, $0x10;
	v1 =	vand.u32 $0xFFFF, v12  }
0x173: {  	v12 =	vshrl.u32 v13, $0x10;
	v13 =	vand.u32 $0xFFFF, v13;
	v14 =	vld.idx.msk [tilespmem:v14+s8+$0x0], $0xffff  }
0x174: {  	v15 =	vld.idx.msk [tilespmem:v15+s8+$0x0], $0xffff  }
0x175: {  	v16 =	vld.idx.msk [tilespmem:v2+s8+$0x0], $0xffff  }
0x176: {  	v2 =	vld.idx.msk [tilespmem:v3+s8+$0x0], $0xffff  }
0x177: {  	[tilespmem:v4+s9+$0x0] =	vst.idx.add.f32.msk $0xffff, v9  }
0x178: {  	v4 =	vld.idx.msk [tilespmem:v12+s8+$0x0], $0xffff  }
0x179: {  	v3 =	vld.idx.msk [tilespmem:v11+s8+$0x0], $0xffff  }
.Ltmp8:
0x17a: {  	[tilespmem:v5+s9+$0x0] =	vst.idx.add.f32.msk $0xffff, v10;
	(pc) =	sbr.rel @p0 .LBB2_17-.Ltmp8, $4  }
0x17b: {  	[tilespmem:v6+s9+$0x0] =	vst.idx.add.f32.msk $0xffff, v14  }
0x17c: {  	[tilespmem:v7+s9+$0x0] =	vst.idx.add.f32.msk $0xffff, v15  }
0x17d: {  	[tilespmem:v8+s9+$0x0] =	vst.idx.add.f32.msk $0xffff, v16  }
0x17e: {  	s11 =	sadd.s32 $0x80, s11;
	[tilespmem:v13+s9+$0x0] =	vst.idx.add.f32.msk $0xffff, v4  }
0x17f: {  	_ =	sdelay $0x3  }
0x180: {  	[tilespmem:v0+s9+$0x0] =	vst.idx.add.f32.msk $0xffff, v2  }
0x181: {  	[tilespmem:v1+s9+$0x0] =	vst.idx.add.f32.msk $0xffff, v3;
	s8 =	simm.s32 $0x0;
	s9 =	simm.s32 $0x4E80;
	s10 =	simm.s32 $0x7680  }
.LBB2_19:
0x182: {  	s11 =	sshra.s32 s8, $0x2  }
0x183: {  	v0 =	vld [tilespmem:s11+$0x4E00];
	_ =	sdelay $0x4  }
0x184: {  	v1 =	vshrl.u32 v0, $0x10;
	_ =	sdelay $0x4  }
0x185: {  	p0 =	sne.s32 s8, $0x40;
	v0 =	vand.u32 $0xFFFF, v0;
	v1 =	vld.idx.msk [tilespmem:v1+s9+$0x0], $0xffff  }
.Ltmp9:
0x186: {  	_ = 	snop;
	(pc) =	sbr.rel @p0 .LBB2_19-.Ltmp9, $2  }
0x187: {  	_ =	sdelay $0x2  }
0x188: {  	s8 =	sadd.s32 $0x40, s8;
	[tilespmem:v0+s10+$0x0] =	vst.idx.add.f32.msk $0xffff, v1  }
0x189: {  	[bflag:$0x0] =	sbarrier.arrive $0xFFFF;
	s8 =	simm.s32 $0x50  }
0x18a: {  	s9 =	simm.s32 $0xE400;
	s10 =	simm.s32 $0x7680;
	s22 =	simm.s32 $0x2  }
0x18b: {  	[spmem:s2] =	stream.indirect.scatter.add.f32 [tilespmem:s10], [sflag:$0x2], $0x80, s9, s8, $0xb8;
	[tilespmem:$0xEC00] =	vst v63  }
0x18c: {  	_ =	swait.ge [sflag:s22], $0x2800  }
0x18d: {  	[sflag:s22] =	ssyncset.done $0x0  }
0x18e: {  	[sflag:s22] =	ssyncadd.s32 $0xFFFFD800  }
0x18f: {  	s23 =	simm.s32 $0xC680;
	[bflag:$0x0] =	sbarrier.arrive $0xFFFF  }
0x190: {  	[tilespmem:s23], [sflag:$0x2] =	stream.linear.gather [spmem:s3], $0x280, $0x38;
	[tilespmem:$0xEC00] =	vst v63  }
0x191: {  	_ =	swait.ge [sflag:s22], $0x280  }
0x192: {  	[sflag:s22] =	ssyncset.done $0x0  }
0x193: {  	s25 =	simm.s32 $0xC690;
	[sflag:s22] =	ssyncadd.s32 $0xFFFFFD80  }
0x194: {  	s24 =	simm.s32 $0xCA90;
	v1 =	vld [tilespmem:s25+$0x0]  }
0x195: {  	v2 =	vld [tilespmem:s24+$0x0]  }
0x196: {  	v0 =	vld [tilespmem:s24+$0xFFFFFFF0]  }
0x197: {  	v3 =	vld [tilespmem:s25+$0xFFFFFFF0]  }
0x198: {  	s26 =	simm.s32 $0xCAB0  }
0x199: {  	s28 =	simm.s32 $0xC6B0;
	v4 =	vld [tilespmem:s26+$0xFFFFFFF0]  }
0x19a: {  	v5 =	vld [tilespmem:s28+$0x0];
	v6 =	vmul.f32 v1, v2  }
0x19b: {  	s29 =	simm.s32 $0xCF90;
	v1 =	vld [tilespmem:s26+$0x0]  }
0x19c: {  	s30 =	simm.s32 $0xCD10;
	v8 =	vmul.f32 v3, v0;
	v0 =	vld [tilespmem:s28+$0xFFFFFFF0];
	[tilespmem:s29+$0x0] =	vst v6  }
0x19d: {  	s31 =	simm.s32 $0xCAD0;
	v9 =	vld [tilespmem:s30+$0x0]  }
0x19e: {  	v7 =	vld [tilespmem:s31+$0xFFFFFFF0];
	[tilespmem:s29+$0xFFFFFFF0] =	vst v8  }
0x19f: {  	s9 =	simm.s32 $0xC6D0;
	v10 =	vld [tilespmem:s30+$0xFFFFFFF0]  }
0x1a0: {  	v2 =	vld [tilespmem:s9+$0x0];
	v1 =	vmul.f32 v5, v1  }
0x1a1: {  	s10 =	simm.s32 $0xCFB0;
	v3 =	vld [tilespmem:s31+$0x0];
	v0 =	vmul.f32 v0, v4  }
0x1a2: {  	s11 =	simm.s32 $0xCD30;
	v4 =	vld [tilespmem:s9+$0xFFFFFFF0];
	[tilespmem:s10+$0x0] =	vst v1;
	v9 =	vmul.f32 v9, v6  }
0x1a3: {  	s8 =	simm.s32 $0xDC10;
	[tilespmem:s10+$0xFFFFFFF0] =	vst v0;
	v5 =	vld [tilespmem:s11+$0x0]  }
0x1a4: {  	s12 =	simm.s32 $0x4;
	s13 =	simm.s32 $0xCAF0;
	v8 =	vmul.f32 v10, v8;
	v6 =	vld [tilespmem:s11+$0xFFFFFFF0];
	[tilespmem:s8+$0x0] =	vst v9  }
.LBB2_21:
0x1a5: {  	s12 =	sadd.s32 $0x2, s12  }
0x1a6: {  	v9 =	vld [tilespmem:s13+$0xFFFFFFF0];
	s9 =	sadd.s32 $0x20, s9;
	[tilespmem:s8+$0xFFFFFFF0] =	vst v8;
	s8 =	sadd.s32 $0x20, s8;
	p0 =	slt.u32 s12, $0x26  }
.Ltmp10:
0x1a7: {  	v8 =	vmul.f32 v2, v3;
	v2 =	vld [tilespmem:s9+$0x0];
	(pc) =	sbr.rel @p0 .LBB2_21-.Ltmp10, $4  }
0x1a8: {  	s10 =	sadd.s32 $0x20, s10;
	v3 =	vld [tilespmem:s13+$0x0];
	v11 =	vmul.f32 v4, v7  }
0x1a9: {  	s11 =	sadd.s32 $0x20, s11;
	v4 =	vld [tilespmem:s9+$0xFFFFFFF0];
	[tilespmem:s10+$0x0] =	vst v8;
	v10 =	vmul.f32 v5, v1;
	v1 =	vmov v8  }
0x1aa: {  	[tilespmem:s10+$0xFFFFFFF0] =	vst v11;
	v5 =	vld [tilespmem:s11+$0x0];
	v8 =	vmul.f32 v6, v0;
	v0 =	vmov v11  }
0x1ab: {  	s13 =	sadd.s32 $0x20, s13;
	v6 =	vld [tilespmem:s11+$0xFFFFFFF0];
	[tilespmem:s8+$0x0] =	vst v10;
	v7 =	vmov v9  }
0x1ac: {  	_ = 	snop  }
0x1ad: {  	v2 =	vmul.f32 v2, v3  }
0x1ae: {  	s9 =	sadd.s32 $0x20, s10;
	v3 =	vmul.f32 v4, v7  }
0x1af: {  	s24 =	sadd.s32 $0x20, s11;
	[tilespmem:s9+$0x0] =	vst v2  }
0x1b0: {  	[tilespmem:s9+$0xFFFFFFF0] =	vst v3;
	v62 =	vld [tilespmem:s24+$0x0]  }
0x1b1: {  	v63 =	vld [tilespmem:s24+$0xFFFFFFF0];
	_ =	sdelay $0x1  }
0x1b2: {  	v1 =	vmul.f32 v5, v1  }
0x1b3: {  	[tilespmem:s8+$0xFFFFFFF0] =	vst v8;
	s25 =	sadd.s32 $0x20, s8;
	v0 =	vmul.f32 v6, v0  }
0x1b4: {  	[tilespmem:s25+$0x0] =	vst v1;
	v1 =	vmul.f32 v62, v2  }
0x1b5: {  	s8 =	sadd.s32 $0x20, s25;
	[tilespmem:s25+$0xFFFFFFF0] =	vst v0;
	v0 =	vmul.f32 v63, v3  }
0x1b6: {  	s7 =	sshrl.u32 s7, $0x3;
	[tilespmem:s8+$0x0] =	vst v1  }
0x1b7: {  	s26 =	simm.s32 $0x0;
	s28 =	simm.s32 $0xCF80;
	s5 =	sadd.s32 s5, s7;
	[tilespmem:s8+$0xFFFFFFF0] =	vst v0  }
0x1b8: {  	[hbm4b:s5+s26] =	stream.linear.scatter [tilespmem:s28], [sflag:$0x1], $0x280, $0x38;
	[tilespmem:$0xEC00] =	vst v63  }
0x1b9: {  	s29 =	simm.s32 $0xDC00;
	s30 =	simm.s32 $0x2  }
0x1ba: {  	[spmem:s6] =	stream.linear.scatter [tilespmem:s29], [sflag:$0x2], $0x280, $0x38;
	[tilespmem:$0xEC00] =	vst v63  }
0x1bb: {  	_ =	swait.ge [sflag:s30], $0x280  }
0x1bc: {  	[sflag:s30] =	ssyncset.done $0x0  }
0x1bd: {  	[sflag:s30] =	ssyncadd.s32 $0xFFFFFD80  }
0x1be: {  	s31 =	simm.s32 $0x4E80;
	[bflag:$0x0] =	sbarrier.arrive $0xFFFF  }
0x1bf: {  	[tilespmem:s31], [sflag:$0x2] =	stream.linear.gather [spmem:s4], $0x2800, $0x38;
	[tilespmem:$0xEC00] =	vst v63  }
0x1c0: {  	_ =	swait.ge [sflag:s30], $0x2800  }
0x1c1: {  	[sflag:s30] =	ssyncset.done $0x0  }
0x1c2: {  	s7 =	simm.s32 $0x76C0;
	v0 =	vimm.f32 $0.0e+00;
	[sflag:s30] =	ssyncadd.s32 $0xFFFFD800  }
0x1c3: {  	[tilespmem:s7+$0xFFFFFFC0] =	vst v0  }
0x1c4: {  	[tilespmem:s7+$0x30] =	vst v0  }
0x1c5: {  	[tilespmem:s7+$0x20] =	vst v0  }
0x1c6: {  	[tilespmem:s7+$0x10] =	vst v0  }
0x1c7: {  	[tilespmem:s7+$0x0] =	vst v0  }
0x1c8: {  	[tilespmem:s7+$0xFFFFFFF0] =	vst v0  }
0x1c9: {  	s8 =	simm.s32 $0x0;
	[tilespmem:s7+$0xFFFFFFE0] =	vst v0  }
.LBB2_23:
0x1ca: {  	s8 =	sadd.s32 $0x8, s8;
	[tilespmem:s7+$0xFFFFFFD0] =	vst v0;
	s7 =	sadd.s32 $0x80, s7  }
0x1cb: {  	[tilespmem:s7+$0xFFFFFFC0] =	vst v0;
	p0 =	slt.u32 s8, $0x278  }
0x1cc: {  	[tilespmem:s7+$0x30] =	vst v0  }
.Ltmp11:
0x1cd: {  	[tilespmem:s7+$0x20] =	vst v0;
	(pc) =	sbr.rel @p0 .LBB2_23-.Ltmp11, $4  }
0x1ce: {  	[tilespmem:s7+$0x10] =	vst v0  }
0x1cf: {  	[tilespmem:s7+$0x0] =	vst v0  }
0x1d0: {  	[tilespmem:s7+$0xFFFFFFF0] =	vst v0  }
0x1d1: {  	[tilespmem:s7+$0xFFFFFFE0] =	vst v0  }
0x1d2: {  	[tilespmem:s7+$0xFFFFFFD0] =	vst v0;
	s29 =	simm.s32 $0xE000;
	s30 =	simm.s32 $0x2  }
0x1d3: {  	[spmem:s3] =	stream.linear.scatter [tilespmem:s29], [sflag:$0x2], $0x280, $0x38;
	[tilespmem:$0xEC00] =	vst v63  }
0x1d4: {  	_ =	swait.ge [sflag:s30], $0x280  }
0x1d5: {  	[sflag:s30] =	ssyncset.done $0x0  }
0x1d6: {  	s31 =	simm.s32 $0x40;
	[sflag:s30] =	ssyncadd.s32 $0xFFFFFD80  }
0x1d7: {  	v0 =	vld [tilespmem:s31+$0x30]  }
0x1d8: {  	v1 =	vld [tilespmem:s31+$0xFFFFFFD0]  }
0x1d9: {  	v2 =	vld [tilespmem:s31+$0xFFFFFFE0]  }
0x1da: {  	v3 =	vld [tilespmem:s31+$0xFFFFFFF0]  }
0x1db: {  	v4 =	vld [tilespmem:s31+$0x0]  }
0x1dc: {  	v5 =	vld [tilespmem:s31+$0x10];
	v6 =	vshrl.u32 v0, $0x10  }
0x1dd: {  	v10 =	vld [tilespmem:s31+$0x20];
	v7 =	vshrl.u32 v1, $0x10  }
0x1de: {  	v9 =	vshrl.u32 v2, $0x10  }
0x1df: {  	v8 =	vld [tilespmem:s31+$0xFFFFFFC0];
	v11 =	vshrl.u32 v3, $0x10  }
0x1e0: {  	s7 =	simm.s32 $0x4E80;
	v12 =	vshrl.u32 v4, $0x10  }
0x1e1: {  	v13 =	vshrl.u32 v5, $0x10;
	v6 =	vld.idx.msk [tilespmem:v6+s7+$0x0], $0xffff  }
0x1e2: {  	v15 =	vshrl.u32 v10, $0x10;
	v7 =	vld.idx.msk [tilespmem:v7+s7+$0x0], $0xffff  }
0x1e3: {  	v0 =	vand.u32 $0xFFFF, v0;
	v9 =	vld.idx.msk [tilespmem:v9+s7+$0x0], $0xffff  }
0x1e4: {  	v14 =	vshrl.u32 v8, $0x10;
	v11 =	vld.idx.msk [tilespmem:v11+s7+$0x0], $0xffff  }
0x1e5: {  	v1 =	vand.u32 $0xFFFF, v1;
	v12 =	vld.idx.msk [tilespmem:v12+s7+$0x0], $0xffff  }
0x1e6: {  	v16 =	vand.u32 $0xFFFF, v2;
	v2 =	vld.idx.msk [tilespmem:v13+s7+$0x0], $0xffff  }
0x1e7: {  	s8 =	simm.s32 $0x7680;
	v62 =	vand.u32 $0xFFFF, v3;
	v3 =	vld.idx.msk [tilespmem:v15+s7+$0x0], $0xffff  }
0x1e8: {  	[tilespmem:v0+s8+$0x0] =	vst.idx.add.f32.msk $0xffff, v6;
	v0 =	vand.u32 $0xFFFF, v4  }
0x1e9: {  	v63 =	vand.u32 $0xFFFF, v8;
	v4 =	vld.idx.msk [tilespmem:v14+s7+$0x0], $0xffff  }
0x1ea: {  	[tilespmem:v1+s8+$0x0] =	vst.idx.add.f32.msk $0xffff, v7  }
0x1eb: {  	[tilespmem:v16+s8+$0x0] =	vst.idx.add.f32.msk $0xffff, v9  }
0x1ec: {  	[tilespmem:v62+s8+$0x0] =	vst.idx.add.f32.msk $0xffff, v11  }
0x1ed: {  	[tilespmem:v0+s8+$0x0] =	vst.idx.add.f32.msk $0xffff, v12  }
0x1ee: {  	s9 =	simm.s32 $0x0;
	s10 =	simm.s32 $0xC0;
	v1 =	vand.u32 $0xFFFF, v10;
	v0 =	vand.u32 $0xFFFF, v5;
	[tilespmem:v63+s8+$0x0] =	vst.idx.add.f32.msk $0xffff, v4  }
.LBB2_25:
0x1ef: {  	v4 =	vld [tilespmem:s10+$0x30];
	s9 =	sadd.s32 $0x8, s9  }
0x1f0: {  	v5 =	vld [tilespmem:s10+$0xFFFFFFD0];
	p0 =	slt.u32 s9, $0x4D8  }
0x1f1: {  	v6 =	vld [tilespmem:s10+$0xFFFFFFE0]  }
0x1f2: {  	v7 =	vld [tilespmem:s10+$0xFFFFFFF0]  }
0x1f3: {  	v8 =	vld [tilespmem:s10+$0x0]  }
0x1f4: {  	v9 =	vld [tilespmem:s10+$0x10];
	v10 =	vshrl.u32 v4, $0x10  }
0x1f5: {  	v11 =	vshrl.u32 v5, $0x10;
	v5 =	vand.u32 $0xFFFF, v5;
	v12 =	vld [tilespmem:s10+$0x20]  }
0x1f6: {  	v13 =	vld [tilespmem:s10+$0xFFFFFFC0];
	v14 =	vshrl.u32 v6, $0x10;
	v6 =	vand.u32 $0xFFFF, v6  }
0x1f7: {  	v15 =	vshrl.u32 v7, $0x10;
	v7 =	vand.u32 $0xFFFF, v7;
	[tilespmem:v0+s8+$0x0] =	vst.idx.add.f32.msk $0xffff, v2  }
0x1f8: {  	v2 =	vshrl.u32 v8, $0x10;
	v8 =	vand.u32 $0xFFFF, v8;
	[tilespmem:v1+s8+$0x0] =	vst.idx.add.f32.msk $0xffff, v3  }
0x1f9: {  	v3 =	vshrl.u32 v9, $0x10;
	v0 =	vand.u32 $0xFFFF, v9;
	v9 =	vld.idx.msk [tilespmem:v10+s7+$0x0], $0xffff  }
0x1fa: {  	v4 =	vand.u32 $0xFFFF, v4;
	v10 =	vld.idx.msk [tilespmem:v11+s7+$0x0], $0xffff;
	v11 =	vshrl.u32 v12, $0x10;
	v1 =	vand.u32 $0xFFFF, v12  }
0x1fb: {  	v12 =	vshrl.u32 v13, $0x10;
	v13 =	vand.u32 $0xFFFF, v13;
	v14 =	vld.idx.msk [tilespmem:v14+s7+$0x0], $0xffff  }
0x1fc: {  	v15 =	vld.idx.msk [tilespmem:v15+s7+$0x0], $0xffff  }
0x1fd: {  	v16 =	vld.idx.msk [tilespmem:v2+s7+$0x0], $0xffff  }
0x1fe: {  	v2 =	vld.idx.msk [tilespmem:v3+s7+$0x0], $0xffff  }
0x1ff: {  	[tilespmem:v4+s8+$0x0] =	vst.idx.add.f32.msk $0xffff, v9  }
0x200: {  	v4 =	vld.idx.msk [tilespmem:v12+s7+$0x0], $0xffff  }
0x201: {  	v3 =	vld.idx.msk [tilespmem:v11+s7+$0x0], $0xffff  }
.Ltmp12:
0x202: {  	[tilespmem:v5+s8+$0x0] =	vst.idx.add.f32.msk $0xffff, v10;
	(pc) =	sbr.rel @p0 .LBB2_25-.Ltmp12, $4  }
0x203: {  	[tilespmem:v6+s8+$0x0] =	vst.idx.add.f32.msk $0xffff, v14  }
0x204: {  	[tilespmem:v7+s8+$0x0] =	vst.idx.add.f32.msk $0xffff, v15  }
0x205: {  	[tilespmem:v8+s8+$0x0] =	vst.idx.add.f32.msk $0xffff, v16  }
0x206: {  	s10 =	sadd.s32 $0x80, s10;
	[tilespmem:v13+s8+$0x0] =	vst.idx.add.f32.msk $0xffff, v4  }
0x207: {  	_ =	sdelay $0x3  }
0x208: {  	[tilespmem:v0+s8+$0x0] =	vst.idx.add.f32.msk $0xffff, v2  }
0x209: {  	[tilespmem:v1+s8+$0x0] =	vst.idx.add.f32.msk $0xffff, v3;
	s7 =	simm.s32 $0x0;
	s8 =	simm.s32 $0x4E80;
	s9 =	simm.s32 $0x7680  }
.LBB2_27:
0x20a: {  	s10 =	sshra.s32 s7, $0x2  }
0x20b: {  	v0 =	vld [tilespmem:s10+$0x4E00];
	_ =	sdelay $0x4  }
0x20c: {  	v1 =	vshrl.u32 v0, $0x10;
	_ =	sdelay $0x4  }
0x20d: {  	p0 =	sne.s32 s7, $0x40;
	v0 =	vand.u32 $0xFFFF, v0;
	v1 =	vld.idx.msk [tilespmem:v1+s8+$0x0], $0xffff  }
.Ltmp13:
0x20e: {  	_ = 	snop;
	(pc) =	sbr.rel @p0 .LBB2_27-.Ltmp13, $2  }
0x20f: {  	_ =	sdelay $0x2  }
0x210: {  	s7 =	sadd.s32 $0x40, s7;
	[tilespmem:v0+s9+$0x0] =	vst.idx.add.f32.msk $0xffff, v1  }
0x211: {  	[bflag:$0x0] =	sbarrier.arrive $0xFFFF;
	s7 =	simm.s32 $0x50  }
0x212: {  	s8 =	simm.s32 $0xE400;
	s9 =	simm.s32 $0x7680;
	s16 =	simm.s32 $0x2  }
0x213: {  	[spmem:s2] =	stream.indirect.scatter.add.f32 [tilespmem:s9], [sflag:$0x2], $0x80, s8, s7, $0xb8;
	[tilespmem:$0xEC00] =	vst v63  }
0x214: {  	_ =	swait.ge [sflag:s16], $0x2800  }
0x215: {  	[sflag:s16] =	ssyncset.done $0x0  }
0x216: {  	[sflag:s16] =	ssyncadd.s32 $0xFFFFD800  }
0x217: {  	s17 =	simm.s32 $0xC680;
	[bflag:$0x0] =	sbarrier.arrive $0xFFFF  }
0x218: {  	[tilespmem:s17], [sflag:$0x2] =	stream.linear.gather [spmem:s3], $0x280, $0x38;
	[tilespmem:$0xEC00] =	vst v63  }
0x219: {  	_ =	swait.ge [sflag:s16], $0x280  }
0x21a: {  	[sflag:s16] =	ssyncset.done $0x0  }
0x21b: {  	s18 =	simm.s32 $0xC690;
	[sflag:s16] =	ssyncadd.s32 $0xFFFFFD80  }
0x21c: {  	s19 =	simm.s32 $0xCA90;
	v0 =	vld [tilespmem:s18+$0x0]  }
0x21d: {  	v1 =	vld [tilespmem:s19+$0x0]  }
0x21e: {  	v2 =	vld [tilespmem:s18+$0xFFFFFFF0]  }
0x21f: {  	v3 =	vld [tilespmem:s19+$0xFFFFFFF0]  }
0x220: {  	s20 =	simm.s32 $0x0;
	s21 =	simm.s32 $0xC6B0  }
0x221: {  	s10 =	simm.s32 $0x10;
	s11 =	simm.s32 $0xCAB0;
	s22 =	sand.u32 $0x380, s20;
	v4 =	vld [tilespmem:s21+$0x0]  }
0x222: {  	s10 =	sand.u32 $0x70, s10;
	s9 =	sadd.s32 $0xD200, s22;
	v5 =	vld [tilespmem:s11+$0x0];
	v6 =	vmul.f32 v0, v1  }
0x223: {  	s23 =	sor.u32 s10, s9;
	v9 =	vld [tilespmem:s11+$0xFFFFFFF0]  }
0x224: {  	s24 =	simm.s32 $0xCD10;
	s7 =	sand.u32 $0x60, s20;
	v1 =	vld [tilespmem:s21+$0xFFFFFFF0];
	v8 =	vmul.f32 v2, v3;
	[tilespmem:s23+$0x0] =	vst v6  }
0x225: {  	s25 =	simm.s32 $0xC6D0;
	s7 =	sor.u32 s7, s9;
	v10 =	vld [tilespmem:s24+$0x0]  }
0x226: {  	s26 =	simm.s32 $0x20;
	v7 =	vld [tilespmem:s25+$0x0];
	[tilespmem:s7+$0x0] =	vst v8  }
0x227: {  	s29 =	simm.s32 $0x30;
	s28 =	sand.u32 $0x380, s26;
	v11 =	vld [tilespmem:s24+$0xFFFFFFF0]  }
0x228: {  	s10 =	sadd.s32 $0xD200, s28;
	s11 =	sand.u32 $0x70, s29;
	v0 =	vmul.f32 v4, v5;
	v3 =	vld [tilespmem:s25+$0xFFFFFFF0];
	s7 =	simm.s32 $0xCAD0  }
0x229: {  	s30 =	sand.u32 $0x60, s26;
	s31 =	sor.u32 s11, s10;
	v2 =	vld [tilespmem:s7+$0x0];
	v1 =	vmul.f32 v1, v9  }
0x22a: {  	s8 =	simm.s32 $0xCD30;
	s10 =	sor.u32 s30, s10;
	[tilespmem:s31+$0x0] =	vst v0;
	v4 =	vld [tilespmem:s7+$0xFFFFFFF0];
	v9 =	vmul.f32 v10, v6  }
0x22b: {  	s13 =	simm.s32 $0xDC10;
	s12 =	simm.s32 $0xC6F0;
	v5 =	vld [tilespmem:s8+$0x0];
	[tilespmem:s10+$0x0] =	vst v1  }
0x22c: {  	s9 =	simm.s32 $0xDC30;
	s11 =	simm.s32 $0x4;
	s10 =	simm.s32 $0x40;
	v8 =	vmul.f32 v11, v8;
	v6 =	vld [tilespmem:s8+$0xFFFFFFF0];
	[tilespmem:s13+$0x0] =	vst v9  }
.LBB2_29:
0x22d: {  	s14 =	sand.u32 $0x380, s10;
	s11 =	sadd.s32 $0x2, s11  }
0x22e: {  	v9 =	vld [tilespmem:s12+$0x0];
	s15 =	sadd.s32 $0x10, s10;
	s7 =	sadd.s32 $0x20, s7;
	[tilespmem:s13+$0xFFFFFFF0] =	vst v8;
	p0 =	slt.u32 s11, $0x26  }
.Ltmp14:
0x22f: {  	v7 =	vmul.f32 v7, v2;
	s13 =	sadd.s32 $0xD200, s14;
	s14 =	sand.u32 $0x70, s15;
	v2 =	vld [tilespmem:s7+$0x0];
	(pc) =	sbr.rel @p0 .LBB2_29-.Ltmp14, $4  }
0x230: {  	s15 =	sand.u32 $0x60, s10;
	v10 =	vmul.f32 v3, v4;
	v3 =	vld [tilespmem:s12+$0xFFFFFFF0];
	s14 =	sor.u32 s14, s13  }
0x231: {  	s8 =	sadd.s32 $0x20, s8;
	s13 =	sor.u32 s15, s13;
	v4 =	vld [tilespmem:s7+$0xFFFFFFF0];
	[tilespmem:s14+$0x0] =	vst v7;
	v11 =	vmul.f32 v5, v0;
	v0 =	vmov v7  }
0x232: {  	[tilespmem:s13+$0x0] =	vst v10;
	v5 =	vld [tilespmem:s8+$0x0];
	v8 =	vmul.f32 v6, v1;
	v1 =	vmov v10;
	s13 =	smov.u32 s9  }
0x233: {  	s10 =	sadd.s32 $0x20, s10;
	s12 =	sadd.s32 $0x20, s12;
	s9 =	sadd.s32 $0x20, s9;
	v6 =	vld [tilespmem:s8+$0xFFFFFFF0];
	[tilespmem:s13+$0x0] =	vst v11;
	v7 =	vmov v9  }
0x234: {  	s7 =	sand.u32 $0x380, s10;
	s11 =	sadd.s32 $0x10, s10  }
0x235: {  	v2 =	vmul.f32 v7, v2;
	s7 =	sadd.s32 $0xD200, s7;
	s11 =	sand.u32 $0x70, s11  }
0x236: {  	s23 =	sand.u32 $0x60, s10;
	v3 =	vmul.f32 v3, v4;
	s11 =	sor.u32 s11, s7  }
0x237: {  	s8 =	sadd.s32 $0x20, s8;
	s7 =	sor.u32 s23, s7;
	[tilespmem:s11+$0x0] =	vst v2  }
0x238: {  	[tilespmem:s7+$0x0] =	vst v3;
	v62 =	vld [tilespmem:s8+$0x0]  }
0x239: {  	v63 =	vld [tilespmem:s8+$0xFFFFFFF0];
	_ =	sdelay $0x1  }
0x23a: {  	v0 =	vmul.f32 v5, v0  }
0x23b: {  	[tilespmem:s13+$0xFFFFFFF0] =	vst v8;
	v1 =	vmul.f32 v6, v1  }
0x23c: {  	[tilespmem:s9+$0x0] =	vst v0;
	v0 =	vmul.f32 v62, v2  }
0x23d: {  	s24 =	sadd.s32 $0x20, s9;
	[tilespmem:s9+$0xFFFFFFF0] =	vst v1;
	v1 =	vmul.f32 v63, v3  }
0x23e: {  	[tilespmem:s24+$0x0] =	vst v0  }
0x23f: {  	s25 =	sadd.s32 $0x500, s5;
	s26 =	simm.s32 $0x0;
	s28 =	simm.s32 $0xD200;
	[tilespmem:s24+$0xFFFFFFF0] =	vst v1  }
0x240: {  	[hbm4b:s25+s26] =	stream.linear.scatter [tilespmem:s28], [sflag:$0x1], $0x280, $0x38;
	[tilespmem:$0xEC00] =	vst v63  }
0x241: {  	s29 =	simm.s32 $0xDC00;
	s30 =	simm.s32 $0x2  }
0x242: {  	[spmem:s6] =	stream.linear.scatter [tilespmem:s29], [sflag:$0x2], $0x280, $0x38;
	[tilespmem:$0xEC00] =	vst v63  }
0x243: {  	_ =	swait.ge [sflag:s30], $0x280  }
0x244: {  	[sflag:s30] =	ssyncset.done $0x0  }
0x245: {  	[sflag:s30] =	ssyncadd.s32 $0xFFFFFD80  }
0x246: {  	s31 =	simm.s32 $0x4E80;
	[bflag:$0x0] =	sbarrier.arrive $0xFFFF  }
0x247: {  	[tilespmem:s31], [sflag:$0x2] =	stream.linear.gather [spmem:s4], $0x2800, $0x38;
	[tilespmem:$0xEC00] =	vst v63  }
0x248: {  	_ =	swait.ge [sflag:s30], $0x2800  }
0x249: {  	[sflag:s30] =	ssyncset.done $0x0  }
0x24a: {  	s7 =	simm.s32 $0x76C0;
	v0 =	vimm.f32 $0.0e+00;
	[sflag:s30] =	ssyncadd.s32 $0xFFFFD800  }
0x24b: {  	[tilespmem:s7+$0xFFFFFFC0] =	vst v0  }
0x24c: {  	[tilespmem:s7+$0x30] =	vst v0  }
0x24d: {  	[tilespmem:s7+$0x20] =	vst v0  }
0x24e: {  	[tilespmem:s7+$0x10] =	vst v0  }
0x24f: {  	[tilespmem:s7+$0x0] =	vst v0  }
0x250: {  	[tilespmem:s7+$0xFFFFFFF0] =	vst v0  }
0x251: {  	s8 =	simm.s32 $0x0;
	[tilespmem:s7+$0xFFFFFFE0] =	vst v0  }
.LBB2_31:
0x252: {  	s8 =	sadd.s32 $0x8, s8;
	[tilespmem:s7+$0xFFFFFFD0] =	vst v0;
	s7 =	sadd.s32 $0x80, s7  }
0x253: {  	[tilespmem:s7+$0xFFFFFFC0] =	vst v0;
	p0 =	slt.u32 s8, $0x278  }
0x254: {  	[tilespmem:s7+$0x30] =	vst v0  }
.Ltmp15:
0x255: {  	[tilespmem:s7+$0x20] =	vst v0;
	(pc) =	sbr.rel @p0 .LBB2_31-.Ltmp15, $4  }
0x256: {  	[tilespmem:s7+$0x10] =	vst v0  }
0x257: {  	[tilespmem:s7+$0x0] =	vst v0  }
0x258: {  	[tilespmem:s7+$0xFFFFFFF0] =	vst v0  }
0x259: {  	[tilespmem:s7+$0xFFFFFFE0] =	vst v0  }
0x25a: {  	[tilespmem:s7+$0xFFFFFFD0] =	vst v0;
	s29 =	simm.s32 $0xE000;
	s30 =	simm.s32 $0x2  }
0x25b: {  	[spmem:s3] =	stream.linear.scatter [tilespmem:s29], [sflag:$0x2], $0x280, $0x38;
	[tilespmem:$0xEC00] =	vst v63  }
0x25c: {  	_ =	swait.ge [sflag:s30], $0x280  }
0x25d: {  	[sflag:s30] =	ssyncset.done $0x0  }
0x25e: {  	s31 =	simm.s32 $0x40;
	[sflag:s30] =	ssyncadd.s32 $0xFFFFFD80  }
0x25f: {  	v0 =	vld [tilespmem:s31+$0x30]  }
0x260: {  	v1 =	vld [tilespmem:s31+$0xFFFFFFD0]  }
0x261: {  	v2 =	vld [tilespmem:s31+$0xFFFFFFE0]  }
0x262: {  	v3 =	vld [tilespmem:s31+$0xFFFFFFF0]  }
0x263: {  	v4 =	vld [tilespmem:s31+$0x0]  }
0x264: {  	v5 =	vld [tilespmem:s31+$0x10];
	v6 =	vshrl.u32 v0, $0x10  }
0x265: {  	v10 =	vld [tilespmem:s31+$0x20];
	v7 =	vshrl.u32 v1, $0x10  }
0x266: {  	v9 =	vshrl.u32 v2, $0x10  }
0x267: {  	v8 =	vld [tilespmem:s31+$0xFFFFFFC0];
	v11 =	vshrl.u32 v3, $0x10  }
0x268: {  	s7 =	simm.s32 $0x4E80;
	v12 =	vshrl.u32 v4, $0x10  }
0x269: {  	v13 =	vshrl.u32 v5, $0x10;
	v6 =	vld.idx.msk [tilespmem:v6+s7+$0x0], $0xffff  }
0x26a: {  	v15 =	vshrl.u32 v10, $0x10;
	v7 =	vld.idx.msk [tilespmem:v7+s7+$0x0], $0xffff  }
0x26b: {  	v0 =	vand.u32 $0xFFFF, v0;
	v9 =	vld.idx.msk [tilespmem:v9+s7+$0x0], $0xffff  }
0x26c: {  	v14 =	vshrl.u32 v8, $0x10;
	v11 =	vld.idx.msk [tilespmem:v11+s7+$0x0], $0xffff  }
0x26d: {  	v1 =	vand.u32 $0xFFFF, v1;
	v12 =	vld.idx.msk [tilespmem:v12+s7+$0x0], $0xffff  }
0x26e: {  	v16 =	vand.u32 $0xFFFF, v2;
	v2 =	vld.idx.msk [tilespmem:v13+s7+$0x0], $0xffff  }
0x26f: {  	s8 =	simm.s32 $0x7680;
	v62 =	vand.u32 $0xFFFF, v3;
	v3 =	vld.idx.msk [tilespmem:v15+s7+$0x0], $0xffff  }
0x270: {  	[tilespmem:v0+s8+$0x0] =	vst.idx.add.f32.msk $0xffff, v6;
	v0 =	vand.u32 $0xFFFF, v4  }
0x271: {  	v63 =	vand.u32 $0xFFFF, v8;
	v4 =	vld.idx.msk [tilespmem:v14+s7+$0x0], $0xffff  }
0x272: {  	[tilespmem:v1+s8+$0x0] =	vst.idx.add.f32.msk $0xffff, v7  }
0x273: {  	[tilespmem:v16+s8+$0x0] =	vst.idx.add.f32.msk $0xffff, v9  }
0x274: {  	[tilespmem:v62+s8+$0x0] =	vst.idx.add.f32.msk $0xffff, v11  }
0x275: {  	[tilespmem:v0+s8+$0x0] =	vst.idx.add.f32.msk $0xffff, v12  }
0x276: {  	s9 =	simm.s32 $0x0;
	s10 =	simm.s32 $0xC0;
	v1 =	vand.u32 $0xFFFF, v10;
	v0 =	vand.u32 $0xFFFF, v5;
	[tilespmem:v63+s8+$0x0] =	vst.idx.add.f32.msk $0xffff, v4  }
.LBB2_33:
0x277: {  	v4 =	vld [tilespmem:s10+$0x30];
	s9 =	sadd.s32 $0x8, s9  }
0x278: {  	v5 =	vld [tilespmem:s10+$0xFFFFFFD0];
	p0 =	slt.u32 s9, $0x4D8  }
0x279: {  	v6 =	vld [tilespmem:s10+$0xFFFFFFE0]  }
0x27a: {  	v7 =	vld [tilespmem:s10+$0xFFFFFFF0]  }
0x27b: {  	v8 =	vld [tilespmem:s10+$0x0]  }
0x27c: {  	v9 =	vld [tilespmem:s10+$0x10];
	v10 =	vshrl.u32 v4, $0x10  }
0x27d: {  	v11 =	vshrl.u32 v5, $0x10;
	v5 =	vand.u32 $0xFFFF, v5;
	v12 =	vld [tilespmem:s10+$0x20]  }
0x27e: {  	v13 =	vld [tilespmem:s10+$0xFFFFFFC0];
	v14 =	vshrl.u32 v6, $0x10;
	v6 =	vand.u32 $0xFFFF, v6  }
0x27f: {  	v15 =	vshrl.u32 v7, $0x10;
	v7 =	vand.u32 $0xFFFF, v7;
	[tilespmem:v0+s8+$0x0] =	vst.idx.add.f32.msk $0xffff, v2  }
0x280: {  	v2 =	vshrl.u32 v8, $0x10;
	v8 =	vand.u32 $0xFFFF, v8;
	[tilespmem:v1+s8+$0x0] =	vst.idx.add.f32.msk $0xffff, v3  }
0x281: {  	v3 =	vshrl.u32 v9, $0x10;
	v0 =	vand.u32 $0xFFFF, v9;
	v9 =	vld.idx.msk [tilespmem:v10+s7+$0x0], $0xffff  }
0x282: {  	v4 =	vand.u32 $0xFFFF, v4;
	v10 =	vld.idx.msk [tilespmem:v11+s7+$0x0], $0xffff;
	v11 =	vshrl.u32 v12, $0x10;
	v1 =	vand.u32 $0xFFFF, v12  }
0x283: {  	v12 =	vshrl.u32 v13, $0x10;
	v13 =	vand.u32 $0xFFFF, v13;
	v14 =	vld.idx.msk [tilespmem:v14+s7+$0x0], $0xffff  }
0x284: {  	v15 =	vld.idx.msk [tilespmem:v15+s7+$0x0], $0xffff  }
0x285: {  	v16 =	vld.idx.msk [tilespmem:v2+s7+$0x0], $0xffff  }
0x286: {  	v2 =	vld.idx.msk [tilespmem:v3+s7+$0x0], $0xffff  }
0x287: {  	[tilespmem:v4+s8+$0x0] =	vst.idx.add.f32.msk $0xffff, v9  }
0x288: {  	v4 =	vld.idx.msk [tilespmem:v12+s7+$0x0], $0xffff  }
0x289: {  	v3 =	vld.idx.msk [tilespmem:v11+s7+$0x0], $0xffff  }
.Ltmp16:
0x28a: {  	[tilespmem:v5+s8+$0x0] =	vst.idx.add.f32.msk $0xffff, v10;
	(pc) =	sbr.rel @p0 .LBB2_33-.Ltmp16, $4  }
0x28b: {  	[tilespmem:v6+s8+$0x0] =	vst.idx.add.f32.msk $0xffff, v14  }
0x28c: {  	[tilespmem:v7+s8+$0x0] =	vst.idx.add.f32.msk $0xffff, v15  }
0x28d: {  	[tilespmem:v8+s8+$0x0] =	vst.idx.add.f32.msk $0xffff, v16  }
0x28e: {  	s10 =	sadd.s32 $0x80, s10;
	[tilespmem:v13+s8+$0x0] =	vst.idx.add.f32.msk $0xffff, v4  }
0x28f: {  	_ =	sdelay $0x3  }
0x290: {  	[tilespmem:v0+s8+$0x0] =	vst.idx.add.f32.msk $0xffff, v2  }
0x291: {  	[tilespmem:v1+s8+$0x0] =	vst.idx.add.f32.msk $0xffff, v3;
	s7 =	simm.s32 $0x0;
	s8 =	simm.s32 $0x4E80;
	s9 =	simm.s32 $0x7680  }
.LBB2_35:
0x292: {  	s10 =	sshra.s32 s7, $0x2  }
0x293: {  	v0 =	vld [tilespmem:s10+$0x4E00];
	_ =	sdelay $0x4  }
0x294: {  	v1 =	vshrl.u32 v0, $0x10;
	_ =	sdelay $0x4  }
0x295: {  	p0 =	sne.s32 s7, $0x40;
	v0 =	vand.u32 $0xFFFF, v0;
	v1 =	vld.idx.msk [tilespmem:v1+s8+$0x0], $0xffff  }
.Ltmp17:
0x296: {  	_ = 	snop;
	(pc) =	sbr.rel @p0 .LBB2_35-.Ltmp17, $2  }
0x297: {  	_ =	sdelay $0x2  }
0x298: {  	s7 =	sadd.s32 $0x40, s7;
	[tilespmem:v0+s9+$0x0] =	vst.idx.add.f32.msk $0xffff, v1  }
0x299: {  	[bflag:$0x0] =	sbarrier.arrive $0xFFFF;
	s7 =	simm.s32 $0x50  }
0x29a: {  	s8 =	simm.s32 $0xE400;
	s9 =	simm.s32 $0x7680;
	s16 =	simm.s32 $0x2  }
0x29b: {  	[spmem:s2] =	stream.indirect.scatter.add.f32 [tilespmem:s9], [sflag:$0x2], $0x80, s8, s7, $0xb8;
	[tilespmem:$0xEC00] =	vst v63  }
0x29c: {  	_ =	swait.ge [sflag:s16], $0x2800  }
0x29d: {  	[sflag:s16] =	ssyncset.done $0x0  }
0x29e: {  	[sflag:s16] =	ssyncadd.s32 $0xFFFFD800  }
0x29f: {  	s17 =	simm.s32 $0xC680;
	[bflag:$0x0] =	sbarrier.arrive $0xFFFF  }
0x2a0: {  	[tilespmem:s17], [sflag:$0x2] =	stream.linear.gather [spmem:s3], $0x280, $0x38;
	[tilespmem:$0xEC00] =	vst v63  }
0x2a1: {  	_ =	swait.ge [sflag:s16], $0x280  }
0x2a2: {  	[sflag:s16] =	ssyncset.done $0x0  }
0x2a3: {  	s18 =	simm.s32 $0xC690;
	[sflag:s16] =	ssyncadd.s32 $0xFFFFFD80  }
0x2a4: {  	s19 =	simm.s32 $0xCA90;
	v0 =	vld [tilespmem:s18+$0x0]  }
0x2a5: {  	v1 =	vld [tilespmem:s19+$0x0]  }
0x2a6: {  	v2 =	vld [tilespmem:s18+$0xFFFFFFF0]  }
0x2a7: {  	v3 =	vld [tilespmem:s19+$0xFFFFFFF0]  }
0x2a8: {  	s20 =	simm.s32 $0x0;
	s21 =	simm.s32 $0xC6B0  }
0x2a9: {  	s10 =	simm.s32 $0x10;
	s11 =	simm.s32 $0xCAB0;
	s22 =	sand.u32 $0x380, s20;
	v4 =	vld [tilespmem:s21+$0x0]  }
0x2aa: {  	s10 =	sand.u32 $0x70, s10;
	s9 =	sadd.s32 $0xD480, s22;
	v5 =	vld [tilespmem:s11+$0x0];
	v6 =	vmul.f32 v0, v1  }
0x2ab: {  	s23 =	sor.u32 s10, s9;
	v9 =	vld [tilespmem:s11+$0xFFFFFFF0]  }
0x2ac: {  	s24 =	simm.s32 $0xCD10;
	s7 =	sand.u32 $0x60, s20;
	v1 =	vld [tilespmem:s21+$0xFFFFFFF0];
	v8 =	vmul.f32 v2, v3;
	[tilespmem:s23+$0x0] =	vst v6  }
0x2ad: {  	s25 =	simm.s32 $0xC6D0;
	s7 =	sor.u32 s7, s9;
	v10 =	vld [tilespmem:s24+$0x0]  }
0x2ae: {  	s26 =	simm.s32 $0x20;
	v7 =	vld [tilespmem:s25+$0x0];
	[tilespmem:s7+$0x0] =	vst v8  }
0x2af: {  	s29 =	simm.s32 $0x30;
	s28 =	sand.u32 $0x380, s26;
	v11 =	vld [tilespmem:s24+$0xFFFFFFF0]  }
0x2b0: {  	s10 =	sadd.s32 $0xD480, s28;
	s11 =	sand.u32 $0x70, s29;
	v0 =	vmul.f32 v4, v5;
	v3 =	vld [tilespmem:s25+$0xFFFFFFF0];
	s7 =	simm.s32 $0xCAD0  }
0x2b1: {  	s30 =	sand.u32 $0x60, s26;
	s31 =	sor.u32 s11, s10;
	v2 =	vld [tilespmem:s7+$0x0];
	v1 =	vmul.f32 v1, v9  }
0x2b2: {  	s8 =	simm.s32 $0xCD30;
	s10 =	sor.u32 s30, s10;
	[tilespmem:s31+$0x0] =	vst v0;
	v4 =	vld [tilespmem:s7+$0xFFFFFFF0];
	v9 =	vmul.f32 v10, v6  }
0x2b3: {  	s13 =	simm.s32 $0xDC10;
	s12 =	simm.s32 $0xC6F0;
	v5 =	vld [tilespmem:s8+$0x0];
	[tilespmem:s10+$0x0] =	vst v1  }
0x2b4: {  	s9 =	simm.s32 $0xDC30;
	s11 =	simm.s32 $0x4;
	s10 =	simm.s32 $0x40;
	v8 =	vmul.f32 v11, v8;
	v6 =	vld [tilespmem:s8+$0xFFFFFFF0];
	[tilespmem:s13+$0x0] =	vst v9  }
.LBB2_37:
0x2b5: {  	s14 =	sand.u32 $0x380, s10;
	s11 =	sadd.s32 $0x2, s11  }
0x2b6: {  	v9 =	vld [tilespmem:s12+$0x0];
	s15 =	sadd.s32 $0x10, s10;
	s7 =	sadd.s32 $0x20, s7;
	[tilespmem:s13+$0xFFFFFFF0] =	vst v8;
	p0 =	slt.u32 s11, $0x26  }
.Ltmp18:
0x2b7: {  	v7 =	vmul.f32 v7, v2;
	s13 =	sadd.s32 $0xD480, s14;
	s14 =	sand.u32 $0x70, s15;
	v2 =	vld [tilespmem:s7+$0x0];
	(pc) =	sbr.rel @p0 .LBB2_37-.Ltmp18, $4  }
0x2b8: {  	s15 =	sand.u32 $0x60, s10;
	v10 =	vmul.f32 v3, v4;
	v3 =	vld [tilespmem:s12+$0xFFFFFFF0];
	s14 =	sor.u32 s14, s13  }
0x2b9: {  	s8 =	sadd.s32 $0x20, s8;
	s13 =	sor.u32 s15, s13;
	v4 =	vld [tilespmem:s7+$0xFFFFFFF0];
	[tilespmem:s14+$0x0] =	vst v7;
	v11 =	vmul.f32 v5, v0;
	v0 =	vmov v7  }
0x2ba: {  	[tilespmem:s13+$0x0] =	vst v10;
	v5 =	vld [tilespmem:s8+$0x0];
	v8 =	vmul.f32 v6, v1;
	v1 =	vmov v10;
	s13 =	smov.u32 s9  }
0x2bb: {  	s10 =	sadd.s32 $0x20, s10;
	s12 =	sadd.s32 $0x20, s12;
	s9 =	sadd.s32 $0x20, s9;
	v6 =	vld [tilespmem:s8+$0xFFFFFFF0];
	[tilespmem:s13+$0x0] =	vst v11;
	v7 =	vmov v9  }
0x2bc: {  	s7 =	sand.u32 $0x380, s10;
	s11 =	sadd.s32 $0x10, s10  }
0x2bd: {  	v2 =	vmul.f32 v7, v2;
	s7 =	sadd.s32 $0xD480, s7;
	s11 =	sand.u32 $0x70, s11  }
0x2be: {  	s23 =	sand.u32 $0x60, s10;
	v3 =	vmul.f32 v3, v4;
	s11 =	sor.u32 s11, s7  }
0x2bf: {  	s8 =	sadd.s32 $0x20, s8;
	s7 =	sor.u32 s23, s7;
	[tilespmem:s11+$0x0] =	vst v2  }
0x2c0: {  	[tilespmem:s7+$0x0] =	vst v3;
	v62 =	vld [tilespmem:s8+$0x0]  }
0x2c1: {  	v63 =	vld [tilespmem:s8+$0xFFFFFFF0];
	_ =	sdelay $0x1  }
0x2c2: {  	v0 =	vmul.f32 v5, v0  }
0x2c3: {  	[tilespmem:s13+$0xFFFFFFF0] =	vst v8;
	v1 =	vmul.f32 v6, v1  }
0x2c4: {  	[tilespmem:s9+$0x0] =	vst v0;
	v0 =	vmul.f32 v62, v2  }
0x2c5: {  	s24 =	sadd.s32 $0x20, s9;
	[tilespmem:s9+$0xFFFFFFF0] =	vst v1;
	v1 =	vmul.f32 v63, v3  }
0x2c6: {  	[tilespmem:s24+$0x0] =	vst v0  }
0x2c7: {  	s25 =	sadd.s32 $0xA00, s5;
	s26 =	simm.s32 $0x0;
	s28 =	simm.s32 $0xD480;
	[tilespmem:s24+$0xFFFFFFF0] =	vst v1  }
0x2c8: {  	[hbm4b:s25+s26] =	stream.linear.scatter [tilespmem:s28], [sflag:$0x1], $0x280, $0x38;
	[tilespmem:$0xEC00] =	vst v63  }
0x2c9: {  	s29 =	simm.s32 $0xDC00;
	s30 =	simm.s32 $0x2  }
0x2ca: {  	[spmem:s6] =	stream.linear.scatter [tilespmem:s29], [sflag:$0x2], $0x280, $0x38;
	[tilespmem:$0xEC00] =	vst v63  }
0x2cb: {  	_ =	swait.ge [sflag:s30], $0x280  }
0x2cc: {  	[sflag:s30] =	ssyncset.done $0x0  }
0x2cd: {  	[sflag:s30] =	ssyncadd.s32 $0xFFFFFD80  }
0x2ce: {  	s31 =	simm.s32 $0x4E80;
	[bflag:$0x0] =	sbarrier.arrive $0xFFFF  }
0x2cf: {  	[tilespmem:s31], [sflag:$0x2] =	stream.linear.gather [spmem:s4], $0x2800, $0x38;
	[tilespmem:$0xEC00] =	vst v63  }
0x2d0: {  	_ =	swait.ge [sflag:s30], $0x2800  }
0x2d1: {  	[sflag:s30] =	ssyncset.done $0x0  }
0x2d2: {  	s7 =	simm.s32 $0x76C0;
	v0 =	vimm.f32 $0.0e+00;
	[sflag:s30] =	ssyncadd.s32 $0xFFFFD800  }
0x2d3: {  	[tilespmem:s7+$0xFFFFFFC0] =	vst v0  }
0x2d4: {  	[tilespmem:s7+$0x30] =	vst v0  }
0x2d5: {  	[tilespmem:s7+$0x20] =	vst v0  }
0x2d6: {  	[tilespmem:s7+$0x10] =	vst v0  }
0x2d7: {  	[tilespmem:s7+$0x0] =	vst v0  }
0x2d8: {  	[tilespmem:s7+$0xFFFFFFF0] =	vst v0  }
0x2d9: {  	s8 =	simm.s32 $0x0;
	[tilespmem:s7+$0xFFFFFFE0] =	vst v0  }
.LBB2_39:
0x2da: {  	s8 =	sadd.s32 $0x8, s8;
	[tilespmem:s7+$0xFFFFFFD0] =	vst v0;
	s7 =	sadd.s32 $0x80, s7  }
0x2db: {  	[tilespmem:s7+$0xFFFFFFC0] =	vst v0;
	p0 =	slt.u32 s8, $0x278  }
0x2dc: {  	[tilespmem:s7+$0x30] =	vst v0  }
.Ltmp19:
0x2dd: {  	[tilespmem:s7+$0x20] =	vst v0;
	(pc) =	sbr.rel @p0 .LBB2_39-.Ltmp19, $4  }
0x2de: {  	[tilespmem:s7+$0x10] =	vst v0  }
0x2df: {  	[tilespmem:s7+$0x0] =	vst v0  }
0x2e0: {  	[tilespmem:s7+$0xFFFFFFF0] =	vst v0  }
0x2e1: {  	[tilespmem:s7+$0xFFFFFFE0] =	vst v0  }
0x2e2: {  	[tilespmem:s7+$0xFFFFFFD0] =	vst v0;
	s29 =	simm.s32 $0xE000;
	s30 =	simm.s32 $0x2  }
0x2e3: {  	[spmem:s3] =	stream.linear.scatter [tilespmem:s29], [sflag:$0x2], $0x280, $0x38;
	[tilespmem:$0xEC00] =	vst v63  }
0x2e4: {  	_ =	swait.ge [sflag:s30], $0x280  }
0x2e5: {  	[sflag:s30] =	ssyncset.done $0x0  }
0x2e6: {  	s31 =	simm.s32 $0x40;
	[sflag:s30] =	ssyncadd.s32 $0xFFFFFD80  }
0x2e7: {  	v0 =	vld [tilespmem:s31+$0x30]  }
0x2e8: {  	v1 =	vld [tilespmem:s31+$0xFFFFFFD0]  }
0x2e9: {  	v2 =	vld [tilespmem:s31+$0xFFFFFFE0]  }
0x2ea: {  	v3 =	vld [tilespmem:s31+$0xFFFFFFF0]  }
0x2eb: {  	v4 =	vld [tilespmem:s31+$0x0]  }
0x2ec: {  	v5 =	vld [tilespmem:s31+$0x10];
	v6 =	vshrl.u32 v0, $0x10  }
0x2ed: {  	v10 =	vld [tilespmem:s31+$0x20];
	v7 =	vshrl.u32 v1, $0x10  }
0x2ee: {  	v9 =	vshrl.u32 v2, $0x10  }
0x2ef: {  	v8 =	vld [tilespmem:s31+$0xFFFFFFC0];
	v11 =	vshrl.u32 v3, $0x10  }
0x2f0: {  	s7 =	simm.s32 $0x4E80;
	v12 =	vshrl.u32 v4, $0x10  }
0x2f1: {  	v13 =	vshrl.u32 v5, $0x10;
	v6 =	vld.idx.msk [tilespmem:v6+s7+$0x0], $0xffff  }
0x2f2: {  	v15 =	vshrl.u32 v10, $0x10;
	v7 =	vld.idx.msk [tilespmem:v7+s7+$0x0], $0xffff  }
0x2f3: {  	v0 =	vand.u32 $0xFFFF, v0;
	v9 =	vld.idx.msk [tilespmem:v9+s7+$0x0], $0xffff  }
0x2f4: {  	v14 =	vshrl.u32 v8, $0x10;
	v11 =	vld.idx.msk [tilespmem:v11+s7+$0x0], $0xffff  }
0x2f5: {  	v1 =	vand.u32 $0xFFFF, v1;
	v12 =	vld.idx.msk [tilespmem:v12+s7+$0x0], $0xffff  }
0x2f6: {  	v16 =	vand.u32 $0xFFFF, v2;
	v2 =	vld.idx.msk [tilespmem:v13+s7+$0x0], $0xffff  }
0x2f7: {  	s8 =	simm.s32 $0x7680;
	v62 =	vand.u32 $0xFFFF, v3;
	v3 =	vld.idx.msk [tilespmem:v15+s7+$0x0], $0xffff  }
0x2f8: {  	[tilespmem:v0+s8+$0x0] =	vst.idx.add.f32.msk $0xffff, v6;
	v0 =	vand.u32 $0xFFFF, v4  }
0x2f9: {  	v63 =	vand.u32 $0xFFFF, v8;
	v4 =	vld.idx.msk [tilespmem:v14+s7+$0x0], $0xffff  }
0x2fa: {  	[tilespmem:v1+s8+$0x0] =	vst.idx.add.f32.msk $0xffff, v7  }
0x2fb: {  	[tilespmem:v16+s8+$0x0] =	vst.idx.add.f32.msk $0xffff, v9  }
0x2fc: {  	[tilespmem:v62+s8+$0x0] =	vst.idx.add.f32.msk $0xffff, v11  }
0x2fd: {  	[tilespmem:v0+s8+$0x0] =	vst.idx.add.f32.msk $0xffff, v12  }
0x2fe: {  	s9 =	simm.s32 $0x0;
	s10 =	simm.s32 $0xC0;
	v1 =	vand.u32 $0xFFFF, v10;
	v0 =	vand.u32 $0xFFFF, v5;
	[tilespmem:v63+s8+$0x0] =	vst.idx.add.f32.msk $0xffff, v4  }
.LBB2_41:
0x2ff: {  	v4 =	vld [tilespmem:s10+$0x30];
	s9 =	sadd.s32 $0x8, s9  }
0x300: {  	v5 =	vld [tilespmem:s10+$0xFFFFFFD0];
	p0 =	slt.u32 s9, $0x4D8  }
0x301: {  	v6 =	vld [tilespmem:s10+$0xFFFFFFE0]  }
0x302: {  	v7 =	vld [tilespmem:s10+$0xFFFFFFF0]  }
0x303: {  	v8 =	vld [tilespmem:s10+$0x0]  }
0x304: {  	v9 =	vld [tilespmem:s10+$0x10];
	v10 =	vshrl.u32 v4, $0x10  }
0x305: {  	v11 =	vshrl.u32 v5, $0x10;
	v5 =	vand.u32 $0xFFFF, v5;
	v12 =	vld [tilespmem:s10+$0x20]  }
0x306: {  	v13 =	vld [tilespmem:s10+$0xFFFFFFC0];
	v14 =	vshrl.u32 v6, $0x10;
	v6 =	vand.u32 $0xFFFF, v6  }
0x307: {  	v15 =	vshrl.u32 v7, $0x10;
	v7 =	vand.u32 $0xFFFF, v7;
	[tilespmem:v0+s8+$0x0] =	vst.idx.add.f32.msk $0xffff, v2  }
0x308: {  	v2 =	vshrl.u32 v8, $0x10;
	v8 =	vand.u32 $0xFFFF, v8;
	[tilespmem:v1+s8+$0x0] =	vst.idx.add.f32.msk $0xffff, v3  }
0x309: {  	v3 =	vshrl.u32 v9, $0x10;
	v0 =	vand.u32 $0xFFFF, v9;
	v9 =	vld.idx.msk [tilespmem:v10+s7+$0x0], $0xffff  }
0x30a: {  	v4 =	vand.u32 $0xFFFF, v4;
	v10 =	vld.idx.msk [tilespmem:v11+s7+$0x0], $0xffff;
	v11 =	vshrl.u32 v12, $0x10;
	v1 =	vand.u32 $0xFFFF, v12  }
0x30b: {  	v12 =	vshrl.u32 v13, $0x10;
	v13 =	vand.u32 $0xFFFF, v13;
	v14 =	vld.idx.msk [tilespmem:v14+s7+$0x0], $0xffff  }
0x30c: {  	v15 =	vld.idx.msk [tilespmem:v15+s7+$0x0], $0xffff  }
0x30d: {  	v16 =	vld.idx.msk [tilespmem:v2+s7+$0x0], $0xffff  }
0x30e: {  	v2 =	vld.idx.msk [tilespmem:v3+s7+$0x0], $0xffff  }
0x30f: {  	[tilespmem:v4+s8+$0x0] =	vst.idx.add.f32.msk $0xffff, v9  }
0x310: {  	v4 =	vld.idx.msk [tilespmem:v12+s7+$0x0], $0xffff  }
0x311: {  	v3 =	vld.idx.msk [tilespmem:v11+s7+$0x0], $0xffff  }
.Ltmp20:
0x312: {  	[tilespmem:v5+s8+$0x0] =	vst.idx.add.f32.msk $0xffff, v10;
	(pc) =	sbr.rel @p0 .LBB2_41-.Ltmp20, $4  }
0x313: {  	[tilespmem:v6+s8+$0x0] =	vst.idx.add.f32.msk $0xffff, v14  }
0x314: {  	[tilespmem:v7+s8+$0x0] =	vst.idx.add.f32.msk $0xffff, v15  }
0x315: {  	[tilespmem:v8+s8+$0x0] =	vst.idx.add.f32.msk $0xffff, v16  }
0x316: {  	s10 =	sadd.s32 $0x80, s10;
	[tilespmem:v13+s8+$0x0] =	vst.idx.add.f32.msk $0xffff, v4  }
0x317: {  	_ =	sdelay $0x3  }
0x318: {  	[tilespmem:v0+s8+$0x0] =	vst.idx.add.f32.msk $0xffff, v2  }
0x319: {  	[tilespmem:v1+s8+$0x0] =	vst.idx.add.f32.msk $0xffff, v3;
	s7 =	simm.s32 $0x0;
	s8 =	simm.s32 $0x4E80;
	s9 =	simm.s32 $0x7680  }
.LBB2_43:
0x31a: {  	s10 =	sshra.s32 s7, $0x2  }
0x31b: {  	v0 =	vld [tilespmem:s10+$0x4E00];
	_ =	sdelay $0x4  }
0x31c: {  	v1 =	vshrl.u32 v0, $0x10;
	_ =	sdelay $0x4  }
0x31d: {  	p0 =	sne.s32 s7, $0x40;
	v0 =	vand.u32 $0xFFFF, v0;
	v1 =	vld.idx.msk [tilespmem:v1+s8+$0x0], $0xffff  }
.Ltmp21:
0x31e: {  	_ = 	snop;
	(pc) =	sbr.rel @p0 .LBB2_43-.Ltmp21, $2  }
0x31f: {  	_ =	sdelay $0x2  }
0x320: {  	s7 =	sadd.s32 $0x40, s7;
	[tilespmem:v0+s9+$0x0] =	vst.idx.add.f32.msk $0xffff, v1  }
0x321: {  	[bflag:$0x0] =	sbarrier.arrive $0xFFFF;
	s7 =	simm.s32 $0x50  }
0x322: {  	s8 =	simm.s32 $0xE400;
	s9 =	simm.s32 $0x7680;
	s16 =	simm.s32 $0x2  }
0x323: {  	[spmem:s2] =	stream.indirect.scatter.add.f32 [tilespmem:s9], [sflag:$0x2], $0x80, s8, s7, $0xb8;
	[tilespmem:$0xEC00] =	vst v63  }
0x324: {  	_ =	swait.ge [sflag:s16], $0x2800  }
0x325: {  	[sflag:s16] =	ssyncset.done $0x0  }
0x326: {  	[sflag:s16] =	ssyncadd.s32 $0xFFFFD800  }
0x327: {  	s17 =	simm.s32 $0xC680;
	[bflag:$0x0] =	sbarrier.arrive $0xFFFF  }
0x328: {  	[tilespmem:s17], [sflag:$0x2] =	stream.linear.gather [spmem:s3], $0x280, $0x38;
	[tilespmem:$0xEC00] =	vst v63  }
0x329: {  	_ =	swait.ge [sflag:s16], $0x280  }
0x32a: {  	[sflag:s16] =	ssyncset.done $0x0  }
0x32b: {  	s18 =	simm.s32 $0xC690;
	[sflag:s16] =	ssyncadd.s32 $0xFFFFFD80  }
0x32c: {  	s19 =	simm.s32 $0xCA90;
	v0 =	vld [tilespmem:s18+$0x0]  }
0x32d: {  	v1 =	vld [tilespmem:s19+$0x0]  }
0x32e: {  	v2 =	vld [tilespmem:s18+$0xFFFFFFF0]  }
0x32f: {  	v3 =	vld [tilespmem:s19+$0xFFFFFFF0]  }
0x330: {  	s20 =	simm.s32 $0x0;
	s21 =	simm.s32 $0xC6B0  }
0x331: {  	s10 =	simm.s32 $0x10;
	s11 =	simm.s32 $0xCAB0;
	s22 =	sand.u32 $0x380, s20;
	v4 =	vld [tilespmem:s21+$0x0]  }
0x332: {  	s10 =	sand.u32 $0x70, s10;
	s9 =	sadd.s32 $0xD700, s22;
	v5 =	vld [tilespmem:s11+$0x0];
	v6 =	vmul.f32 v0, v1  }
0x333: {  	s23 =	sor.u32 s10, s9;
	v9 =	vld [tilespmem:s11+$0xFFFFFFF0]  }
0x334: {  	s24 =	simm.s32 $0xCD10;
	s7 =	sand.u32 $0x60, s20;
	v1 =	vld [tilespmem:s21+$0xFFFFFFF0];
	v8 =	vmul.f32 v2, v3;
	[tilespmem:s23+$0x0] =	vst v6  }
0x335: {  	s25 =	simm.s32 $0xC6D0;
	s7 =	sor.u32 s7, s9;
	v10 =	vld [tilespmem:s24+$0x0]  }
0x336: {  	s26 =	simm.s32 $0x20;
	v7 =	vld [tilespmem:s25+$0x0];
	[tilespmem:s7+$0x0] =	vst v8  }
0x337: {  	s29 =	simm.s32 $0x30;
	s28 =	sand.u32 $0x380, s26;
	v11 =	vld [tilespmem:s24+$0xFFFFFFF0]  }
0x338: {  	s10 =	sadd.s32 $0xD700, s28;
	s11 =	sand.u32 $0x70, s29;
	v0 =	vmul.f32 v4, v5;
	v3 =	vld [tilespmem:s25+$0xFFFFFFF0];
	s7 =	simm.s32 $0xCAD0  }
0x339: {  	s30 =	sand.u32 $0x60, s26;
	s31 =	sor.u32 s11, s10;
	v2 =	vld [tilespmem:s7+$0x0];
	v1 =	vmul.f32 v1, v9  }
0x33a: {  	s8 =	simm.s32 $0xCD30;
	s10 =	sor.u32 s30, s10;
	[tilespmem:s31+$0x0] =	vst v0;
	v4 =	vld [tilespmem:s7+$0xFFFFFFF0];
	v9 =	vmul.f32 v10, v6  }
0x33b: {  	s13 =	simm.s32 $0xDC10;
	s12 =	simm.s32 $0xC6F0;
	v5 =	vld [tilespmem:s8+$0x0];
	[tilespmem:s10+$0x0] =	vst v1  }
0x33c: {  	s9 =	simm.s32 $0xDC30;
	s11 =	simm.s32 $0x4;
	s10 =	simm.s32 $0x40;
	v8 =	vmul.f32 v11, v8;
	v6 =	vld [tilespmem:s8+$0xFFFFFFF0];
	[tilespmem:s13+$0x0] =	vst v9  }
.LBB2_45:
0x33d: {  	s14 =	sand.u32 $0x380, s10;
	s11 =	sadd.s32 $0x2, s11  }
0x33e: {  	v9 =	vld [tilespmem:s12+$0x0];
	s15 =	sadd.s32 $0x10, s10;
	s7 =	sadd.s32 $0x20, s7;
	[tilespmem:s13+$0xFFFFFFF0] =	vst v8;
	p0 =	slt.u32 s11, $0x26  }
.Ltmp22:
0x33f: {  	v7 =	vmul.f32 v7, v2;
	s13 =	sadd.s32 $0xD700, s14;
	s14 =	sand.u32 $0x70, s15;
	v2 =	vld [tilespmem:s7+$0x0];
	(pc) =	sbr.rel @p0 .LBB2_45-.Ltmp22, $4  }
0x340: {  	s15 =	sand.u32 $0x60, s10;
	v10 =	vmul.f32 v3, v4;
	v3 =	vld [tilespmem:s12+$0xFFFFFFF0];
	s14 =	sor.u32 s14, s13  }
0x341: {  	s8 =	sadd.s32 $0x20, s8;
	s13 =	sor.u32 s15, s13;
	v4 =	vld [tilespmem:s7+$0xFFFFFFF0];
	[tilespmem:s14+$0x0] =	vst v7;
	v11 =	vmul.f32 v5, v0;
	v0 =	vmov v7  }
0x342: {  	[tilespmem:s13+$0x0] =	vst v10;
	v5 =	vld [tilespmem:s8+$0x0];
	v8 =	vmul.f32 v6, v1;
	v1 =	vmov v10;
	s13 =	smov.u32 s9  }
0x343: {  	s10 =	sadd.s32 $0x20, s10;
	s12 =	sadd.s32 $0x20, s12;
	s9 =	sadd.s32 $0x20, s9;
	v6 =	vld [tilespmem:s8+$0xFFFFFFF0];
	[tilespmem:s13+$0x0] =	vst v11;
	v7 =	vmov v9  }
0x344: {  	s7 =	sand.u32 $0x380, s10;
	s11 =	sadd.s32 $0x10, s10  }
0x345: {  	v2 =	vmul.f32 v7, v2;
	s7 =	sadd.s32 $0xD700, s7;
	s11 =	sand.u32 $0x70, s11  }
0x346: {  	s23 =	sand.u32 $0x60, s10;
	v3 =	vmul.f32 v3, v4;
	s11 =	sor.u32 s11, s7  }
0x347: {  	s8 =	sadd.s32 $0x20, s8;
	s7 =	sor.u32 s23, s7;
	[tilespmem:s11+$0x0] =	vst v2  }
0x348: {  	[tilespmem:s7+$0x0] =	vst v3;
	v62 =	vld [tilespmem:s8+$0x0]  }
0x349: {  	v63 =	vld [tilespmem:s8+$0xFFFFFFF0];
	_ =	sdelay $0x1  }
0x34a: {  	v0 =	vmul.f32 v5, v0  }
0x34b: {  	[tilespmem:s13+$0xFFFFFFF0] =	vst v8;
	v1 =	vmul.f32 v6, v1  }
0x34c: {  	[tilespmem:s9+$0x0] =	vst v0;
	v0 =	vmul.f32 v62, v2  }
0x34d: {  	s24 =	sadd.s32 $0x20, s9;
	[tilespmem:s9+$0xFFFFFFF0] =	vst v1;
	v1 =	vmul.f32 v63, v3  }
0x34e: {  	[tilespmem:s24+$0x0] =	vst v0  }
0x34f: {  	s25 =	sadd.s32 $0xF00, s5;
	s26 =	simm.s32 $0x0;
	s28 =	simm.s32 $0xD700;
	[tilespmem:s24+$0xFFFFFFF0] =	vst v1  }
0x350: {  	[hbm4b:s25+s26] =	stream.linear.scatter [tilespmem:s28], [sflag:$0x1], $0x280, $0x38;
	[tilespmem:$0xEC00] =	vst v63  }
0x351: {  	s29 =	simm.s32 $0xDC00;
	s30 =	simm.s32 $0x2  }
0x352: {  	[spmem:s6] =	stream.linear.scatter [tilespmem:s29], [sflag:$0x2], $0x280, $0x38;
	[tilespmem:$0xEC00] =	vst v63  }
0x353: {  	_ =	swait.ge [sflag:s30], $0x280  }
0x354: {  	[sflag:s30] =	ssyncset.done $0x0  }
0x355: {  	[sflag:s30] =	ssyncadd.s32 $0xFFFFFD80  }
0x356: {  	s31 =	simm.s32 $0x4E80;
	[bflag:$0x0] =	sbarrier.arrive $0xFFFF  }
0x357: {  	[tilespmem:s31], [sflag:$0x2] =	stream.linear.gather [spmem:s4], $0x2800, $0x38;
	[tilespmem:$0xEC00] =	vst v63  }
0x358: {  	_ =	swait.ge [sflag:s30], $0x2800  }
0x359: {  	[sflag:s30] =	ssyncset.done $0x0  }
0x35a: {  	v0 =	vimm.f32 $0.0e+00;
	s4 =	simm.s32 $0x76C0;
	[sflag:s30] =	ssyncadd.s32 $0xFFFFD800  }
0x35b: {  	[tilespmem:s4+$0xFFFFFFC0] =	vst v0  }
0x35c: {  	[tilespmem:s4+$0x30] =	vst v0  }
0x35d: {  	[tilespmem:s4+$0x20] =	vst v0  }
0x35e: {  	[tilespmem:s4+$0x10] =	vst v0  }
0x35f: {  	[tilespmem:s4+$0x0] =	vst v0  }
0x360: {  	[tilespmem:s4+$0xFFFFFFF0] =	vst v0  }
0x361: {  	s6 =	simm.s32 $0x0;
	[tilespmem:s4+$0xFFFFFFE0] =	vst v0  }
.LBB2_47:
0x362: {  	s6 =	sadd.s32 $0x8, s6;
	[tilespmem:s4+$0xFFFFFFD0] =	vst v0;
	s4 =	sadd.s32 $0x80, s4  }
0x363: {  	[tilespmem:s4+$0xFFFFFFC0] =	vst v0;
	p0 =	slt.u32 s6, $0x278  }
0x364: {  	[tilespmem:s4+$0x30] =	vst v0  }
.Ltmp23:
0x365: {  	[tilespmem:s4+$0x20] =	vst v0;
	(pc) =	sbr.rel @p0 .LBB2_47-.Ltmp23, $4  }
0x366: {  	[tilespmem:s4+$0x10] =	vst v0  }
0x367: {  	[tilespmem:s4+$0x0] =	vst v0  }
0x368: {  	[tilespmem:s4+$0xFFFFFFF0] =	vst v0  }
0x369: {  	[tilespmem:s4+$0xFFFFFFE0] =	vst v0  }
0x36a: {  	[tilespmem:s4+$0xFFFFFFD0] =	vst v0;
	s29 =	simm.s32 $0xE000;
	s30 =	simm.s32 $0x2  }
0x36b: {  	[spmem:s3] =	stream.linear.scatter [tilespmem:s29], [sflag:$0x2], $0x280, $0x38;
	[tilespmem:$0xEC00] =	vst v63  }
0x36c: {  	_ =	swait.ge [sflag:s30], $0x280  }
0x36d: {  	[sflag:s30] =	ssyncset.done $0x0  }
0x36e: {  	s31 =	simm.s32 $0x40;
	[sflag:s30] =	ssyncadd.s32 $0xFFFFFD80  }
0x36f: {  	v0 =	vld [tilespmem:s31+$0x30]  }
0x370: {  	v1 =	vld [tilespmem:s31+$0xFFFFFFD0]  }
0x371: {  	v2 =	vld [tilespmem:s31+$0xFFFFFFE0]  }
0x372: {  	v3 =	vld [tilespmem:s31+$0xFFFFFFF0]  }
0x373: {  	v4 =	vld [tilespmem:s31+$0x0]  }
0x374: {  	v5 =	vld [tilespmem:s31+$0x10];
	v6 =	vshrl.u32 v0, $0x10  }
0x375: {  	v10 =	vld [tilespmem:s31+$0x20];
	v7 =	vshrl.u32 v1, $0x10  }
0x376: {  	v9 =	vshrl.u32 v2, $0x10  }
0x377: {  	v8 =	vld [tilespmem:s31+$0xFFFFFFC0];
	v11 =	vshrl.u32 v3, $0x10  }
0x378: {  	s4 =	simm.s32 $0x4E80;
	v12 =	vshrl.u32 v4, $0x10  }
0x379: {  	v13 =	vshrl.u32 v5, $0x10;
	v6 =	vld.idx.msk [tilespmem:v6+s4+$0x0], $0xffff  }
0x37a: {  	v15 =	vshrl.u32 v10, $0x10;
	v7 =	vld.idx.msk [tilespmem:v7+s4+$0x0], $0xffff  }
0x37b: {  	v0 =	vand.u32 $0xFFFF, v0;
	v9 =	vld.idx.msk [tilespmem:v9+s4+$0x0], $0xffff  }
0x37c: {  	v14 =	vshrl.u32 v8, $0x10;
	v11 =	vld.idx.msk [tilespmem:v11+s4+$0x0], $0xffff  }
0x37d: {  	v1 =	vand.u32 $0xFFFF, v1;
	v12 =	vld.idx.msk [tilespmem:v12+s4+$0x0], $0xffff  }
0x37e: {  	v16 =	vand.u32 $0xFFFF, v2;
	v2 =	vld.idx.msk [tilespmem:v13+s4+$0x0], $0xffff  }
0x37f: {  	s6 =	simm.s32 $0x7680;
	v62 =	vand.u32 $0xFFFF, v3;
	v3 =	vld.idx.msk [tilespmem:v15+s4+$0x0], $0xffff  }
0x380: {  	[tilespmem:v0+s6+$0x0] =	vst.idx.add.f32.msk $0xffff, v6;
	v0 =	vand.u32 $0xFFFF, v4  }
0x381: {  	v63 =	vand.u32 $0xFFFF, v8;
	v4 =	vld.idx.msk [tilespmem:v14+s4+$0x0], $0xffff  }
0x382: {  	[tilespmem:v1+s6+$0x0] =	vst.idx.add.f32.msk $0xffff, v7  }
0x383: {  	[tilespmem:v16+s6+$0x0] =	vst.idx.add.f32.msk $0xffff, v9  }
0x384: {  	[tilespmem:v62+s6+$0x0] =	vst.idx.add.f32.msk $0xffff, v11  }
0x385: {  	[tilespmem:v0+s6+$0x0] =	vst.idx.add.f32.msk $0xffff, v12  }
0x386: {  	s7 =	simm.s32 $0x0;
	s8 =	simm.s32 $0xC0;
	v1 =	vand.u32 $0xFFFF, v10;
	v0 =	vand.u32 $0xFFFF, v5;
	[tilespmem:v63+s6+$0x0] =	vst.idx.add.f32.msk $0xffff, v4  }
.LBB2_49:
0x387: {  	v4 =	vld [tilespmem:s8+$0x30];
	s7 =	sadd.s32 $0x8, s7  }
0x388: {  	v5 =	vld [tilespmem:s8+$0xFFFFFFD0];
	p0 =	slt.u32 s7, $0x4D8  }
0x389: {  	v6 =	vld [tilespmem:s8+$0xFFFFFFE0]  }
0x38a: {  	v7 =	vld [tilespmem:s8+$0xFFFFFFF0]  }
0x38b: {  	v8 =	vld [tilespmem:s8+$0x0]  }
0x38c: {  	v9 =	vld [tilespmem:s8+$0x10];
	v10 =	vshrl.u32 v4, $0x10  }
0x38d: {  	v11 =	vshrl.u32 v5, $0x10;
	v5 =	vand.u32 $0xFFFF, v5;
	v12 =	vld [tilespmem:s8+$0x20]  }
0x38e: {  	v13 =	vld [tilespmem:s8+$0xFFFFFFC0];
	v14 =	vshrl.u32 v6, $0x10;
	v6 =	vand.u32 $0xFFFF, v6  }
0x38f: {  	v15 =	vshrl.u32 v7, $0x10;
	v7 =	vand.u32 $0xFFFF, v7;
	[tilespmem:v0+s6+$0x0] =	vst.idx.add.f32.msk $0xffff, v2  }
0x390: {  	v2 =	vshrl.u32 v8, $0x10;
	v8 =	vand.u32 $0xFFFF, v8;
	[tilespmem:v1+s6+$0x0] =	vst.idx.add.f32.msk $0xffff, v3  }
0x391: {  	v3 =	vshrl.u32 v9, $0x10;
	v0 =	vand.u32 $0xFFFF, v9;
	v9 =	vld.idx.msk [tilespmem:v10+s4+$0x0], $0xffff  }
0x392: {  	v4 =	vand.u32 $0xFFFF, v4;
	v10 =	vld.idx.msk [tilespmem:v11+s4+$0x0], $0xffff;
	v11 =	vshrl.u32 v12, $0x10;
	v1 =	vand.u32 $0xFFFF, v12  }
0x393: {  	v12 =	vshrl.u32 v13, $0x10;
	v13 =	vand.u32 $0xFFFF, v13;
	v14 =	vld.idx.msk [tilespmem:v14+s4+$0x0], $0xffff  }
0x394: {  	v15 =	vld.idx.msk [tilespmem:v15+s4+$0x0], $0xffff  }
0x395: {  	v16 =	vld.idx.msk [tilespmem:v2+s4+$0x0], $0xffff  }
0x396: {  	v2 =	vld.idx.msk [tilespmem:v3+s4+$0x0], $0xffff  }
0x397: {  	[tilespmem:v4+s6+$0x0] =	vst.idx.add.f32.msk $0xffff, v9  }
0x398: {  	v4 =	vld.idx.msk [tilespmem:v12+s4+$0x0], $0xffff  }
0x399: {  	v3 =	vld.idx.msk [tilespmem:v11+s4+$0x0], $0xffff  }
.Ltmp24:
0x39a: {  	[tilespmem:v5+s6+$0x0] =	vst.idx.add.f32.msk $0xffff, v10;
	(pc) =	sbr.rel @p0 .LBB2_49-.Ltmp24, $4  }
0x39b: {  	[tilespmem:v6+s6+$0x0] =	vst.idx.add.f32.msk $0xffff, v14  }
0x39c: {  	[tilespmem:v7+s6+$0x0] =	vst.idx.add.f32.msk $0xffff, v15  }
0x39d: {  	[tilespmem:v8+s6+$0x0] =	vst.idx.add.f32.msk $0xffff, v16  }
0x39e: {  	s8 =	sadd.s32 $0x80, s8;
	[tilespmem:v13+s6+$0x0] =	vst.idx.add.f32.msk $0xffff, v4  }
0x39f: {  	_ =	sdelay $0x3  }
0x3a0: {  	[tilespmem:v0+s6+$0x0] =	vst.idx.add.f32.msk $0xffff, v2  }
0x3a1: {  	[tilespmem:v1+s6+$0x0] =	vst.idx.add.f32.msk $0xffff, v3;
	s4 =	simm.s32 $0x0;
	s6 =	simm.s32 $0x4E80;
	s7 =	simm.s32 $0x7680  }
.LBB2_51:
0x3a2: {  	s8 =	sshra.s32 s4, $0x2  }
0x3a3: {  	v0 =	vld [tilespmem:s8+$0x4E00];
	_ =	sdelay $0x4  }
0x3a4: {  	v1 =	vshrl.u32 v0, $0x10;
	_ =	sdelay $0x4  }
0x3a5: {  	p0 =	sne.s32 s4, $0x40;
	v0 =	vand.u32 $0xFFFF, v0;
	v1 =	vld.idx.msk [tilespmem:v1+s6+$0x0], $0xffff  }
.Ltmp25:
0x3a6: {  	_ = 	snop;
	(pc) =	sbr.rel @p0 .LBB2_51-.Ltmp25, $2  }
0x3a7: {  	_ =	sdelay $0x2  }
0x3a8: {  	s4 =	sadd.s32 $0x40, s4;
	[tilespmem:v0+s7+$0x0] =	vst.idx.add.f32.msk $0xffff, v1  }
0x3a9: {  	[bflag:$0x0] =	sbarrier.arrive $0xFFFF;
	s4 =	simm.s32 $0x50  }
0x3aa: {  	s6 =	simm.s32 $0xE400;
	s7 =	simm.s32 $0x7680;
	s14 =	simm.s32 $0x2  }
0x3ab: {  	[spmem:s2] =	stream.indirect.scatter.add.f32 [tilespmem:s7], [sflag:$0x2], $0x80, s6, s4, $0xb8;
	[tilespmem:$0xEC00] =	vst v63  }
0x3ac: {  	_ =	swait.ge [sflag:s14], $0x2800  }
0x3ad: {  	[sflag:s14] =	ssyncset.done $0x0  }
0x3ae: {  	[sflag:s14] =	ssyncadd.s32 $0xFFFFD800  }
0x3af: {  	s15 =	simm.s32 $0xC680;
	[bflag:$0x0] =	sbarrier.arrive $0xFFFF  }
0x3b0: {  	[tilespmem:s15], [sflag:$0x2] =	stream.linear.gather [spmem:s3], $0x280, $0x38;
	[tilespmem:$0xEC00] =	vst v63  }
0x3b1: {  	_ =	swait.ge [sflag:s14], $0x280  }
0x3b2: {  	[sflag:s14] =	ssyncset.done $0x0  }
0x3b3: {  	s16 =	simm.s32 $0xC690;
	[sflag:s14] =	ssyncadd.s32 $0xFFFFFD80  }
0x3b4: {  	s17 =	simm.s32 $0xCA90;
	v0 =	vld [tilespmem:s16+$0x0]  }
0x3b5: {  	v1 =	vld [tilespmem:s17+$0x0]  }
0x3b6: {  	v2 =	vld [tilespmem:s16+$0xFFFFFFF0]  }
0x3b7: {  	v3 =	vld [tilespmem:s17+$0xFFFFFFF0]  }
0x3b8: {  	s18 =	simm.s32 $0x0;
	s19 =	simm.s32 $0xC6B0  }
0x3b9: {  	s21 =	simm.s32 $0x10;
	s22 =	simm.s32 $0xCAB0;
	s20 =	sand.u32 $0x380, s18;
	v4 =	vld [tilespmem:s19+$0x0]  }
0x3ba: {  	s6 =	sand.u32 $0x70, s21;
	s4 =	sadd.s32 $0xD980, s20;
	v5 =	vld [tilespmem:s22+$0x0];
	v6 =	vmul.f32 v0, v1  }
0x3bb: {  	s23 =	sor.u32 s6, s4;
	v9 =	vld [tilespmem:s22+$0xFFFFFFF0]  }
0x3bc: {  	s24 =	simm.s32 $0xCD10;
	s2 =	sand.u32 $0x60, s18;
	v1 =	vld [tilespmem:s19+$0xFFFFFFF0];
	v8 =	vmul.f32 v2, v3;
	[tilespmem:s23+$0x0] =	vst v6  }
0x3bd: {  	s25 =	simm.s32 $0xC6D0;
	s2 =	sor.u32 s2, s4;
	v10 =	vld [tilespmem:s24+$0x0]  }
0x3be: {  	s26 =	simm.s32 $0x20;
	v7 =	vld [tilespmem:s25+$0x0];
	[tilespmem:s2+$0x0] =	vst v8  }
0x3bf: {  	s29 =	simm.s32 $0x30;
	s28 =	sand.u32 $0x380, s26;
	v11 =	vld [tilespmem:s24+$0xFFFFFFF0]  }
0x3c0: {  	s7 =	sand.u32 $0x70, s29;
	s6 =	sadd.s32 $0xD980, s28;
	v0 =	vmul.f32 v4, v5;
	v3 =	vld [tilespmem:s25+$0xFFFFFFF0];
	s2 =	simm.s32 $0xCAD0  }
0x3c1: {  	s30 =	sand.u32 $0x60, s26;
	s31 =	sor.u32 s7, s6;
	v2 =	vld [tilespmem:s2+$0x0];
	v1 =	vmul.f32 v1, v9  }
0x3c2: {  	s6 =	sor.u32 s30, s6;
	s3 =	simm.s32 $0xCD30;
	[tilespmem:s31+$0x0] =	vst v0;
	v4 =	vld [tilespmem:s2+$0xFFFFFFF0];
	v9 =	vmul.f32 v10, v6  }
0x3c3: {  	s9 =	simm.s32 $0xDC10;
	s8 =	simm.s32 $0xC6F0;
	v5 =	vld [tilespmem:s3+$0x0];
	[tilespmem:s6+$0x0] =	vst v1  }
0x3c4: {  	s4 =	simm.s32 $0xDC30;
	s7 =	simm.s32 $0x4;
	s6 =	simm.s32 $0x40;
	v8 =	vmul.f32 v11, v8;
	v6 =	vld [tilespmem:s3+$0xFFFFFFF0];
	[tilespmem:s9+$0x0] =	vst v9  }
.LBB2_53:
0x3c5: {  	s10 =	sand.u32 $0x380, s6;
	s7 =	sadd.s32 $0x2, s7  }
0x3c6: {  	v9 =	vld [tilespmem:s8+$0x0];
	s11 =	sadd.s32 $0x10, s6;
	s2 =	sadd.s32 $0x20, s2;
	[tilespmem:s9+$0xFFFFFFF0] =	vst v8;
	p0 =	slt.u32 s7, $0x26  }
.Ltmp26:
0x3c7: {  	v7 =	vmul.f32 v7, v2;
	s9 =	sadd.s32 $0xD980, s10;
	s10 =	sand.u32 $0x70, s11;
	v2 =	vld [tilespmem:s2+$0x0];
	(pc) =	sbr.rel @p0 .LBB2_53-.Ltmp26, $4  }
0x3c8: {  	s11 =	sand.u32 $0x60, s6;
	v10 =	vmul.f32 v3, v4;
	v3 =	vld [tilespmem:s8+$0xFFFFFFF0];
	s10 =	sor.u32 s10, s9  }
0x3c9: {  	s3 =	sadd.s32 $0x20, s3;
	s9 =	sor.u32 s11, s9;
	v4 =	vld [tilespmem:s2+$0xFFFFFFF0];
	[tilespmem:s10+$0x0] =	vst v7;
	v11 =	vmul.f32 v5, v0;
	v0 =	vmov v7  }
0x3ca: {  	[tilespmem:s9+$0x0] =	vst v10;
	v5 =	vld [tilespmem:s3+$0x0];
	v8 =	vmul.f32 v6, v1;
	v1 =	vmov v10;
	s9 =	smov.u32 s4  }
0x3cb: {  	s6 =	sadd.s32 $0x20, s6;
	s8 =	sadd.s32 $0x20, s8;
	s4 =	sadd.s32 $0x20, s4;
	v6 =	vld [tilespmem:s3+$0xFFFFFFF0];
	[tilespmem:s9+$0x0] =	vst v11;
	v7 =	vmov v9  }
0x3cc: {  	s2 =	sand.u32 $0x380, s6;
	s7 =	sadd.s32 $0x10, s6  }
0x3cd: {  	v2 =	vmul.f32 v7, v2;
	s2 =	sadd.s32 $0xD980, s2;
	s7 =	sand.u32 $0x70, s7  }
0x3ce: {  	s25 =	sand.u32 $0x60, s6;
	v3 =	vmul.f32 v3, v4;
	s7 =	sor.u32 s7, s2  }
0x3cf: {  	s3 =	sadd.s32 $0x20, s3;
	s2 =	sor.u32 s25, s2;
	[tilespmem:s7+$0x0] =	vst v2  }
0x3d0: {  	[tilespmem:s2+$0x0] =	vst v3;
	v60 =	vld [tilespmem:s3+$0x0]  }
0x3d1: {  	v61 =	vld [tilespmem:s3+$0xFFFFFFF0];
	_ =	sdelay $0x1  }
0x3d2: {  	v0 =	vmul.f32 v5, v0  }
0x3d3: {  	[tilespmem:s9+$0xFFFFFFF0] =	vst v8;
	v1 =	vmul.f32 v6, v1  }
0x3d4: {  	[tilespmem:s4+$0x0] =	vst v0;
	v62 =	vmul.f32 v60, v2  }
0x3d5: {  	s26 =	sadd.s32 $0x20, s4;
	[tilespmem:s4+$0xFFFFFFF0] =	vst v1;
	v63 =	vmul.f32 v61, v3  }
0x3d6: {  	s28 =	sadd.s32 $0x1400, s5;
	[tilespmem:s26+$0x0] =	vst v62  }
0x3d7: {  	s29 =	simm.s32 $0x0;
	s30 =	simm.s32 $0xD980;
	s31 =	simm.s32 $0x1;
	[tilespmem:s26+$0xFFFFFFF0] =	vst v63  }
0x3d8: {  	[hbm4b:s28+s29] =	stream.linear.scatter [tilespmem:s30], [sflag:$0x1], $0x280, $0x38;
	[tilespmem:$0xEC00] =	vst v63  }
0x3d9: {  	_ =	swait.ge [sflag:s31], $0x280  }
0x3da: {  	[sflag:s31] =	ssyncset.done $0x0  }
0x3db: {  	[sflag:s31] =	ssyncadd.s32 $0xFFFFFD80  }
0x3dc: {  	_ =	swait.ge [sflag:s31], $0x280  }
0x3dd: {  	[sflag:s31] =	ssyncset.done $0x0  }
0x3de: {  	[sflag:s31] =	ssyncadd.s32 $0xFFFFFD80  }
0x3df: {  	_ =	swait.ge [sflag:s31], $0x280  }
0x3e0: {  	[sflag:s31] =	ssyncset.done $0x0  }
0x3e1: {  	[sflag:s31] =	ssyncadd.s32 $0xFFFFFD80  }
0x3e2: {  	_ =	swait.ge [sflag:s31], $0x280  }
0x3e3: {  	[sflag:s31] =	ssyncset.done $0x0  }
0x3e4: {  	[sflag:s31] =	ssyncadd.s32 $0xFFFFFD80  }
0x3e5: {  	_ =	swait.ge [sflag:s31], $0x280  }
0x3e6: {  	[sflag:s31] =	ssyncset.done $0x0  }
0x3e7: {  	[sflag:s31] =	ssyncadd.s32 $0xFFFFFD80  }
0x3e8: {  	_ =	sfence.sel $0x180000  }
0x3e9: {  	[bflag:$0x0] =	sbarrier.arrive $0xFFFF  }
0x3ea: {  	p0 =	sne.s32 s0, $0x0;
	_ =	strace $0x90000047  }
0x3eb: {  	s0 =	sadd.s32 @!p0 $0x100000, s1;
	[bflag:$0x2] =	sbarrier.arrive $0xFFFF  }
0x3ec: {  	[sflag:s0] =	ssyncadd.tile.s32 @!p0 $0x1;
	_ =	shalt  }
.Lfunc_end2:
_tile_overlayer_lowered:
.L_overlay_start_2:
0x3ed: {  	(tag) =	ssettag $0x2  }
0x3ee: {  	s0 =	rddreg [dreg:$0x0];
	s2 =	stileid.u32  }
0x3ef: {  	s1 =	rddreg [dreg:$0x1];
	p0 =	sne.s32 s2, $0x0  }
0x3f0: {  	s3 =	rddreg [dreg:$0x2];
	[bflag:$0x3] =	sbarrier.arrive $0xFFFF;
	s2 =	simm.s32 @!p0 $0x1C02  }
0x3f1: {  	[timem:s3], [sflag:s2] =	dma.local @!p0 [hbm:s0], s1  }
0x3f2: {  	s0 =	simm.s32 @!p0 $0x2  }
0x3f3: {  	_ =	swait.ge @!p0 [sflag:s0], s1  }
0x3f4: {  	s1 =	ssub.s32 @!p0 $0x0, s1;
	[sflag:s0] =	ssyncset.done @!p0 $0x0  }
0x3f5: {  	[sflag:s0] =	ssyncadd.s32 @!p0 s1  }
0x3f6: {  	[bflag:$0x3] =	sbarrier.arrive $0xFFFF  }
0x3f7: {  	_ =	shalt  }

</sc_bundles>
